<compile_context>
chip_gen: v7x
topology: tpu7x:2x2x1
jax: 0.10.2.dev20260603
libtpu: 0.0.44.dev20260713+nightly
codegen_flags: <defaults>
</compile_context>

<pallas_src>
import functools

import jax
import jax.numpy as jnp
from jax import lax
from jax.experimental import pallas as pl
from jax.experimental.pallas import tpu as pltpu
from jax.experimental.pallas import tpu_sc as plsc

N = 10000
E = 640000
D_IN = 128
D_H = 64

NC = 2
NS = 16
NW = NC * NS
B = 80
CPW = E // (NW * B)
NPAD = 10240
RPS = NPAD // NS
CNTW = 16

_f32 = jnp.float32

_MESH = plsc.VectorSubcoreMesh(core_axis_name="c", subcore_axis_name="s")
_SC_PARAMS = pltpu.CompilerParams(use_tc_tiling_on_sc=False)


def _zero_rows(ref, rows, width):
    zero16 = jnp.zeros((16,), _f32)

    def zrow(r, _):
        for k in range(width // 16):
            ref[r, pl.ds(k * 16, 16)] = zero16
        return 0

    lax.fori_loop(0, rows, zrow, 0)


NBUF = 5
GROUPS = CPW // NBUF


EPW = E // NW


def _make_seg_sum(with_counts):
    def body(rows_hbm, edge_hbm, *rest):
        if with_counts:
            (out_sum, out_cnt, acc_sh, cnt_sh, src_v, dst_v, gath_v, zbuf_v,
             ones_v, zcnt_v, csem, *gsem) = rest
        else:
            out_sum, acc_sh, src_v, dst_v, gath_v, zbuf_v, *gsem = rest

        c = lax.axis_index("c")
        s = lax.axis_index("s")
        wid = s * NC + c

        _zero_rows(zbuf_v, RPS // 4, D_H)
        for q in range(4):
            pltpu.sync_copy(zbuf_v, acc_sh.at[pl.ds(s * RPS + q * (RPS // 4),
                                                    RPS // 4)])
        if with_counts:
            _zero_rows(zcnt_v, RPS // 4, CNTW)
            one16 = jnp.ones((16,), _f32)

            def orow(r, _):
                ones_v[r, pl.ds(0, CNTW)] = one16
                return 0

            lax.fori_loop(0, B, orow, 0)
            for q in range(4):
                pltpu.sync_copy(zcnt_v,
                                cnt_sh.at[pl.ds(s * RPS + q * (RPS // 4),
                                                RPS // 4)])

        pltpu.sync_copy(edge_hbm.at[0, pl.ds(wid * EPW, EPW)], src_v)
        pltpu.sync_copy(edge_hbm.at[1, pl.ds(wid * EPW, EPW)], dst_v)

        plsc.subcore_barrier()

        def gather(chunk, b):
            pltpu.async_copy(rows_hbm.at[src_v.at[pl.ds(chunk * B, B)]],
                             gath_v.at[b], gsem[b])

        def gwait(b):
            pltpu.make_async_copy(rows_hbm.at[src_v.at[pl.ds(0, B)]],
                                  gath_v.at[b], gsem[b]).wait()

        def scatter(chunk, b):
            pltpu.sync_copy(gath_v.at[b],
                            acc_sh.at[dst_v.at[pl.ds(chunk * B, B)]],
                            add=True)

        def cscatter(chunk):
            pltpu.async_copy(ones_v,
                             cnt_sh.at[dst_v.at[pl.ds(chunk * B, B)]], csem,
                             add=True)

        def cwait():
            pltpu.make_async_copy(ones_v, cnt_sh.at[dst_v.at[pl.ds(0, B)]],
                                  csem).wait()

        for b in range(NBUF):
            gather(b, b)

        def group(g, _):
            for b in range(NBUF):
                chunk = g * NBUF + b
                gwait(b)
                if with_counts:
                    @pl.when(chunk > 0)
                    def _():
                        cwait()
                    cscatter(chunk)
                scatter(chunk, b)
                gather(chunk + NBUF, b)
            return 0

        lax.fori_loop(0, GROUPS - 1, group, 0)

        for b in range(NBUF):
            chunk = (GROUPS - 1) * NBUF + b
            gwait(b)
            if with_counts:
                cwait()
                cscatter(chunk)
            scatter(chunk, b)
        if with_counts:
            cwait()

        plsc.subcore_barrier()

        for q in range(4):
            base = s * RPS + q * (RPS // 4)
            pltpu.sync_copy(acc_sh.at[pl.ds(base, RPS // 4)], zbuf_v)
            pltpu.sync_copy(zbuf_v, out_sum.at[c, pl.ds(base, RPS // 4)])
        if with_counts:
            for q in range(4):
                base = s * RPS + q * (RPS // 4)
                pltpu.sync_copy(cnt_sh.at[pl.ds(base, RPS // 4)], zcnt_v)
                pltpu.sync_copy(zcnt_v, out_cnt.at[c, pl.ds(base, RPS // 4)])

    out_type = [pltpu.HBM((NC, NPAD, D_H), _f32)]
    scratch = [
        pltpu.VMEM_SHARED((NPAD, D_H), _f32),
    ]
    if with_counts:
        out_type.append(pltpu.HBM((NC, NPAD, CNTW), _f32))
        scratch.append(pltpu.VMEM_SHARED((NPAD, CNTW), _f32))
    scratch += [
        pltpu.VMEM((EPW,), jnp.int32),
        pltpu.VMEM((EPW,), jnp.int32),
        pltpu.VMEM((NBUF, B, D_H), _f32),
        pltpu.VMEM((RPS // 4, D_H), _f32),
    ]
    if with_counts:
        scratch += [
            pltpu.VMEM((B, CNTW), _f32),
            pltpu.VMEM((RPS // 4, CNTW), _f32),
            pltpu.SemaphoreType.DMA,
        ]
    scratch += [pltpu.SemaphoreType.DMA] * NBUF

    return pl.kernel(body, mesh=_MESH, out_type=out_type,
                     scratch_types=scratch, compiler_params=_SC_PARAMS)


_seg_sum_counts = _make_seg_sum(True)
_seg_sum_plain = _make_seg_sum(False)


def _dot_t(a, w):
    return lax.dot_general(a, w, (((1,), (1,)), ((), ())),
                           preferred_element_type=_f32)


def _dense_in_body(x_ref, wl_ref, wr_ref, b_ref, xl_ref, sf_ref):
    x = x_ref[...]
    xl_ref[...] = _dot_t(x, wl_ref[...])
    sf_ref[...] = _dot_t(x, wr_ref[...]) + b_ref[...]


_dense_in = pl.pallas_call(
    _dense_in_body,
    out_shape=(jax.ShapeDtypeStruct((N, D_H), _f32),
               jax.ShapeDtypeStruct((N, D_H), _f32)),
)


def _mid_body(p_ref, c_ref, sf_ref, wl_ref, wr_ref, b_ref, hl_ref, sf2_ref):
    ssum = p_ref[0, :N, :] + p_ref[1, :N, :]
    cnt = c_ref[0, :N, 0:1] + c_ref[1, :N, 0:1]
    h = jnp.maximum(ssum / jnp.maximum(cnt, 1.0) + sf_ref[...], 0.0)
    hl_ref[...] = _dot_t(h, wl_ref[...])
    sf2_ref[...] = _dot_t(h, wr_ref[...]) + b_ref[...]


_mid = pl.pallas_call(
    _mid_body,
    out_shape=(jax.ShapeDtypeStruct((N, D_H), _f32),
               jax.ShapeDtypeStruct((N, D_H), _f32)),
)


def _final_body(p_ref, c_ref, sf_ref, wo_ref, bo_ref, out_ref):
    ssum = p_ref[0, :N, :] + p_ref[1, :N, :]
    cnt = c_ref[0, :N, 0:1] + c_ref[1, :N, 0:1]
    h = jnp.maximum(ssum / jnp.maximum(cnt, 1.0) + sf_ref[...], 0.0)
    out_ref[...] = _dot_t(h, wo_ref[...]) + bo_ref[...]


_final = pl.pallas_call(
    _final_body,
    out_shape=jax.ShapeDtypeStruct((N, 2), _f32),
)


def kernel(x, edge_index, W1l, b1l, W1r, W2l, b2l, W2r, Wout, bout):
    xl, sf1 = _dense_in(x, W1l, W1r, b1l.reshape(1, D_H))
    psum1, pcnt = _seg_sum_counts(xl, edge_index)
    hl, sf2 = _mid(psum1, pcnt, sf1, W2l, W2r, b2l.reshape(1, D_H))
    psum2, = _seg_sum_plain(hl, edge_index)
    return _final(psum2, pcnt, sf2, Wout, bout.reshape(1, 2))

# --- scband reference (transcript-rebuilt; emitter-appended) ---
"""Pipeline reference for scband-fraud-graph-sage-74972949119163 (READ-ONLY COPY).

The authoritative reference and input builder live on the scoring server;
editing this copy changes nothing except your own understanding.
"""

import jax, jax.numpy as jnp
import numpy as np

N = 10000
E = 640000
D_IN = 128
D_H = 64
D_OUT = 2


def setup_inputs(seed: int = 0) -> dict:
    key = jax.random.key(seed)
    ks = jax.random.split(key, 12)
    x = jax.random.normal(ks[0], (N, D_IN), dtype=jnp.float32)
    edge_index = jax.random.randint(ks[1], (2, E), 0, N, dtype=jnp.int32)
    s1 = 1.0 / np.sqrt(D_IN)
    s2 = 1.0 / np.sqrt(D_H)
    W1l = jax.random.normal(ks[2], (D_H, D_IN), dtype=jnp.float32) * s1
    b1l = jnp.zeros((D_H,), dtype=jnp.float32)
    W1r = jax.random.normal(ks[3], (D_H, D_IN), dtype=jnp.float32) * s1
    W2l = jax.random.normal(ks[4], (D_H, D_H), dtype=jnp.float32) * s2
    b2l = jnp.zeros((D_H,), dtype=jnp.float32)
    W2r = jax.random.normal(ks[5], (D_H, D_H), dtype=jnp.float32) * s2
    Wout = jax.random.normal(ks[6], (D_OUT, D_H), dtype=jnp.float32) * s2
    bout = jnp.zeros((D_OUT,), dtype=jnp.float32)
    return {"x": x, "edge_index": edge_index, "W1l": W1l, "b1l": b1l, "W1r": W1r,
            "W2l": W2l, "b2l": b2l, "W2r": W2r, "Wout": Wout, "bout": bout}


def _mean_aggr(x, src, dst):
    # PyG message passing: x_j = x[src], aggregated (mean) at dst
    msgs = jnp.take(x, src, axis=0)
    summed = jax.ops.segment_sum(msgs, dst, num_segments=N)
    cnt = jax.ops.segment_sum(jnp.ones((src.shape[0],), dtype=x.dtype), dst, num_segments=N)
    return summed / jnp.clip(cnt, 1.0)[:, None]


def _sage_conv(x, src, dst, Wl, bl, Wr):
    # PyG SAGEConv(aggr='mean'): out = lin_l(mean_j x_j) + lin_r(x)
    agg = _mean_aggr(x, src, dst)
    return agg @ Wl.T + bl + x @ Wr.T


def reference(x, edge_index, W1l, b1l, W1r, W2l, b2l, W2r, Wout, bout):
    src = edge_index[0]
    dst = edge_index[1]
    h = _sage_conv(x, src, dst, W1l, b1l, W1r)
    h = jax.nn.relu(h)
    # dropout(p=0.3) is identity in eval mode
    h = _sage_conv(h, src, dst, W2l, b2l, W2r)
    h = jax.nn.relu(h)
    return h @ Wout.T + bout

if __name__ == "__main__":
    import jax
    _d = setup_inputs()
    print(jax.jit(kernel)(*tuple(_d.values())))

</pallas_src>

<mosaic_0001>
#map = affine_map<(d0, d1) -> (0, 0)>
#map1 = affine_map<(d0, d1) -> (0, 0, 0)>
module attributes {stable_mosaic.version = 14 : i64} {
  func.func @body(%arg0: i32, %arg1: i32, %arg2: memref<10000x64xf32, #tpu.memory_space<hbm>>, %arg3: memref<2x640000xi32, #tpu.memory_space<hbm>>, %arg4: memref<2x10240x64xf32, #tpu.memory_space<hbm>>, %arg5: memref<10240x64xf32, #tpu.memory_space<vmem_shared>>, %arg6: memref<20000xi32, #tpu.memory_space<vmem>>, %arg7: memref<20000xi32, #tpu.memory_space<vmem>>, %arg8: memref<5x80x64xf32, #tpu.memory_space<vmem>>, %arg9: memref<160x64xf32, #tpu.memory_space<vmem>>, %arg10: memref<!tpu.dma_semaphore, #tpu.memory_space<semaphore_mem>>, %arg11: memref<!tpu.dma_semaphore, #tpu.memory_space<semaphore_mem>>, %arg12: memref<!tpu.dma_semaphore, #tpu.memory_space<semaphore_mem>>, %arg13: memref<!tpu.dma_semaphore, #tpu.memory_space<semaphore_mem>>, %arg14: memref<!tpu.dma_semaphore, #tpu.memory_space<semaphore_mem>>) attributes {dimension_semantics = [#tpu.dimension_semantics<core_parallel>, #tpu.dimension_semantics<subcore_parallel>], iteration_bounds = array<i64: 2, 16>, scalar_prefetch = 0 : i64, scratch_operands = 10 : i64, tpu.core_type = #tpu.core_type<sc_vector_subcore>, window_params = [{transform_indices = #map}, {transform_indices = #map}, {transform_indices = #map1}]} {
    %mul3A = arith.constant 2 : i32
    %mul3A_0 = arith.muli %arg1, %mul3A : i32
    %add3A = arith.addi %mul3A_0, %arg0 : i32
    %broadcast_in_dim3A = arith.constant 0.000000e+00 : f32
    %broadcast_in_dim3A_1 = vector.broadcast %broadcast_in_dim3A : f32 to vector<16xf32>
    %scan3A = arith.constant 0 : i32
    %scan3A_2 = arith.constant 0 : i32
    %scan3A_3 = arith.constant 160 : i32
    %scan3A_4 = arith.addi %scan3A_2, %scan3A_3 : i32
    %scan3A_5 = arith.constant 1 : i32
    %scan3A_6 = scf.for %scan3A_156 = %scan3A_2 to %scan3A_4 step %scan3A_5 iter_args(%scan3A_157 = %scan3A) -> (i32)  : i32 {
      %swap3A = arith.index_cast %scan3A_156 : i32 to index
      %swap3A_158 = arith.constant 0 : index
      %swap3A_159 = tpu.vector_load %arg9[%swap3A, %swap3A_158] {strides = array<i32>} : memref<160x64xf32, #tpu.memory_space<vmem>>, vector<1x16xf32>,
      %swap3A_160 = vector.shape_cast %swap3A_159 : vector<1x16xf32> to vector<16xf32>
      %swap3A_161 = vector.shape_cast %broadcast_in_dim3A_1 : vector<16xf32> to vector<1x16xf32>
      tpu.vector_store %arg9[%swap3A, %swap3A_158], %swap3A_161 {strides = array<i32>} : memref<160x64xf32, #tpu.memory_space<vmem>>, vector<1x16xf32>,
      %swap3A_162 = arith.index_cast %scan3A_156 : i32 to index
      %swap3A_163 = arith.constant 16 : index
      %swap3A_164 = tpu.vector_load %arg9[%swap3A_162, %swap3A_163] {strides = array<i32>} : memref<160x64xf32, #tpu.memory_space<vmem>>, vector<1x16xf32>,
      %swap3A_165 = vector.shape_cast %swap3A_164 : vector<1x16xf32> to vector<16xf32>
      %swap3A_166 = vector.shape_cast %broadcast_in_dim3A_1 : vector<16xf32> to vector<1x16xf32>
      tpu.vector_store %arg9[%swap3A_162, %swap3A_163], %swap3A_166 {strides = array<i32>} : memref<160x64xf32, #tpu.memory_space<vmem>>, vector<1x16xf32>,
      %swap3A_167 = arith.index_cast %scan3A_156 : i32 to index
      %swap3A_168 = arith.constant 32 : index
      %swap3A_169 = tpu.vector_load %arg9[%swap3A_167, %swap3A_168] {strides = array<i32>} : memref<160x64xf32, #tpu.memory_space<vmem>>, vector<1x16xf32>,
      %swap3A_170 = vector.shape_cast %swap3A_169 : vector<1x16xf32> to vector<16xf32>
      %swap3A_171 = vector.shape_cast %broadcast_in_dim3A_1 : vector<16xf32> to vector<1x16xf32>
      tpu.vector_store %arg9[%swap3A_167, %swap3A_168], %swap3A_171 {strides = array<i32>} : memref<160x64xf32, #tpu.memory_space<vmem>>, vector<1x16xf32>,
      %swap3A_172 = arith.index_cast %scan3A_156 : i32 to index
      %swap3A_173 = arith.constant 48 : index
      %swap3A_174 = tpu.vector_load %arg9[%swap3A_172, %swap3A_173] {strides = array<i32>} : memref<160x64xf32, #tpu.memory_space<vmem>>, vector<1x16xf32>,
      %swap3A_175 = vector.shape_cast %swap3A_174 : vector<1x16xf32> to vector<16xf32>
      %swap3A_176 = vector.shape_cast %broadcast_in_dim3A_1 : vector<16xf32> to vector<1x16xf32>
      tpu.vector_store %arg9[%swap3A_172, %swap3A_173], %swap3A_176 {strides = array<i32>} : memref<160x64xf32, #tpu.memory_space<vmem>>, vector<1x16xf32>,
      %scan3A_177 = arith.constant 0 : i32
      scf.yield %scan3A_177 : i32
    }
    %scan3A_7 = arith.constant 160 : i32
    %mul3A_8 = arith.constant 640 : i32
    %mul3A_9 = arith.muli %arg1, %mul3A_8 : i32
    %add3A_10 = arith.constant 0 : i32
    %add3A_11 = arith.addi %mul3A_9, %add3A_10 : i32
    "tpu.region"() ({
      %run_scoped3A_156 = tpu.sem_alloc : memref<!tpu.dma_semaphore, #tpu.memory_space<semaphore_mem>>
      %dma_start3A_157 = arith.constant 0 : i32
      %dma_start3A_158 = tpu.memref_slice %arg5[%add3A_11, %dma_start3A_157] : memref<10240x64xf32, #tpu.memory_space<vmem_shared>> -> memref<160x64xf32, #tpu.memory_space<vmem_shared>>
      %dma_start3A_159 = arith.constant 0 : i32
      %dma_start3A_160 = tpu.memref_slice %arg5[%add3A_11, %dma_start3A_159] : memref<10240x64xf32, #tpu.memory_space<vmem_shared>> -> memref<160x64xf32, #tpu.memory_space<vmem_shared>>
      tpu.enqueue_dma source(%arg9 : memref<160x64xf32, #tpu.memory_space<vmem>>) target(%dma_start3A_160 : memref<160x64xf32, #tpu.memory_space<vmem_shared>>) target_semaphore(%run_scoped3A_156 : memref<!tpu.dma_semaphore, #tpu.memory_space<semaphore_mem>>)
      %dma_wait3A_161 = arith.constant 0 : i32
      %dma_wait3A_162 = tpu.memref_slice %arg5[%add3A_11, %dma_wait3A_161] : memref<10240x64xf32, #tpu.memory_space<vmem_shared>> -> memref<160x64xf32, #tpu.memory_space<vmem_shared>>
      %dma_wait3A_163 = arith.constant 0 : i32
      %dma_wait3A_164 = tpu.memref_slice %arg5[%add3A_11, %dma_wait3A_163] : memref<10240x64xf32, #tpu.memory_space<vmem_shared>> -> memref<160x64xf32, #tpu.memory_space<vmem_shared>>
      tpu.wait_dma2 semaphore(%run_scoped3A_156 : memref<!tpu.dma_semaphore, #tpu.memory_space<semaphore_mem>>) src(%arg9 : memref<160x64xf32, #tpu.memory_space<vmem>>) dst(%dma_wait3A_164 : memref<160x64xf32, #tpu.memory_space<vmem_shared>>)
      tpu.yield
    }) : () -> ()
    %mul3A_12 = arith.constant 640 : i32
    %mul3A_13 = arith.muli %arg1, %mul3A_12 : i32
    %add3A_14 = arith.constant 160 : i32
    %add3A_15 = arith.addi %mul3A_13, %add3A_14 : i32
    "tpu.region"() ({
      %run_scoped3A_156 = tpu.sem_alloc : memref<!tpu.dma_semaphore, #tpu.memory_space<semaphore_mem>>
      %dma_start3A_157 = arith.constant 0 : i32
      %dma_start3A_158 = tpu.memref_slice %arg5[%add3A_15, %dma_start3A_157] : memref<10240x64xf32, #tpu.memory_space<vmem_shared>> -> memref<160x64xf32, #tpu.memory_space<vmem_shared>>
      %dma_start3A_159 = arith.constant 0 : i32
      %dma_start3A_160 = tpu.memref_slice %arg5[%add3A_15, %dma_start3A_159] : memref<10240x64xf32, #tpu.memory_space<vmem_shared>> -> memref<160x64xf32, #tpu.memory_space<vmem_shared>>
      tpu.enqueue_dma source(%arg9 : memref<160x64xf32, #tpu.memory_space<vmem>>) target(%dma_start3A_160 : memref<160x64xf32, #tpu.memory_space<vmem_shared>>) target_semaphore(%run_scoped3A_156 : memref<!tpu.dma_semaphore, #tpu.memory_space<semaphore_mem>>)
      %dma_wait3A_161 = arith.constant 0 : i32
      %dma_wait3A_162 = tpu.memref_slice %arg5[%add3A_15, %dma_wait3A_161] : memref<10240x64xf32, #tpu.memory_space<vmem_shared>> -> memref<160x64xf32, #tpu.memory_space<vmem_shared>>
      %dma_wait3A_163 = arith.constant 0 : i32
      %dma_wait3A_164 = tpu.memref_slice %arg5[%add3A_15, %dma_wait3A_163] : memref<10240x64xf32, #tpu.memory_space<vmem_shared>> -> memref<160x64xf32, #tpu.memory_space<vmem_shared>>
      tpu.wait_dma2 semaphore(%run_scoped3A_156 : memref<!tpu.dma_semaphore, #tpu.memory_space<semaphore_mem>>) src(%arg9 : memref<160x64xf32, #tpu.memory_space<vmem>>) dst(%dma_wait3A_164 : memref<160x64xf32, #tpu.memory_space<vmem_shared>>)
      tpu.yield
    }) : () -> ()
    %mul3A_16 = arith.constant 640 : i32
    %mul3A_17 = arith.muli %arg1, %mul3A_16 : i32
    %add3A_18 = arith.constant 320 : i32
    %add3A_19 = arith.addi %mul3A_17, %add3A_18 : i32
    "tpu.region"() ({
      %run_scoped3A_156 = tpu.sem_alloc : memref<!tpu.dma_semaphore, #tpu.memory_space<semaphore_mem>>
      %dma_start3A_157 = arith.constant 0 : i32
      %dma_start3A_158 = tpu.memref_slice %arg5[%add3A_19, %dma_start3A_157] : memref<10240x64xf32, #tpu.memory_space<vmem_shared>> -> memref<160x64xf32, #tpu.memory_space<vmem_shared>>
      %dma_start3A_159 = arith.constant 0 : i32
      %dma_start3A_160 = tpu.memref_slice %arg5[%add3A_19, %dma_start3A_159] : memref<10240x64xf32, #tpu.memory_space<vmem_shared>> -> memref<160x64xf32, #tpu.memory_space<vmem_shared>>
      tpu.enqueue_dma source(%arg9 : memref<160x64xf32, #tpu.memory_space<vmem>>) target(%dma_start3A_160 : memref<160x64xf32, #tpu.memory_space<vmem_shared>>) target_semaphore(%run_scoped3A_156 : memref<!tpu.dma_semaphore, #tpu.memory_space<semaphore_mem>>)
      %dma_wait3A_161 = arith.constant 0 : i32
      %dma_wait3A_162 = tpu.memref_slice %arg5[%add3A_19, %dma_wait3A_161] : memref<10240x64xf32, #tpu.memory_space<vmem_shared>> -> memref<160x64xf32, #tpu.memory_space<vmem_shared>>
      %dma_wait3A_163 = arith.constant 0 : i32
      %dma_wait3A_164 = tpu.memref_slice %arg5[%add3A_19, %dma_wait3A_163] : memref<10240x64xf32, #tpu.memory_space<vmem_shared>> -> memref<160x64xf32, #tpu.memory_space<vmem_shared>>
      tpu.wait_dma2 semaphore(%run_scoped3A_156 : memref<!tpu.dma_semaphore, #tpu.memory_space<semaphore_mem>>) src(%arg9 : memref<160x64xf32, #tpu.memory_space<vmem>>) dst(%dma_wait3A_164 : memref<160x64xf32, #tpu.memory_space<vmem_shared>>)
      tpu.yield
    }) : () -> ()
    %mul3A_20 = arith.constant 640 : i32
    %mul3A_21 = arith.muli %arg1, %mul3A_20 : i32
    %add3A_22 = arith.constant 480 : i32
    %add3A_23 = arith.addi %mul3A_21, %add3A_22 : i32
    "tpu.region"() ({
      %run_scoped3A_156 = tpu.sem_alloc : memref<!tpu.dma_semaphore, #tpu.memory_space<semaphore_mem>>
      %dma_start3A_157 = arith.constant 0 : i32
      %dma_start3A_158 = tpu.memref_slice %arg5[%add3A_23, %dma_start3A_157] : memref<10240x64xf32, #tpu.memory_space<vmem_shared>> -> memref<160x64xf32, #tpu.memory_space<vmem_shared>>
      %dma_start3A_159 = arith.constant 0 : i32
      %dma_start3A_160 = tpu.memref_slice %arg5[%add3A_23, %dma_start3A_159] : memref<10240x64xf32, #tpu.memory_space<vmem_shared>> -> memref<160x64xf32, #tpu.memory_space<vmem_shared>>
      tpu.enqueue_dma source(%arg9 : memref<160x64xf32, #tpu.memory_space<vmem>>) target(%dma_start3A_160 : memref<160x64xf32, #tpu.memory_space<vmem_shared>>) target_semaphore(%run_scoped3A_156 : memref<!tpu.dma_semaphore, #tpu.memory_space<semaphore_mem>>)
      %dma_wait3A_161 = arith.constant 0 : i32
      %dma_wait3A_162 = tpu.memref_slice %arg5[%add3A_23, %dma_wait3A_161] : memref<10240x64xf32, #tpu.memory_space<vmem_shared>> -> memref<160x64xf32, #tpu.memory_space<vmem_shared>>
      %dma_wait3A_163 = arith.constant 0 : i32
      %dma_wait3A_164 = tpu.memref_slice %arg5[%add3A_23, %dma_wait3A_163] : memref<10240x64xf32, #tpu.memory_space<vmem_shared>> -> memref<160x64xf32, #tpu.memory_space<vmem_shared>>
      tpu.wait_dma2 semaphore(%run_scoped3A_156 : memref<!tpu.dma_semaphore, #tpu.memory_space<semaphore_mem>>) src(%arg9 : memref<160x64xf32, #tpu.memory_space<vmem>>) dst(%dma_wait3A_164 : memref<160x64xf32, #tpu.memory_space<vmem_shared>>)
      tpu.yield
    }) : () -> ()
    %mul3A_24 = arith.constant 20000 : i32
    %mul3A_25 = arith.muli %add3A, %mul3A_24 : i32
    %run_scoped3A = arith.constant 0 : i32
    "tpu.region"() ({
      %run_scoped3A_156 = tpu.sem_alloc : memref<!tpu.dma_semaphore, #tpu.memory_space<semaphore_mem>>
      %dma_start3A_157 = tpu.memref_slice %arg3[%run_scoped3A, %mul3A_25] : memref<2x640000xi32, #tpu.memory_space<hbm>> -> memref<1x20000xi32, #tpu.memory_space<hbm>>
      %dma_start3A_158 = tpu.memref_squeeze %dma_start3A_157 : memref<1x20000xi32, #tpu.memory_space<hbm>> -> memref<20000xi32, #tpu.memory_space<hbm>>
      %dma_start3A_159 = tpu.memref_slice %arg3[%run_scoped3A, %mul3A_25] : memref<2x640000xi32, #tpu.memory_space<hbm>> -> memref<1x20000xi32, #tpu.memory_space<hbm>>
      %dma_start3A_160 = tpu.memref_squeeze %dma_start3A_159 : memref<1x20000xi32, #tpu.memory_space<hbm>> -> memref<20000xi32, #tpu.memory_space<hbm>>
      tpu.enqueue_dma source(%dma_start3A_160 : memref<20000xi32, #tpu.memory_space<hbm>>) target(%arg6 : memref<20000xi32, #tpu.memory_space<vmem>>) target_semaphore(%run_scoped3A_156 : memref<!tpu.dma_semaphore, #tpu.memory_space<semaphore_mem>>)
      %dma_wait3A_161 = tpu.memref_slice %arg3[%run_scoped3A, %mul3A_25] : memref<2x640000xi32, #tpu.memory_space<hbm>> -> memref<1x20000xi32, #tpu.memory_space<hbm>>
      %dma_wait3A_162 = tpu.memref_squeeze %dma_wait3A_161 : memref<1x20000xi32, #tpu.memory_space<hbm>> -> memref<20000xi32, #tpu.memory_space<hbm>>
      %dma_wait3A_163 = tpu.memref_slice %arg3[%run_scoped3A, %mul3A_25] : memref<2x640000xi32, #tpu.memory_space<hbm>> -> memref<1x20000xi32, #tpu.memory_space<hbm>>
      %dma_wait3A_164 = tpu.memref_squeeze %dma_wait3A_163 : memref<1x20000xi32, #tpu.memory_space<hbm>> -> memref<20000xi32, #tpu.memory_space<hbm>>
      tpu.wait_dma2 semaphore(%run_scoped3A_156 : memref<!tpu.dma_semaphore, #tpu.memory_space<semaphore_mem>>) src(%dma_wait3A_164 : memref<20000xi32, #tpu.memory_space<hbm>>) dst(%arg6 : memref<20000xi32, #tpu.memory_space<vmem>>)
      tpu.yield
    }) : () -> ()
    %mul3A_26 = arith.constant 20000 : i32
    %mul3A_27 = arith.muli %add3A, %mul3A_26 : i32
    %run_scoped3A_28 = arith.constant 1 : i32
    "tpu.region"() ({
      %run_scoped3A_156 = tpu.sem_alloc : memref<!tpu.dma_semaphore, #tpu.memory_space<semaphore_mem>>
      %dma_start3A_157 = tpu.memref_slice %arg3[%run_scoped3A_28, %mul3A_27] : memref<2x640000xi32, #tpu.memory_space<hbm>> -> memref<1x20000xi32, #tpu.memory_space<hbm>>
      %dma_start3A_158 = tpu.memref_squeeze %dma_start3A_157 : memref<1x20000xi32, #tpu.memory_space<hbm>> -> memref<20000xi32, #tpu.memory_space<hbm>>
      %dma_start3A_159 = tpu.memref_slice %arg3[%run_scoped3A_28, %mul3A_27] : memref<2x640000xi32, #tpu.memory_space<hbm>> -> memref<1x20000xi32, #tpu.memory_space<hbm>>
      %dma_start3A_160 = tpu.memref_squeeze %dma_start3A_159 : memref<1x20000xi32, #tpu.memory_space<hbm>> -> memref<20000xi32, #tpu.memory_space<hbm>>
      tpu.enqueue_dma source(%dma_start3A_160 : memref<20000xi32, #tpu.memory_space<hbm>>) target(%arg7 : memref<20000xi32, #tpu.memory_space<vmem>>) target_semaphore(%run_scoped3A_156 : memref<!tpu.dma_semaphore, #tpu.memory_space<semaphore_mem>>)
      %dma_wait3A_161 = tpu.memref_slice %arg3[%run_scoped3A_28, %mul3A_27] : memref<2x640000xi32, #tpu.memory_space<hbm>> -> memref<1x20000xi32, #tpu.memory_space<hbm>>
      %dma_wait3A_162 = tpu.memref_squeeze %dma_wait3A_161 : memref<1x20000xi32, #tpu.memory_space<hbm>> -> memref<20000xi32, #tpu.memory_space<hbm>>
      %dma_wait3A_163 = tpu.memref_slice %arg3[%run_scoped3A_28, %mul3A_27] : memref<2x640000xi32, #tpu.memory_space<hbm>> -> memref<1x20000xi32, #tpu.memory_space<hbm>>
      %dma_wait3A_164 = tpu.memref_squeeze %dma_wait3A_163 : memref<1x20000xi32, #tpu.memory_space<hbm>> -> memref<20000xi32, #tpu.memory_space<hbm>>
      tpu.wait_dma2 semaphore(%run_scoped3A_156 : memref<!tpu.dma_semaphore, #tpu.memory_space<semaphore_mem>>) src(%dma_wait3A_164 : memref<20000xi32, #tpu.memory_space<hbm>>) dst(%arg7 : memref<20000xi32, #tpu.memory_space<vmem>>)
      tpu.yield
    }) : () -> ()
    %barrier3A = arith.constant 0 : index
    tpu.barrier barrier_id(%barrier3A)
    %dma_start3A = arith.constant 0 : i32
    %dma_start3A_29 = arith.constant 0 : i32
    %dma_start3A_30 = arith.constant 0 : i32
    %dma_start3A_31 = tpu.memref_slice %arg8[%dma_start3A, %dma_start3A_29, %dma_start3A_30] : memref<5x80x64xf32, #tpu.memory_space<vmem>> -> memref<1x80x64xf32, #tpu.memory_space<vmem>>
    %dma_start3A_32 = tpu.memref_squeeze %dma_start3A_31 : memref<1x80x64xf32, #tpu.memory_space<vmem>> -> memref<80x64xf32, #tpu.memory_space<vmem>>
    %dma_start3A_33 = arith.constant 0 : i32
    %dma_start3A_34 = tpu.memref_slice %arg6[%dma_start3A_33] : memref<20000xi32, #tpu.memory_space<vmem>> -> memref<80xi32, #tpu.memory_space<vmem>>
    %dma_start3A_35 = arith.constant 0 : i32
    %dma_start3A_36 = arith.constant 0 : i32
    %dma_start3A_37 = tpu.memref_slice %arg2[%dma_start3A_35, %dma_start3A_36] : memref<10000x64xf32, #tpu.memory_space<hbm>> -> memref<10000x64xf32, #tpu.memory_space<hbm>>
    tpu.enqueue_indirect_dma source(%dma_start3A_37 : memref<10000x64xf32, #tpu.memory_space<hbm>>) target(%dma_start3A_32 : memref<80x64xf32, #tpu.memory_space<vmem>>) offsets(%dma_start3A_34 : memref<80xi32, #tpu.memory_space<vmem>>) semaphore(%arg10 : memref<!tpu.dma_semaphore, #tpu.memory_space<semaphore_mem>>)
    %dma_start3A_38 = arith.constant 1 : i32
    %dma_start3A_39 = arith.constant 0 : i32
    %dma_start3A_40 = arith.constant 0 : i32
    %dma_start3A_41 = tpu.memref_slice %arg8[%dma_start3A_38, %dma_start3A_39, %dma_start3A_40] : memref<5x80x64xf32, #tpu.memory_space<vmem>> -> memref<1x80x64xf32, #tpu.memory_space<vmem>>
    %dma_start3A_42 = tpu.memref_squeeze %dma_start3A_41 : memref<1x80x64xf32, #tpu.memory_space<vmem>> -> memref<80x64xf32, #tpu.memory_space<vmem>>
    %dma_start3A_43 = arith.constant 80 : i32
    %dma_start3A_44 = tpu.memref_slice %arg6[%dma_start3A_43] : memref<20000xi32, #tpu.memory_space<vmem>> -> memref<80xi32, #tpu.memory_space<vmem>>
    %dma_start3A_45 = arith.constant 0 : i32
    %dma_start3A_46 = arith.constant 0 : i32
    %dma_start3A_47 = tpu.memref_slice %arg2[%dma_start3A_45, %dma_start3A_46] : memref<10000x64xf32, #tpu.memory_space<hbm>> -> memref<10000x64xf32, #tpu.memory_space<hbm>>
    tpu.enqueue_indirect_dma source(%dma_start3A_47 : memref<10000x64xf32, #tpu.memory_space<hbm>>) target(%dma_start3A_42 : memref<80x64xf32, #tpu.memory_space<vmem>>) offsets(%dma_start3A_44 : memref<80xi32, #tpu.memory_space<vmem>>) semaphore(%arg11 : memref<!tpu.dma_semaphore, #tpu.memory_space<semaphore_mem>>)
    %dma_start3A_48 = arith.constant 2 : i32
    %dma_start3A_49 = arith.constant 0 : i32
    %dma_start3A_50 = arith.constant 0 : i32
    %dma_start3A_51 = tpu.memref_slice %arg8[%dma_start3A_48, %dma_start3A_49, %dma_start3A_50] : memref<5x80x64xf32, #tpu.memory_space<vmem>> -> memref<1x80x64xf32, #tpu.memory_space<vmem>>
    %dma_start3A_52 = tpu.memref_squeeze %dma_start3A_51 : memref<1x80x64xf32, #tpu.memory_space<vmem>> -> memref<80x64xf32, #tpu.memory_space<vmem>>
    %dma_start3A_53 = arith.constant 160 : i32
    %dma_start3A_54 = tpu.memref_slice %arg6[%dma_start3A_53] : memref<20000xi32, #tpu.memory_space<vmem>> -> memref<80xi32, #tpu.memory_space<vmem>>
    %dma_start3A_55 = arith.constant 0 : i32
    %dma_start3A_56 = arith.constant 0 : i32
    %dma_start3A_57 = tpu.memref_slice %arg2[%dma_start3A_55, %dma_start3A_56] : memref<10000x64xf32, #tpu.memory_space<hbm>> -> memref<10000x64xf32, #tpu.memory_space<hbm>>
    tpu.enqueue_indirect_dma source(%dma_start3A_57 : memref<10000x64xf32, #tpu.memory_space<hbm>>) target(%dma_start3A_52 : memref<80x64xf32, #tpu.memory_space<vmem>>) offsets(%dma_start3A_54 : memref<80xi32, #tpu.memory_space<vmem>>) semaphore(%arg12 : memref<!tpu.dma_semaphore, #tpu.memory_space<semaphore_mem>>)
    %dma_start3A_58 = arith.constant 3 : i32
    %dma_start3A_59 = arith.constant 0 : i32
    %dma_start3A_60 = arith.constant 0 : i32
    %dma_start3A_61 = tpu.memref_slice %arg8[%dma_start3A_58, %dma_start3A_59, %dma_start3A_60] : memref<5x80x64xf32, #tpu.memory_space<vmem>> -> memref<1x80x64xf32, #tpu.memory_space<vmem>>
    %dma_start3A_62 = tpu.memref_squeeze %dma_start3A_61 : memref<1x80x64xf32, #tpu.memory_space<vmem>> -> memref<80x64xf32, #tpu.memory_space<vmem>>
    %dma_start3A_63 = arith.constant 240 : i32
    %dma_start3A_64 = tpu.memref_slice %arg6[%dma_start3A_63] : memref<20000xi32, #tpu.memory_space<vmem>> -> memref<80xi32, #tpu.memory_space<vmem>>
    %dma_start3A_65 = arith.constant 0 : i32
    %dma_start3A_66 = arith.constant 0 : i32
    %dma_start3A_67 = tpu.memref_slice %arg2[%dma_start3A_65, %dma_start3A_66] : memref<10000x64xf32, #tpu.memory_space<hbm>> -> memref<10000x64xf32, #tpu.memory_space<hbm>>
    tpu.enqueue_indirect_dma source(%dma_start3A_67 : memref<10000x64xf32, #tpu.memory_space<hbm>>) target(%dma_start3A_62 : memref<80x64xf32, #tpu.memory_space<vmem>>) offsets(%dma_start3A_64 : memref<80xi32, #tpu.memory_space<vmem>>) semaphore(%arg13 : memref<!tpu.dma_semaphore, #tpu.memory_space<semaphore_mem>>)
    %dma_start3A_68 = arith.constant 4 : i32
    %dma_start3A_69 = arith.constant 0 : i32
    %dma_start3A_70 = arith.constant 0 : i32
    %dma_start3A_71 = tpu.memref_slice %arg8[%dma_start3A_68, %dma_start3A_69, %dma_start3A_70] : memref<5x80x64xf32, #tpu.memory_space<vmem>> -> memref<1x80x64xf32, #tpu.memory_space<vmem>>
    %dma_start3A_72 = tpu.memref_squeeze %dma_start3A_71 : memref<1x80x64xf32, #tpu.memory_space<vmem>> -> memref<80x64xf32, #tpu.memory_space<vmem>>
    %dma_start3A_73 = arith.constant 320 : i32
    %dma_start3A_74 = tpu.memref_slice %arg6[%dma_start3A_73] : memref<20000xi32, #tpu.memory_space<vmem>> -> memref<80xi32, #tpu.memory_space<vmem>>
    %dma_start3A_75 = arith.constant 0 : i32
    %dma_start3A_76 = arith.constant 0 : i32
    %dma_start3A_77 = tpu.memref_slice %arg2[%dma_start3A_75, %dma_start3A_76] : memref<10000x64xf32, #tpu.memory_space<hbm>> -> memref<10000x64xf32, #tpu.memory_space<hbm>>
    tpu.enqueue_indirect_dma source(%dma_start3A_77 : memref<10000x64xf32, #tpu.memory_space<hbm>>) target(%dma_start3A_72 : memref<80x64xf32, #tpu.memory_space<vmem>>) offsets(%dma_start3A_74 : memref<80xi32, #tpu.memory_space<vmem>>) semaphore(%arg14 : memref<!tpu.dma_semaphore, #tpu.memory_space<semaphore_mem>>)
    %scan3A_78 = arith.constant 0 : i32
    %scan3A_79 = arith.constant 0 : i32
    %scan3A_80 = arith.constant 49 : i32
    %scan3A_81 = arith.addi %scan3A_79, %scan3A_80 : i32
    %scan3A_82 = arith.constant 1 : i32
    %scan3A_83 = scf.for %scan3A_156 = %scan3A_79 to %scan3A_81 step %scan3A_82 iter_args(%scan3A_157 = %scan3A_78) -> (i32)  : i32 {
      %mul3A_158 = arith.constant 5 : i32
      %mul3A_159 = arith.muli %scan3A_156, %mul3A_158 : i32
      %add3A_160 = arith.constant 0 : i32
      %add3A_161 = arith.addi %mul3A_159, %add3A_160 : i32
      %dma_wait3A_162 = arith.constant 0 : i32
      %dma_wait3A_163 = arith.constant 0 : i32
      %dma_wait3A_164 = arith.constant 0 : i32
      %dma_wait3A_165 = tpu.memref_slice %arg8[%dma_wait3A_162, %dma_wait3A_163, %dma_wait3A_164] : memref<5x80x64xf32, #tpu.memory_space<vmem>> -> memref<1x80x64xf32, #tpu.memory_space<vmem>>
      %dma_wait3A_166 = tpu.memref_squeeze %dma_wait3A_165 : memref<1x80x64xf32, #tpu.memory_space<vmem>> -> memref<80x64xf32, #tpu.memory_space<vmem>>
      %dma_wait3A_167 = arith.constant 0 : i32
      %dma_wait3A_168 = tpu.memref_slice %arg6[%dma_wait3A_167] : memref<20000xi32, #tpu.memory_space<vmem>> -> memref<80xi32, #tpu.memory_space<vmem>>
      %dma_wait3A_169 = arith.constant 0 : i32
      %dma_wait3A_170 = arith.constant 0 : i32
      %dma_wait3A_171 = tpu.memref_slice %arg2[%dma_wait3A_169, %dma_wait3A_170] : memref<10000x64xf32, #tpu.memory_space<hbm>> -> memref<10000x64xf32, #tpu.memory_space<hbm>>
      tpu.wait_indirect_dma semaphore(%arg10 : memref<!tpu.dma_semaphore, #tpu.memory_space<semaphore_mem>>) src(%dma_wait3A_171 : memref<10000x64xf32, #tpu.memory_space<hbm>>) dst(%dma_wait3A_166 : memref<80x64xf32, #tpu.memory_space<vmem>>)
      %mul3A_172 = arith.constant 80 : i32
      %mul3A_173 = arith.muli %add3A_161, %mul3A_172 : i32
      %run_scoped3A_174 = arith.constant 0 : i32
      "tpu.region"() ({
        %run_scoped3A_309 = tpu.sem_alloc : memref<!tpu.dma_semaphore, #tpu.memory_space<semaphore_mem>>
        %dma_start3A_310 = arith.constant 0 : i32
        %dma_start3A_311 = arith.constant 0 : i32
        %dma_start3A_312 = tpu.memref_slice %arg8[%run_scoped3A_174, %dma_start3A_310, %dma_start3A_311] : memref<5x80x64xf32, #tpu.memory_space<vmem>> -> memref<1x80x64xf32, #tpu.memory_space<vmem>>
        %dma_start3A_313 = tpu.memref_squeeze %dma_start3A_312 : memref<1x80x64xf32, #tpu.memory_space<vmem>> -> memref<80x64xf32, #tpu.memory_space<vmem>>
        %dma_start3A_314 = tpu.memref_slice %arg7[%mul3A_173] : memref<20000xi32, #tpu.memory_space<vmem>> -> memref<80xi32, #tpu.memory_space<vmem>>
        %dma_start3A_315 = arith.constant 0 : i32
        %dma_start3A_316 = arith.constant 0 : i32
        %dma_start3A_317 = tpu.memref_slice %arg5[%dma_start3A_315, %dma_start3A_316] : memref<10240x64xf32, #tpu.memory_space<vmem_shared>> -> memref<10240x64xf32, #tpu.memory_space<vmem_shared>>
        tpu.enqueue_indirect_dma source(%dma_start3A_313 : memref<80x64xf32, #tpu.memory_space<vmem>>) target(%dma_start3A_317 : memref<10240x64xf32, #tpu.memory_space<vmem_shared>>) offsets(%dma_start3A_314 : memref<80xi32, #tpu.memory_space<vmem>>) semaphore(%run_scoped3A_309 : memref<!tpu.dma_semaphore, #tpu.memory_space<semaphore_mem>>) {add = true}
        %dma_wait3A_318 = arith.constant 0 : i32
        %dma_wait3A_319 = arith.constant 0 : i32
        %dma_wait3A_320 = tpu.memref_slice %arg8[%run_scoped3A_174, %dma_wait3A_318, %dma_wait3A_319] : memref<5x80x64xf32, #tpu.memory_space<vmem>> -> memref<1x80x64xf32, #tpu.memory_space<vmem>>
        %dma_wait3A_321 = tpu.memref_squeeze %dma_wait3A_320 : memref<1x80x64xf32, #tpu.memory_space<vmem>> -> memref<80x64xf32, #tpu.memory_space<vmem>>
        %dma_wait3A_322 = tpu.memref_slice %arg7[%mul3A_173] : memref<20000xi32, #tpu.memory_space<vmem>> -> memref<80xi32, #tpu.memory_space<vmem>>
        %dma_wait3A_323 = arith.constant 0 : i32
        %dma_wait3A_324 = arith.constant 0 : i32
        %dma_wait3A_325 = tpu.memref_slice %arg5[%dma_wait3A_323, %dma_wait3A_324] : memref<10240x64xf32, #tpu.memory_space<vmem_shared>> -> memref<10240x64xf32, #tpu.memory_space<vmem_shared>>
        tpu.wait_indirect_dma semaphore(%run_scoped3A_309 : memref<!tpu.dma_semaphore, #tpu.memory_space<semaphore_mem>>) src(%dma_wait3A_321 : memref<80x64xf32, #tpu.memory_space<vmem>>) dst(%dma_wait3A_325 : memref<10240x64xf32, #tpu.memory_space<vmem_shared>>)
        tpu.yield
      }) : () -> ()
      %add3A_175 = arith.constant 5 : i32
      %add3A_176 = arith.addi %add3A_161, %add3A_175 : i32
      %mul3A_177 = arith.constant 80 : i32
      %mul3A_178 = arith.muli %add3A_176, %mul3A_177 : i32
      %dma_start3A_179 = arith.constant 0 : i32
      %dma_start3A_180 = arith.constant 0 : i32
      %dma_start3A_181 = arith.constant 0 : i32
      %dma_start3A_182 = tpu.memref_slice %arg8[%dma_start3A_179, %dma_start3A_180, %dma_start3A_181] : memref<5x80x64xf32, #tpu.memory_space<vmem>> -> memref<1x80x64xf32, #tpu.memory_space<vmem>>
      %dma_start3A_183 = tpu.memref_squeeze %dma_start3A_182 : memref<1x80x64xf32, #tpu.memory_space<vmem>> -> memref<80x64xf32, #tpu.memory_space<vmem>>
      %dma_start3A_184 = tpu.memref_slice %arg6[%mul3A_178] : memref<20000xi32, #tpu.memory_space<vmem>> -> memref<80xi32, #tpu.memory_space<vmem>>
      %dma_start3A_185 = arith.constant 0 : i32
      %dma_start3A_186 = arith.constant 0 : i32
      %dma_start3A_187 = tpu.memref_slice %arg2[%dma_start3A_185, %dma_start3A_186] : memref<10000x64xf32, #tpu.memory_space<hbm>> -> memref<10000x64xf32, #tpu.memory_space<hbm>>
      tpu.enqueue_indirect_dma source(%dma_start3A_187 : memref<10000x64xf32, #tpu.memory_space<hbm>>) target(%dma_start3A_183 : memref<80x64xf32, #tpu.memory_space<vmem>>) offsets(%dma_start3A_184 : memref<80xi32, #tpu.memory_space<vmem>>) semaphore(%arg10 : memref<!tpu.dma_semaphore, #tpu.memory_space<semaphore_mem>>)
      %mul3A_188 = arith.constant 5 : i32
      %mul3A_189 = arith.muli %scan3A_156, %mul3A_188 : i32
      %add3A_190 = arith.constant 1 : i32
      %add3A_191 = arith.addi %mul3A_189, %add3A_190 : i32
      %dma_wait3A_192 = arith.constant 1 : i32
      %dma_wait3A_193 = arith.constant 0 : i32
      %dma_wait3A_194 = arith.constant 0 : i32
      %dma_wait3A_195 = tpu.memref_slice %arg8[%dma_wait3A_192, %dma_wait3A_193, %dma_wait3A_194] : memref<5x80x64xf32, #tpu.memory_space<vmem>> -> memref<1x80x64xf32, #tpu.memory_space<vmem>>
      %dma_wait3A_196 = tpu.memref_squeeze %dma_wait3A_195 : memref<1x80x64xf32, #tpu.memory_space<vmem>> -> memref<80x64xf32, #tpu.memory_space<vmem>>
      %dma_wait3A_197 = arith.constant 0 : i32
      %dma_wait3A_198 = tpu.memref_slice %arg6[%dma_wait3A_197] : memref<20000xi32, #tpu.memory_space<vmem>> -> memref<80xi32, #tpu.memory_space<vmem>>
      %dma_wait3A_199 = arith.constant 0 : i32
      %dma_wait3A_200 = arith.constant 0 : i32
      %dma_wait3A_201 = tpu.memref_slice %arg2[%dma_wait3A_199, %dma_wait3A_200] : memref<10000x64xf32, #tpu.memory_space<hbm>> -> memref<10000x64xf32, #tpu.memory_space<hbm>>
      tpu.wait_indirect_dma semaphore(%arg11 : memref<!tpu.dma_semaphore, #tpu.memory_space<semaphore_mem>>) src(%dma_wait3A_201 : memref<10000x64xf32, #tpu.memory_space<hbm>>) dst(%dma_wait3A_196 : memref<80x64xf32, #tpu.memory_space<vmem>>)
      %mul3A_202 = arith.constant 80 : i32
      %mul3A_203 = arith.muli %add3A_191, %mul3A_202 : i32
      %run_scoped3A_204 = arith.constant 1 : i32
      "tpu.region"() ({
        %run_scoped3A_309 = tpu.sem_alloc : memref<!tpu.dma_semaphore, #tpu.memory_space<semaphore_mem>>
        %dma_start3A_310 = arith.constant 0 : i32
        %dma_start3A_311 = arith.constant 0 : i32
        %dma_start3A_312 = tpu.memref_slice %arg8[%run_scoped3A_204, %dma_start3A_310, %dma_start3A_311] : memref<5x80x64xf32, #tpu.memory_space<vmem>> -> memref<1x80x64xf32, #tpu.memory_space<vmem>>
        %dma_start3A_313 = tpu.memref_squeeze %dma_start3A_312 : memref<1x80x64xf32, #tpu.memory_space<vmem>> -> memref<80x64xf32, #tpu.memory_space<vmem>>
        %dma_start3A_314 = tpu.memref_slice %arg7[%mul3A_203] : memref<20000xi32, #tpu.memory_space<vmem>> -> memref<80xi32, #tpu.memory_space<vmem>>
        %dma_start3A_315 = arith.constant 0 : i32
        %dma_start3A_316 = arith.constant 0 : i32
        %dma_start3A_317 = tpu.memref_slice %arg5[%dma_start3A_315, %dma_start3A_316] : memref<10240x64xf32, #tpu.memory_space<vmem_shared>> -> memref<10240x64xf32, #tpu.memory_space<vmem_shared>>
        tpu.enqueue_indirect_dma source(%dma_start3A_313 : memref<80x64xf32, #tpu.memory_space<vmem>>) target(%dma_start3A_317 : memref<10240x64xf32, #tpu.memory_space<vmem_shared>>) offsets(%dma_start3A_314 : memref<80xi32, #tpu.memory_space<vmem>>) semaphore(%run_scoped3A_309 : memref<!tpu.dma_semaphore, #tpu.memory_space<semaphore_mem>>) {add = true}
        %dma_wait3A_318 = arith.constant 0 : i32
        %dma_wait3A_319 = arith.constant 0 : i32
        %dma_wait3A_320 = tpu.memref_slice %arg8[%run_scoped3A_204, %dma_wait3A_318, %dma_wait3A_319] : memref<5x80x64xf32, #tpu.memory_space<vmem>> -> memref<1x80x64xf32, #tpu.memory_space<vmem>>
        %dma_wait3A_321 = tpu.memref_squeeze %dma_wait3A_320 : memref<1x80x64xf32, #tpu.memory_space<vmem>> -> memref<80x64xf32, #tpu.memory_space<vmem>>
        %dma_wait3A_322 = tpu.memref_slice %arg7[%mul3A_203] : memref<20000xi32, #tpu.memory_space<vmem>> -> memref<80xi32, #tpu.memory_space<vmem>>
        %dma_wait3A_323 = arith.constant 0 : i32
        %dma_wait3A_324 = arith.constant 0 : i32
        %dma_wait3A_325 = tpu.memref_slice %arg5[%dma_wait3A_323, %dma_wait3A_324] : memref<10240x64xf32, #tpu.memory_space<vmem_shared>> -> memref<10240x64xf32, #tpu.memory_space<vmem_shared>>
        tpu.wait_indirect_dma semaphore(%run_scoped3A_309 : memref<!tpu.dma_semaphore, #tpu.memory_space<semaphore_mem>>) src(%dma_wait3A_321 : memref<80x64xf32, #tpu.memory_space<vmem>>) dst(%dma_wait3A_325 : memref<10240x64xf32, #tpu.memory_space<vmem_shared>>)
        tpu.yield
      }) : () -> ()
      %add3A_205 = arith.constant 5 : i32
      %add3A_206 = arith.addi %add3A_191, %add3A_205 : i32
      %mul3A_207 = arith.constant 80 : i32
      %mul3A_208 = arith.muli %add3A_206, %mul3A_207 : i32
      %dma_start3A_209 = arith.constant 1 : i32
      %dma_start3A_210 = arith.constant 0 : i32
      %dma_start3A_211 = arith.constant 0 : i32
      %dma_start3A_212 = tpu.memref_slice %arg8[%dma_start3A_209, %dma_start3A_210, %dma_start3A_211] : memref<5x80x64xf32, #tpu.memory_space<vmem>> -> memref<1x80x64xf32, #tpu.memory_space<vmem>>
      %dma_start3A_213 = tpu.memref_squeeze %dma_start3A_212 : memref<1x80x64xf32, #tpu.memory_space<vmem>> -> memref<80x64xf32, #tpu.memory_space<vmem>>
      %dma_start3A_214 = tpu.memref_slice %arg6[%mul3A_208] : memref<20000xi32, #tpu.memory_space<vmem>> -> memref<80xi32, #tpu.memory_space<vmem>>
      %dma_start3A_215 = arith.constant 0 : i32
      %dma_start3A_216 = arith.constant 0 : i32
      %dma_start3A_217 = tpu.memref_slice %arg2[%dma_start3A_215, %dma_start3A_216] : memref<10000x64xf32, #tpu.memory_space<hbm>> -> memref<10000x64xf32, #tpu.memory_space<hbm>>
      tpu.enqueue_indirect_dma source(%dma_start3A_217 : memref<10000x64xf32, #tpu.memory_space<hbm>>) target(%dma_start3A_213 : memref<80x64xf32, #tpu.memory_space<vmem>>) offsets(%dma_start3A_214 : memref<80xi32, #tpu.memory_space<vmem>>) semaphore(%arg11 : memref<!tpu.dma_semaphore, #tpu.memory_space<semaphore_mem>>)
      %mul3A_218 = arith.constant 5 : i32
      %mul3A_219 = arith.muli %scan3A_156, %mul3A_218 : i32
      %add3A_220 = arith.constant 2 : i32
      %add3A_221 = arith.addi %mul3A_219, %add3A_220 : i32
      %dma_wait3A_222 = arith.constant 2 : i32
      %dma_wait3A_223 = arith.constant 0 : i32
      %dma_wait3A_224 = arith.constant 0 : i32
      %dma_wait3A_225 = tpu.memref_slice %arg8[%dma_wait3A_222, %dma_wait3A_223, %dma_wait3A_224] : memref<5x80x64xf32, #tpu.memory_space<vmem>> -> memref<1x80x64xf32, #tpu.memory_space<vmem>>
      %dma_wait3A_226 = tpu.memref_squeeze %dma_wait3A_225 : memref<1x80x64xf32, #tpu.memory_space<vmem>> -> memref<80x64xf32, #tpu.memory_space<vmem>>
      %dma_wait3A_227 = arith.constant 0 : i32
      %dma_wait3A_228 = tpu.memref_slice %arg6[%dma_wait3A_227] : memref<20000xi32, #tpu.memory_space<vmem>> -> memref<80xi32, #tpu.memory_space<vmem>>
      %dma_wait3A_229 = arith.constant 0 : i32
      %dma_wait3A_230 = arith.constant 0 : i32
      %dma_wait3A_231 = tpu.memref_slice %arg2[%dma_wait3A_229, %dma_wait3A_230] : memref<10000x64xf32, #tpu.memory_space<hbm>> -> memref<10000x64xf32, #tpu.memory_space<hbm>>
      tpu.wait_indirect_dma semaphore(%arg12 : memref<!tpu.dma_semaphore, #tpu.memory_space<semaphore_mem>>) src(%dma_wait3A_231 : memref<10000x64xf32, #tpu.memory_space<hbm>>) dst(%dma_wait3A_226 : memref<80x64xf32, #tpu.memory_space<vmem>>)
      %mul3A_232 = arith.constant 80 : i32
      %mul3A_233 = arith.muli %add3A_221, %mul3A_232 : i32
      %run_scoped3A_234 = arith.constant 2 : i32
      "tpu.region"() ({
        %run_scoped3A_309 = tpu.sem_alloc : memref<!tpu.dma_semaphore, #tpu.memory_space<semaphore_mem>>
        %dma_start3A_310 = arith.constant 0 : i32
        %dma_start3A_311 = arith.constant 0 : i32
        %dma_start3A_312 = tpu.memref_slice %arg8[%run_scoped3A_234, %dma_start3A_310, %dma_start3A_311] : memref<5x80x64xf32, #tpu.memory_space<vmem>> -> memref<1x80x64xf32, #tpu.memory_space<vmem>>
        %dma_start3A_313 = tpu.memref_squeeze %dma_start3A_312 : memref<1x80x64xf32, #tpu.memory_space<vmem>> -> memref<80x64xf32, #tpu.memory_space<vmem>>
        %dma_start3A_314 = tpu.memref_slice %arg7[%mul3A_233] : memref<20000xi32, #tpu.memory_space<vmem>> -> memref<80xi32, #tpu.memory_space<vmem>>
        %dma_start3A_315 = arith.constant 0 : i32
        %dma_start3A_316 = arith.constant 0 : i32
        %dma_start3A_317 = tpu.memref_slice %arg5[%dma_start3A_315, %dma_start3A_316] : memref<10240x64xf32, #tpu.memory_space<vmem_shared>> -> memref<10240x64xf32, #tpu.memory_space<vmem_shared>>
        tpu.enqueue_indirect_dma source(%dma_start3A_313 : memref<80x64xf32, #tpu.memory_space<vmem>>) target(%dma_start3A_317 : memref<10240x64xf32, #tpu.memory_space<vmem_shared>>) offsets(%dma_start3A_314 : memref<80xi32, #tpu.memory_space<vmem>>) semaphore(%run_scoped3A_309 : memref<!tpu.dma_semaphore, #tpu.memory_space<semaphore_mem>>) {add = true}
        %dma_wait3A_318 = arith.constant 0 : i32
        %dma_wait3A_319 = arith.constant 0 : i32
        %dma_wait3A_320 = tpu.memref_slice %arg8[%run_scoped3A_234, %dma_wait3A_318, %dma_wait3A_319] : memref<5x80x64xf32, #tpu.memory_space<vmem>> -> memref<1x80x64xf32, #tpu.memory_space<vmem>>
        %dma_wait3A_321 = tpu.memref_squeeze %dma_wait3A_320 : memref<1x80x64xf32, #tpu.memory_space<vmem>> -> memref<80x64xf32, #tpu.memory_space<vmem>>
        %dma_wait3A_322 = tpu.memref_slice %arg7[%mul3A_233] : memref<20000xi32, #tpu.memory_space<vmem>> -> memref<80xi32, #tpu.memory_space<vmem>>
        %dma_wait3A_323 = arith.constant 0 : i32
        %dma_wait3A_324 = arith.constant 0 : i32
        %dma_wait3A_325 = tpu.memref_slice %arg5[%dma_wait3A_323, %dma_wait3A_324] : memref<10240x64xf32, #tpu.memory_space<vmem_shared>> -> memref<10240x64xf32, #tpu.memory_space<vmem_shared>>
        tpu.wait_indirect_dma semaphore(%run_scoped3A_309 : memref<!tpu.dma_semaphore, #tpu.memory_space<semaphore_mem>>) src(%dma_wait3A_321 : memref<80x64xf32, #tpu.memory_space<vmem>>) dst(%dma_wait3A_325 : memref<10240x64xf32, #tpu.memory_space<vmem_shared>>)
        tpu.yield
      }) : () -> ()
      %add3A_235 = arith.constant 5 : i32
      %add3A_236 = arith.addi %add3A_221, %add3A_235 : i32
      %mul3A_237 = arith.constant 80 : i32
      %mul3A_238 = arith.muli %add3A_236, %mul3A_237 : i32
      %dma_start3A_239 = arith.constant 2 : i32
      %dma_start3A_240 = arith.constant 0 : i32
      %dma_start3A_241 = arith.constant 0 : i32
      %dma_start3A_242 = tpu.memref_slice %arg8[%dma_start3A_239, %dma_start3A_240, %dma_start3A_241] : memref<5x80x64xf32, #tpu.memory_space<vmem>> -> memref<1x80x64xf32, #tpu.memory_space<vmem>>
      %dma_start3A_243 = tpu.memref_squeeze %dma_start3A_242 : memref<1x80x64xf32, #tpu.memory_space<vmem>> -> memref<80x64xf32, #tpu.memory_space<vmem>>
      %dma_start3A_244 = tpu.memref_slice %arg6[%mul3A_238] : memref<20000xi32, #tpu.memory_space<vmem>> -> memref<80xi32, #tpu.memory_space<vmem>>
      %dma_start3A_245 = arith.constant 0 : i32
      %dma_start3A_246 = arith.constant 0 : i32
      %dma_start3A_247 = tpu.memref_slice %arg2[%dma_start3A_245, %dma_start3A_246] : memref<10000x64xf32, #tpu.memory_space<hbm>> -> memref<10000x64xf32, #tpu.memory_space<hbm>>
      tpu.enqueue_indirect_dma source(%dma_start3A_247 : memref<10000x64xf32, #tpu.memory_space<hbm>>) target(%dma_start3A_243 : memref<80x64xf32, #tpu.memory_space<vmem>>) offsets(%dma_start3A_244 : memref<80xi32, #tpu.memory_space<vmem>>) semaphore(%arg12 : memref<!tpu.dma_semaphore, #tpu.memory_space<semaphore_mem>>)
      %mul3A_248 = arith.constant 5 : i32
      %mul3A_249 = arith.muli %scan3A_156, %mul3A_248 : i32
      %add3A_250 = arith.constant 3 : i32
      %add3A_251 = arith.addi %mul3A_249, %add3A_250 : i32
      %dma_wait3A_252 = arith.constant 3 : i32
      %dma_wait3A_253 = arith.constant 0 : i32
      %dma_wait3A_254 = arith.constant 0 : i32
      %dma_wait3A_255 = tpu.memref_slice %arg8[%dma_wait3A_252, %dma_wait3A_253, %dma_wait3A_254] : memref<5x80x64xf32, #tpu.memory_space<vmem>> -> memref<1x80x64xf32, #tpu.memory_space<vmem>>
      %dma_wait3A_256 = tpu.memref_squeeze %dma_wait3A_255 : memref<1x80x64xf32, #tpu.memory_space<vmem>> -> memref<80x64xf32, #tpu.memory_space<vmem>>
      %dma_wait3A_257 = arith.constant 0 : i32
      %dma_wait3A_258 = tpu.memref_slice %arg6[%dma_wait3A_257] : memref<20000xi32, #tpu.memory_space<vmem>> -> memref<80xi32, #tpu.memory_space<vmem>>
      %dma_wait3A_259 = arith.constant 0 : i32
      %dma_wait3A_260 = arith.constant 0 : i32
      %dma_wait3A_261 = tpu.memref_slice %arg2[%dma_wait3A_259, %dma_wait3A_260] : memref<10000x64xf32, #tpu.memory_space<hbm>> -> memref<10000x64xf32, #tpu.memory_space<hbm>>
      tpu.wait_indirect_dma semaphore(%arg13 : memref<!tpu.dma_semaphore, #tpu.memory_space<semaphore_mem>>) src(%dma_wait3A_261 : memref<10000x64xf32, #tpu.memory_space<hbm>>) dst(%dma_wait3A_256 : memref<80x64xf32, #tpu.memory_space<vmem>>)
      %mul3A_262 = arith.constant 80 : i32
      %mul3A_263 = arith.muli %add3A_251, %mul3A_262 : i32
      %run_scoped3A_264 = arith.constant 3 : i32
      "tpu.region"() ({
        %run_scoped3A_309 = tpu.sem_alloc : memref<!tpu.dma_semaphore, #tpu.memory_space<semaphore_mem>>
        %dma_start3A_310 = arith.constant 0 : i32
        %dma_start3A_311 = arith.constant 0 : i32
        %dma_start3A_312 = tpu.memref_slice %arg8[%run_scoped3A_264, %dma_start3A_310, %dma_start3A_311] : memref<5x80x64xf32, #tpu.memory_space<vmem>> -> memref<1x80x64xf32, #tpu.memory_space<vmem>>
        %dma_start3A_313 = tpu.memref_squeeze %dma_start3A_312 : memref<1x80x64xf32, #tpu.memory_space<vmem>> -> memref<80x64xf32, #tpu.memory_space<vmem>>
        %dma_start3A_314 = tpu.memref_slice %arg7[%mul3A_263] : memref<20000xi32, #tpu.memory_space<vmem>> -> memref<80xi32, #tpu.memory_space<vmem>>
        %dma_start3A_315 = arith.constant 0 : i32
        %dma_start3A_316 = arith.constant 0 : i32
        %dma_start3A_317 = tpu.memref_slice %arg5[%dma_start3A_315, %dma_start3A_316] : memref<10240x64xf32, #tpu.memory_space<vmem_shared>> -> memref<10240x64xf32, #tpu.memory_space<vmem_shared>>
        tpu.enqueue_indirect_dma source(%dma_start3A_313 : memref<80x64xf32, #tpu.memory_space<vmem>>) target(%dma_start3A_317 : memref<10240x64xf32, #tpu.memory_space<vmem_shared>>) offsets(%dma_start3A_314 : memref<80xi32, #tpu.memory_space<vmem>>) semaphore(%run_scoped3A_309 : memref<!tpu.dma_semaphore, #tpu.memory_space<semaphore_mem>>) {add = true}
        %dma_wait3A_318 = arith.constant 0 : i32
        %dma_wait3A_319 = arith.constant 0 : i32
        %dma_wait3A_320 = tpu.memref_slice %arg8[%run_scoped3A_264, %dma_wait3A_318, %dma_wait3A_319] : memref<5x80x64xf32, #tpu.memory_space<vmem>> -> memref<1x80x64xf32, #tpu.memory_space<vmem>>
        %dma_wait3A_321 = tpu.memref_squeeze %dma_wait3A_320 : memref<1x80x64xf32, #tpu.memory_space<vmem>> -> memref<80x64xf32, #tpu.memory_space<vmem>>
        %dma_wait3A_322 = tpu.memref_slice %arg7[%mul3A_263] : memref<20000xi32, #tpu.memory_space<vmem>> -> memref<80xi32, #tpu.memory_space<vmem>>
        %dma_wait3A_323 = arith.constant 0 : i32
        %dma_wait3A_324 = arith.constant 0 : i32
        %dma_wait3A_325 = tpu.memref_slice %arg5[%dma_wait3A_323, %dma_wait3A_324] : memref<10240x64xf32, #tpu.memory_space<vmem_shared>> -> memref<10240x64xf32, #tpu.memory_space<vmem_shared>>
        tpu.wait_indirect_dma semaphore(%run_scoped3A_309 : memref<!tpu.dma_semaphore, #tpu.memory_space<semaphore_mem>>) src(%dma_wait3A_321 : memref<80x64xf32, #tpu.memory_space<vmem>>) dst(%dma_wait3A_325 : memref<10240x64xf32, #tpu.memory_space<vmem_shared>>)
        tpu.yield
      }) : () -> ()
      %add3A_265 = arith.constant 5 : i32
      %add3A_266 = arith.addi %add3A_251, %add3A_265 : i32
      %mul3A_267 = arith.constant 80 : i32
      %mul3A_268 = arith.muli %add3A_266, %mul3A_267 : i32
      %dma_start3A_269 = arith.constant 3 : i32
      %dma_start3A_270 = arith.constant 0 : i32
      %dma_start3A_271 = arith.constant 0 : i32
      %dma_start3A_272 = tpu.memref_slice %arg8[%dma_start3A_269, %dma_start3A_270, %dma_start3A_271] : memref<5x80x64xf32, #tpu.memory_space<vmem>> -> memref<1x80x64xf32, #tpu.memory_space<vmem>>
      %dma_start3A_273 = tpu.memref_squeeze %dma_start3A_272 : memref<1x80x64xf32, #tpu.memory_space<vmem>> -> memref<80x64xf32, #tpu.memory_space<vmem>>
      %dma_start3A_274 = tpu.memref_slice %arg6[%mul3A_268] : memref<20000xi32, #tpu.memory_space<vmem>> -> memref<80xi32, #tpu.memory_space<vmem>>
      %dma_start3A_275 = arith.constant 0 : i32
      %dma_start3A_276 = arith.constant 0 : i32
      %dma_start3A_277 = tpu.memref_slice %arg2[%dma_start3A_275, %dma_start3A_276] : memref<10000x64xf32, #tpu.memory_space<hbm>> -> memref<10000x64xf32, #tpu.memory_space<hbm>>
      tpu.enqueue_indirect_dma source(%dma_start3A_277 : memref<10000x64xf32, #tpu.memory_space<hbm>>) target(%dma_start3A_273 : memref<80x64xf32, #tpu.memory_space<vmem>>) offsets(%dma_start3A_274 : memref<80xi32, #tpu.memory_space<vmem>>) semaphore(%arg13 : memref<!tpu.dma_semaphore, #tpu.memory_space<semaphore_mem>>)
      %mul3A_278 = arith.constant 5 : i32
      %mul3A_279 = arith.muli %scan3A_156, %mul3A_278 : i32
      %add3A_280 = arith.constant 4 : i32
      %add3A_281 = arith.addi %mul3A_279, %add3A_280 : i32
      %dma_wait3A_282 = arith.constant 4 : i32
      %dma_wait3A_283 = arith.constant 0 : i32
      %dma_wait3A_284 = arith.constant 0 : i32
      %dma_wait3A_285 = tpu.memref_slice %arg8[%dma_wait3A_282, %dma_wait3A_283, %dma_wait3A_284] : memref<5x80x64xf32, #tpu.memory_space<vmem>> -> memref<1x80x64xf32, #tpu.memory_space<vmem>>
      %dma_wait3A_286 = tpu.memref_squeeze %dma_wait3A_285 : memref<1x80x64xf32, #tpu.memory_space<vmem>> -> memref<80x64xf32, #tpu.memory_space<vmem>>
      %dma_wait3A_287 = arith.constant 0 : i32
      %dma_wait3A_288 = tpu.memref_slice %arg6[%dma_wait3A_287] : memref<20000xi32, #tpu.memory_space<vmem>> -> memref<80xi32, #tpu.memory_space<vmem>>
      %dma_wait3A_289 = arith.constant 0 : i32
      %dma_wait3A_290 = arith.constant 0 : i32
      %dma_wait3A_291 = tpu.memref_slice %arg2[%dma_wait3A_289, %dma_wait3A_290] : memref<10000x64xf32, #tpu.memory_space<hbm>> -> memref<10000x64xf32, #tpu.memory_space<hbm>>
      tpu.wait_indirect_dma semaphore(%arg14 : memref<!tpu.dma_semaphore, #tpu.memory_space<semaphore_mem>>) src(%dma_wait3A_291 : memref<10000x64xf32, #tpu.memory_space<hbm>>) dst(%dma_wait3A_286 : memref<80x64xf32, #tpu.memory_space<vmem>>)
      %mul3A_292 = arith.constant 80 : i32
      %mul3A_293 = arith.muli %add3A_281, %mul3A_292 : i32
      %run_scoped3A_294 = arith.constant 4 : i32
      "tpu.region"() ({
        %run_scoped3A_309 = tpu.sem_alloc : memref<!tpu.dma_semaphore, #tpu.memory_space<semaphore_mem>>
        %dma_start3A_310 = arith.constant 0 : i32
        %dma_start3A_311 = arith.constant 0 : i32
        %dma_start3A_312 = tpu.memref_slice %arg8[%run_scoped3A_294, %dma_start3A_310, %dma_start3A_311] : memref<5x80x64xf32, #tpu.memory_space<vmem>> -> memref<1x80x64xf32, #tpu.memory_space<vmem>>
        %dma_start3A_313 = tpu.memref_squeeze %dma_start3A_312 : memref<1x80x64xf32, #tpu.memory_space<vmem>> -> memref<80x64xf32, #tpu.memory_space<vmem>>
        %dma_start3A_314 = tpu.memref_slice %arg7[%mul3A_293] : memref<20000xi32, #tpu.memory_space<vmem>> -> memref<80xi32, #tpu.memory_space<vmem>>
        %dma_start3A_315 = arith.constant 0 : i32
        %dma_start3A_316 = arith.constant 0 : i32
        %dma_start3A_317 = tpu.memref_slice %arg5[%dma_start3A_315, %dma_start3A_316] : memref<10240x64xf32, #tpu.memory_space<vmem_shared>> -> memref<10240x64xf32, #tpu.memory_space<vmem_shared>>
        tpu.enqueue_indirect_dma source(%dma_start3A_313 : memref<80x64xf32, #tpu.memory_space<vmem>>) target(%dma_start3A_317 : memref<10240x64xf32, #tpu.memory_space<vmem_shared>>) offsets(%dma_start3A_314 : memref<80xi32, #tpu.memory_space<vmem>>) semaphore(%run_scoped3A_309 : memref<!tpu.dma_semaphore, #tpu.memory_space<semaphore_mem>>) {add = true}
        %dma_wait3A_318 = arith.constant 0 : i32
        %dma_wait3A_319 = arith.constant 0 : i32
        %dma_wait3A_320 = tpu.memref_slice %arg8[%run_scoped3A_294, %dma_wait3A_318, %dma_wait3A_319] : memref<5x80x64xf32, #tpu.memory_space<vmem>> -> memref<1x80x64xf32, #tpu.memory_space<vmem>>
        %dma_wait3A_321 = tpu.memref_squeeze %dma_wait3A_320 : memref<1x80x64xf32, #tpu.memory_space<vmem>> -> memref<80x64xf32, #tpu.memory_space<vmem>>
        %dma_wait3A_322 = tpu.memref_slice %arg7[%mul3A_293] : memref<20000xi32, #tpu.memory_space<vmem>> -> memref<80xi32, #tpu.memory_space<vmem>>
        %dma_wait3A_323 = arith.constant 0 : i32
        %dma_wait3A_324 = arith.constant 0 : i32
        %dma_wait3A_325 = tpu.memref_slice %arg5[%dma_wait3A_323, %dma_wait3A_324] : memref<10240x64xf32, #tpu.memory_space<vmem_shared>> -> memref<10240x64xf32, #tpu.memory_space<vmem_shared>>
        tpu.wait_indirect_dma semaphore(%run_scoped3A_309 : memref<!tpu.dma_semaphore, #tpu.memory_space<semaphore_mem>>) src(%dma_wait3A_321 : memref<80x64xf32, #tpu.memory_space<vmem>>) dst(%dma_wait3A_325 : memref<10240x64xf32, #tpu.memory_space<vmem_shared>>)
        tpu.yield
      }) : () -> ()
      %add3A_295 = arith.constant 5 : i32
      %add3A_296 = arith.addi %add3A_281, %add3A_295 : i32
      %mul3A_297 = arith.constant 80 : i32
      %mul3A_298 = arith.muli %add3A_296, %mul3A_297 : i32
      %dma_start3A_299 = arith.constant 4 : i32
      %dma_start3A_300 = arith.constant 0 : i32
      %dma_start3A_301 = arith.constant 0 : i32
      %dma_start3A_302 = tpu.memref_slice %arg8[%dma_start3A_299, %dma_start3A_300, %dma_start3A_301] : memref<5x80x64xf32, #tpu.memory_space<vmem>> -> memref<1x80x64xf32, #tpu.memory_space<vmem>>
      %dma_start3A_303 = tpu.memref_squeeze %dma_start3A_302 : memref<1x80x64xf32, #tpu.memory_space<vmem>> -> memref<80x64xf32, #tpu.memory_space<vmem>>
      %dma_start3A_304 = tpu.memref_slice %arg6[%mul3A_298] : memref<20000xi32, #tpu.memory_space<vmem>> -> memref<80xi32, #tpu.memory_space<vmem>>
      %dma_start3A_305 = arith.constant 0 : i32
      %dma_start3A_306 = arith.constant 0 : i32
      %dma_start3A_307 = tpu.memref_slice %arg2[%dma_start3A_305, %dma_start3A_306] : memref<10000x64xf32, #tpu.memory_space<hbm>> -> memref<10000x64xf32, #tpu.memory_space<hbm>>
      tpu.enqueue_indirect_dma source(%dma_start3A_307 : memref<10000x64xf32, #tpu.memory_space<hbm>>) target(%dma_start3A_303 : memref<80x64xf32, #tpu.memory_space<vmem>>) offsets(%dma_start3A_304 : memref<80xi32, #tpu.memory_space<vmem>>) semaphore(%arg14 : memref<!tpu.dma_semaphore, #tpu.memory_space<semaphore_mem>>)
      %scan3A_308 = arith.constant 0 : i32
      scf.yield %scan3A_308 : i32
    }
    %scan3A_84 = arith.constant 49 : i32
    %dma_wait3A = arith.constant 0 : i32
    %dma_wait3A_85 = arith.constant 0 : i32
    %dma_wait3A_86 = arith.constant 0 : i32
    %dma_wait3A_87 = tpu.memref_slice %arg8[%dma_wait3A, %dma_wait3A_85, %dma_wait3A_86] : memref<5x80x64xf32, #tpu.memory_space<vmem>> -> memref<1x80x64xf32, #tpu.memory_space<vmem>>
    %dma_wait3A_88 = tpu.memref_squeeze %dma_wait3A_87 : memref<1x80x64xf32, #tpu.memory_space<vmem>> -> memref<80x64xf32, #tpu.memory_space<vmem>>
    %dma_wait3A_89 = arith.constant 0 : i32
    %dma_wait3A_90 = tpu.memref_slice %arg6[%dma_wait3A_89] : memref<20000xi32, #tpu.memory_space<vmem>> -> memref<80xi32, #tpu.memory_space<vmem>>
    %dma_wait3A_91 = arith.constant 0 : i32
    %dma_wait3A_92 = arith.constant 0 : i32
    %dma_wait3A_93 = tpu.memref_slice %arg2[%dma_wait3A_91, %dma_wait3A_92] : memref<10000x64xf32, #tpu.memory_space<hbm>> -> memref<10000x64xf32, #tpu.memory_space<hbm>>
    tpu.wait_indirect_dma semaphore(%arg10 : memref<!tpu.dma_semaphore, #tpu.memory_space<semaphore_mem>>) src(%dma_wait3A_93 : memref<10000x64xf32, #tpu.memory_space<hbm>>) dst(%dma_wait3A_88 : memref<80x64xf32, #tpu.memory_space<vmem>>)
    %run_scoped3A_94 = arith.constant 0 : i32
    "tpu.region"() ({
      %run_scoped3A_156 = tpu.sem_alloc : memref<!tpu.dma_semaphore, #tpu.memory_space<semaphore_mem>>
      %dma_start3A_157 = arith.constant 0 : i32
      %dma_start3A_158 = arith.constant 0 : i32
      %dma_start3A_159 = tpu.memref_slice %arg8[%run_scoped3A_94, %dma_start3A_157, %dma_start3A_158] : memref<5x80x64xf32, #tpu.memory_space<vmem>> -> memref<1x80x64xf32, #tpu.memory_space<vmem>>
      %dma_start3A_160 = tpu.memref_squeeze %dma_start3A_159 : memref<1x80x64xf32, #tpu.memory_space<vmem>> -> memref<80x64xf32, #tpu.memory_space<vmem>>
      %dma_start3A_161 = arith.constant 19600 : i32
      %dma_start3A_162 = tpu.memref_slice %arg7[%dma_start3A_161] : memref<20000xi32, #tpu.memory_space<vmem>> -> memref<80xi32, #tpu.memory_space<vmem>>
      %dma_start3A_163 = arith.constant 0 : i32
      %dma_start3A_164 = arith.constant 0 : i32
      %dma_start3A_165 = tpu.memref_slice %arg5[%dma_start3A_163, %dma_start3A_164] : memref<10240x64xf32, #tpu.memory_space<vmem_shared>> -> memref<10240x64xf32, #tpu.memory_space<vmem_shared>>
      tpu.enqueue_indirect_dma source(%dma_start3A_160 : memref<80x64xf32, #tpu.memory_space<vmem>>) target(%dma_start3A_165 : memref<10240x64xf32, #tpu.memory_space<vmem_shared>>) offsets(%dma_start3A_162 : memref<80xi32, #tpu.memory_space<vmem>>) semaphore(%run_scoped3A_156 : memref<!tpu.dma_semaphore, #tpu.memory_space<semaphore_mem>>) {add = true}
      %dma_wait3A_166 = arith.constant 0 : i32
      %dma_wait3A_167 = arith.constant 0 : i32
      %dma_wait3A_168 = tpu.memref_slice %arg8[%run_scoped3A_94, %dma_wait3A_166, %dma_wait3A_167] : memref<5x80x64xf32, #tpu.memory_space<vmem>> -> memref<1x80x64xf32, #tpu.memory_space<vmem>>
      %dma_wait3A_169 = tpu.memref_squeeze %dma_wait3A_168 : memref<1x80x64xf32, #tpu.memory_space<vmem>> -> memref<80x64xf32, #tpu.memory_space<vmem>>
      %dma_wait3A_170 = arith.constant 19600 : i32
      %dma_wait3A_171 = tpu.memref_slice %arg7[%dma_wait3A_170] : memref<20000xi32, #tpu.memory_space<vmem>> -> memref<80xi32, #tpu.memory_space<vmem>>
      %dma_wait3A_172 = arith.constant 0 : i32
      %dma_wait3A_173 = arith.constant 0 : i32
      %dma_wait3A_174 = tpu.memref_slice %arg5[%dma_wait3A_172, %dma_wait3A_173] : memref<10240x64xf32, #tpu.memory_space<vmem_shared>> -> memref<10240x64xf32, #tpu.memory_space<vmem_shared>>
      tpu.wait_indirect_dma semaphore(%run_scoped3A_156 : memref<!tpu.dma_semaphore, #tpu.memory_space<semaphore_mem>>) src(%dma_wait3A_169 : memref<80x64xf32, #tpu.memory_space<vmem>>) dst(%dma_wait3A_174 : memref<10240x64xf32, #tpu.memory_space<vmem_shared>>)
      tpu.yield
    }) : () -> ()
    %dma_wait3A_95 = arith.constant 1 : i32
    %dma_wait3A_96 = arith.constant 0 : i32
    %dma_wait3A_97 = arith.constant 0 : i32
    %dma_wait3A_98 = tpu.memref_slice %arg8[%dma_wait3A_95, %dma_wait3A_96, %dma_wait3A_97] : memref<5x80x64xf32, #tpu.memory_space<vmem>> -> memref<1x80x64xf32, #tpu.memory_space<vmem>>
    %dma_wait3A_99 = tpu.memref_squeeze %dma_wait3A_98 : memref<1x80x64xf32, #tpu.memory_space<vmem>> -> memref<80x64xf32, #tpu.memory_space<vmem>>
    %dma_wait3A_100 = arith.constant 0 : i32
    %dma_wait3A_101 = tpu.memref_slice %arg6[%dma_wait3A_100] : memref<20000xi32, #tpu.memory_space<vmem>> -> memref<80xi32, #tpu.memory_space<vmem>>
    %dma_wait3A_102 = arith.constant 0 : i32
    %dma_wait3A_103 = arith.constant 0 : i32
    %dma_wait3A_104 = tpu.memref_slice %arg2[%dma_wait3A_102, %dma_wait3A_103] : memref<10000x64xf32, #tpu.memory_space<hbm>> -> memref<10000x64xf32, #tpu.memory_space<hbm>>
    tpu.wait_indirect_dma semaphore(%arg11 : memref<!tpu.dma_semaphore, #tpu.memory_space<semaphore_mem>>) src(%dma_wait3A_104 : memref<10000x64xf32, #tpu.memory_space<hbm>>) dst(%dma_wait3A_99 : memref<80x64xf32, #tpu.memory_space<vmem>>)
    %run_scoped3A_105 = arith.constant 1 : i32
    "tpu.region"() ({
      %run_scoped3A_156 = tpu.sem_alloc : memref<!tpu.dma_semaphore, #tpu.memory_space<semaphore_mem>>
      %dma_start3A_157 = arith.constant 0 : i32
      %dma_start3A_158 = arith.constant 0 : i32
      %dma_start3A_159 = tpu.memref_slice %arg8[%run_scoped3A_105, %dma_start3A_157, %dma_start3A_158] : memref<5x80x64xf32, #tpu.memory_space<vmem>> -> memref<1x80x64xf32, #tpu.memory_space<vmem>>
      %dma_start3A_160 = tpu.memref_squeeze %dma_start3A_159 : memref<1x80x64xf32, #tpu.memory_space<vmem>> -> memref<80x64xf32, #tpu.memory_space<vmem>>
      %dma_start3A_161 = arith.constant 19680 : i32
      %dma_start3A_162 = tpu.memref_slice %arg7[%dma_start3A_161] : memref<20000xi32, #tpu.memory_space<vmem>> -> memref<80xi32, #tpu.memory_space<vmem>>
      %dma_start3A_163 = arith.constant 0 : i32
      %dma_start3A_164 = arith.constant 0 : i32
      %dma_start3A_165 = tpu.memref_slice %arg5[%dma_start3A_163, %dma_start3A_164] : memref<10240x64xf32, #tpu.memory_space<vmem_shared>> -> memref<10240x64xf32, #tpu.memory_space<vmem_shared>>
      tpu.enqueue_indirect_dma source(%dma_start3A_160 : memref<80x64xf32, #tpu.memory_space<vmem>>) target(%dma_start3A_165 : memref<10240x64xf32, #tpu.memory_space<vmem_shared>>) offsets(%dma_start3A_162 : memref<80xi32, #tpu.memory_space<vmem>>) semaphore(%run_scoped3A_156 : memref<!tpu.dma_semaphore, #tpu.memory_space<semaphore_mem>>) {add = true}
      %dma_wait3A_166 = arith.constant 0 : i32
      %dma_wait3A_167 = arith.constant 0 : i32
      %dma_wait3A_168 = tpu.memref_slice %arg8[%run_scoped3A_105, %dma_wait3A_166, %dma_wait3A_167] : memref<5x80x64xf32, #tpu.memory_space<vmem>> -> memref<1x80x64xf32, #tpu.memory_space<vmem>>
      %dma_wait3A_169 = tpu.memref_squeeze %dma_wait3A_168 : memref<1x80x64xf32, #tpu.memory_space<vmem>> -> memref<80x64xf32, #tpu.memory_space<vmem>>
      %dma_wait3A_170 = arith.constant 19680 : i32
      %dma_wait3A_171 = tpu.memref_slice %arg7[%dma_wait3A_170] : memref<20000xi32, #tpu.memory_space<vmem>> -> memref<80xi32, #tpu.memory_space<vmem>>
      %dma_wait3A_172 = arith.constant 0 : i32
      %dma_wait3A_173 = arith.constant 0 : i32
      %dma_wait3A_174 = tpu.memref_slice %arg5[%dma_wait3A_172, %dma_wait3A_173] : memref<10240x64xf32, #tpu.memory_space<vmem_shared>> -> memref<10240x64xf32, #tpu.memory_space<vmem_shared>>
      tpu.wait_indirect_dma semaphore(%run_scoped3A_156 : memref<!tpu.dma_semaphore, #tpu.memory_space<semaphore_mem>>) src(%dma_wait3A_169 : memref<80x64xf32, #tpu.memory_space<vmem>>) dst(%dma_wait3A_174 : memref<10240x64xf32, #tpu.memory_space<vmem_shared>>)
      tpu.yield
    }) : () -> ()
    %dma_wait3A_106 = arith.constant 2 : i32
    %dma_wait3A_107 = arith.constant 0 : i32
    %dma_wait3A_108 = arith.constant 0 : i32
    %dma_wait3A_109 = tpu.memref_slice %arg8[%dma_wait3A_106, %dma_wait3A_107, %dma_wait3A_108] : memref<5x80x64xf32, #tpu.memory_space<vmem>> -> memref<1x80x64xf32, #tpu.memory_space<vmem>>
    %dma_wait3A_110 = tpu.memref_squeeze %dma_wait3A_109 : memref<1x80x64xf32, #tpu.memory_space<vmem>> -> memref<80x64xf32, #tpu.memory_space<vmem>>
    %dma_wait3A_111 = arith.constant 0 : i32
    %dma_wait3A_112 = tpu.memref_slice %arg6[%dma_wait3A_111] : memref<20000xi32, #tpu.memory_space<vmem>> -> memref<80xi32, #tpu.memory_space<vmem>>
    %dma_wait3A_113 = arith.constant 0 : i32
    %dma_wait3A_114 = arith.constant 0 : i32
    %dma_wait3A_115 = tpu.memref_slice %arg2[%dma_wait3A_113, %dma_wait3A_114] : memref<10000x64xf32, #tpu.memory_space<hbm>> -> memref<10000x64xf32, #tpu.memory_space<hbm>>
    tpu.wait_indirect_dma semaphore(%arg12 : memref<!tpu.dma_semaphore, #tpu.memory_space<semaphore_mem>>) src(%dma_wait3A_115 : memref<10000x64xf32, #tpu.memory_space<hbm>>) dst(%dma_wait3A_110 : memref<80x64xf32, #tpu.memory_space<vmem>>)
    %run_scoped3A_116 = arith.constant 2 : i32
    "tpu.region"() ({
      %run_scoped3A_156 = tpu.sem_alloc : memref<!tpu.dma_semaphore, #tpu.memory_space<semaphore_mem>>
      %dma_start3A_157 = arith.constant 0 : i32
      %dma_start3A_158 = arith.constant 0 : i32
      %dma_start3A_159 = tpu.memref_slice %arg8[%run_scoped3A_116, %dma_start3A_157, %dma_start3A_158] : memref<5x80x64xf32, #tpu.memory_space<vmem>> -> memref<1x80x64xf32, #tpu.memory_space<vmem>>
      %dma_start3A_160 = tpu.memref_squeeze %dma_start3A_159 : memref<1x80x64xf32, #tpu.memory_space<vmem>> -> memref<80x64xf32, #tpu.memory_space<vmem>>
      %dma_start3A_161 = arith.constant 19760 : i32
      %dma_start3A_162 = tpu.memref_slice %arg7[%dma_start3A_161] : memref<20000xi32, #tpu.memory_space<vmem>> -> memref<80xi32, #tpu.memory_space<vmem>>
      %dma_start3A_163 = arith.constant 0 : i32
      %dma_start3A_164 = arith.constant 0 : i32
      %dma_start3A_165 = tpu.memref_slice %arg5[%dma_start3A_163, %dma_start3A_164] : memref<10240x64xf32, #tpu.memory_space<vmem_shared>> -> memref<10240x64xf32, #tpu.memory_space<vmem_shared>>
      tpu.enqueue_indirect_dma source(%dma_start3A_160 : memref<80x64xf32, #tpu.memory_space<vmem>>) target(%dma_start3A_165 : memref<10240x64xf32, #tpu.memory_space<vmem_shared>>) offsets(%dma_start3A_162 : memref<80xi32, #tpu.memory_space<vmem>>) semaphore(%run_scoped3A_156 : memref<!tpu.dma_semaphore, #tpu.memory_space<semaphore_mem>>) {add = true}
      %dma_wait3A_166 = arith.constant 0 : i32
      %dma_wait3A_167 = arith.constant 0 : i32
      %dma_wait3A_168 = tpu.memref_slice %arg8[%run_scoped3A_116, %dma_wait3A_166, %dma_wait3A_167] : memref<5x80x64xf32, #tpu.memory_space<vmem>> -> memref<1x80x64xf32, #tpu.memory_space<vmem>>
      %dma_wait3A_169 = tpu.memref_squeeze %dma_wait3A_168 : memref<1x80x64xf32, #tpu.memory_space<vmem>> -> memref<80x64xf32, #tpu.memory_space<vmem>>
      %dma_wait3A_170 = arith.constant 19760 : i32
      %dma_wait3A_171 = tpu.memref_slice %arg7[%dma_wait3A_170] : memref<20000xi32, #tpu.memory_space<vmem>> -> memref<80xi32, #tpu.memory_space<vmem>>
      %dma_wait3A_172 = arith.constant 0 : i32
      %dma_wait3A_173 = arith.constant 0 : i32
      %dma_wait3A_174 = tpu.memref_slice %arg5[%dma_wait3A_172, %dma_wait3A_173] : memref<10240x64xf32, #tpu.memory_space<vmem_shared>> -> memref<10240x64xf32, #tpu.memory_space<vmem_shared>>
      tpu.wait_indirect_dma semaphore(%run_scoped3A_156 : memref<!tpu.dma_semaphore, #tpu.memory_space<semaphore_mem>>) src(%dma_wait3A_169 : memref<80x64xf32, #tpu.memory_space<vmem>>) dst(%dma_wait3A_174 : memref<10240x64xf32, #tpu.memory_space<vmem_shared>>)
      tpu.yield
    }) : () -> ()
    %dma_wait3A_117 = arith.constant 3 : i32
    %dma_wait3A_118 = arith.constant 0 : i32
    %dma_wait3A_119 = arith.constant 0 : i32
    %dma_wait3A_120 = tpu.memref_slice %arg8[%dma_wait3A_117, %dma_wait3A_118, %dma_wait3A_119] : memref<5x80x64xf32, #tpu.memory_space<vmem>> -> memref<1x80x64xf32, #tpu.memory_space<vmem>>
    %dma_wait3A_121 = tpu.memref_squeeze %dma_wait3A_120 : memref<1x80x64xf32, #tpu.memory_space<vmem>> -> memref<80x64xf32, #tpu.memory_space<vmem>>
    %dma_wait3A_122 = arith.constant 0 : i32
    %dma_wait3A_123 = tpu.memref_slice %arg6[%dma_wait3A_122] : memref<20000xi32, #tpu.memory_space<vmem>> -> memref<80xi32, #tpu.memory_space<vmem>>
    %dma_wait3A_124 = arith.constant 0 : i32
    %dma_wait3A_125 = arith.constant 0 : i32
    %dma_wait3A_126 = tpu.memref_slice %arg2[%dma_wait3A_124, %dma_wait3A_125] : memref<10000x64xf32, #tpu.memory_space<hbm>> -> memref<10000x64xf32, #tpu.memory_space<hbm>>
    tpu.wait_indirect_dma semaphore(%arg13 : memref<!tpu.dma_semaphore, #tpu.memory_space<semaphore_mem>>) src(%dma_wait3A_126 : memref<10000x64xf32, #tpu.memory_space<hbm>>) dst(%dma_wait3A_121 : memref<80x64xf32, #tpu.memory_space<vmem>>)
    %run_scoped3A_127 = arith.constant 3 : i32
    "tpu.region"() ({
      %run_scoped3A_156 = tpu.sem_alloc : memref<!tpu.dma_semaphore, #tpu.memory_space<semaphore_mem>>
      %dma_start3A_157 = arith.constant 0 : i32
      %dma_start3A_158 = arith.constant 0 : i32
      %dma_start3A_159 = tpu.memref_slice %arg8[%run_scoped3A_127, %dma_start3A_157, %dma_start3A_158] : memref<5x80x64xf32, #tpu.memory_space<vmem>> -> memref<1x80x64xf32, #tpu.memory_space<vmem>>
      %dma_start3A_160 = tpu.memref_squeeze %dma_start3A_159 : memref<1x80x64xf32, #tpu.memory_space<vmem>> -> memref<80x64xf32, #tpu.memory_space<vmem>>
      %dma_start3A_161 = arith.constant 19840 : i32
      %dma_start3A_162 = tpu.memref_slice %arg7[%dma_start3A_161] : memref<20000xi32, #tpu.memory_space<vmem>> -> memref<80xi32, #tpu.memory_space<vmem>>
      %dma_start3A_163 = arith.constant 0 : i32
      %dma_start3A_164 = arith.constant 0 : i32
      %dma_start3A_165 = tpu.memref_slice %arg5[%dma_start3A_163, %dma_start3A_164] : memref<10240x64xf32, #tpu.memory_space<vmem_shared>> -> memref<10240x64xf32, #tpu.memory_space<vmem_shared>>
      tpu.enqueue_indirect_dma source(%dma_start3A_160 : memref<80x64xf32, #tpu.memory_space<vmem>>) target(%dma_start3A_165 : memref<10240x64xf32, #tpu.memory_space<vmem_shared>>) offsets(%dma_start3A_162 : memref<80xi32, #tpu.memory_space<vmem>>) semaphore(%run_scoped3A_156 : memref<!tpu.dma_semaphore, #tpu.memory_space<semaphore_mem>>) {add = true}
      %dma_wait3A_166 = arith.constant 0 : i32
      %dma_wait3A_167 = arith.constant 0 : i32
      %dma_wait3A_168 = tpu.memref_slice %arg8[%run_scoped3A_127, %dma_wait3A_166, %dma_wait3A_167] : memref<5x80x64xf32, #tpu.memory_space<vmem>> -> memref<1x80x64xf32, #tpu.memory_space<vmem>>
      %dma_wait3A_169 = tpu.memref_squeeze %dma_wait3A_168 : memref<1x80x64xf32, #tpu.memory_space<vmem>> -> memref<80x64xf32, #tpu.memory_space<vmem>>
      %dma_wait3A_170 = arith.constant 19840 : i32
      %dma_wait3A_171 = tpu.memref_slice %arg7[%dma_wait3A_170] : memref<20000xi32, #tpu.memory_space<vmem>> -> memref<80xi32, #tpu.memory_space<vmem>>
      %dma_wait3A_172 = arith.constant 0 : i32
      %dma_wait3A_173 = arith.constant 0 : i32
      %dma_wait3A_174 = tpu.memref_slice %arg5[%dma_wait3A_172, %dma_wait3A_173] : memref<10240x64xf32, #tpu.memory_space<vmem_shared>> -> memref<10240x64xf32, #tpu.memory_space<vmem_shared>>
      tpu.wait_indirect_dma semaphore(%run_scoped3A_156 : memref<!tpu.dma_semaphore, #tpu.memory_space<semaphore_mem>>) src(%dma_wait3A_169 : memref<80x64xf32, #tpu.memory_space<vmem>>) dst(%dma_wait3A_174 : memref<10240x64xf32, #tpu.memory_space<vmem_shared>>)
      tpu.yield
    }) : () -> ()
    %dma_wait3A_128 = arith.constant 4 : i32
    %dma_wait3A_129 = arith.constant 0 : i32
    %dma_wait3A_130 = arith.constant 0 : i32
    %dma_wait3A_131 = tpu.memref_slice %arg8[%dma_wait3A_128, %dma_wait3A_129, %dma_wait3A_130] : memref<5x80x64xf32, #tpu.memory_space<vmem>> -> memref<1x80x64xf32, #tpu.memory_space<vmem>>
    %dma_wait3A_132 = tpu.memref_squeeze %dma_wait3A_131 : memref<1x80x64xf32, #tpu.memory_space<vmem>> -> memref<80x64xf32, #tpu.memory_space<vmem>>
    %dma_wait3A_133 = arith.constant 0 : i32
    %dma_wait3A_134 = tpu.memref_slice %arg6[%dma_wait3A_133] : memref<20000xi32, #tpu.memory_space<vmem>> -> memref<80xi32, #tpu.memory_space<vmem>>
    %dma_wait3A_135 = arith.constant 0 : i32
    %dma_wait3A_136 = arith.constant 0 : i32
    %dma_wait3A_137 = tpu.memref_slice %arg2[%dma_wait3A_135, %dma_wait3A_136] : memref<10000x64xf32, #tpu.memory_space<hbm>> -> memref<10000x64xf32, #tpu.memory_space<hbm>>
    tpu.wait_indirect_dma semaphore(%arg14 : memref<!tpu.dma_semaphore, #tpu.memory_space<semaphore_mem>>) src(%dma_wait3A_137 : memref<10000x64xf32, #tpu.memory_space<hbm>>) dst(%dma_wait3A_132 : memref<80x64xf32, #tpu.memory_space<vmem>>)
    %run_scoped3A_138 = arith.constant 4 : i32
    "tpu.region"() ({
      %run_scoped3A_156 = tpu.sem_alloc : memref<!tpu.dma_semaphore, #tpu.memory_space<semaphore_mem>>
      %dma_start3A_157 = arith.constant 0 : i32
      %dma_start3A_158 = arith.constant 0 : i32
      %dma_start3A_159 = tpu.memref_slice %arg8[%run_scoped3A_138, %dma_start3A_157, %dma_start3A_158] : memref<5x80x64xf32, #tpu.memory_space<vmem>> -> memref<1x80x64xf32, #tpu.memory_space<vmem>>
      %dma_start3A_160 = tpu.memref_squeeze %dma_start3A_159 : memref<1x80x64xf32, #tpu.memory_space<vmem>> -> memref<80x64xf32, #tpu.memory_space<vmem>>
      %dma_start3A_161 = arith.constant 19920 : i32
      %dma_start3A_162 = tpu.memref_slice %arg7[%dma_start3A_161] : memref<20000xi32, #tpu.memory_space<vmem>> -> memref<80xi32, #tpu.memory_space<vmem>>
      %dma_start3A_163 = arith.constant 0 : i32
      %dma_start3A_164 = arith.constant 0 : i32
      %dma_start3A_165 = tpu.memref_slice %arg5[%dma_start3A_163, %dma_start3A_164] : memref<10240x64xf32, #tpu.memory_space<vmem_shared>> -> memref<10240x64xf32, #tpu.memory_space<vmem_shared>>
      tpu.enqueue_indirect_dma source(%dma_start3A_160 : memref<80x64xf32, #tpu.memory_space<vmem>>) target(%dma_start3A_165 : memref<10240x64xf32, #tpu.memory_space<vmem_shared>>) offsets(%dma_start3A_162 : memref<80xi32, #tpu.memory_space<vmem>>) semaphore(%run_scoped3A_156 : memref<!tpu.dma_semaphore, #tpu.memory_space<semaphore_mem>>) {add = true}
      %dma_wait3A_166 = arith.constant 0 : i32
      %dma_wait3A_167 = arith.constant 0 : i32
      %dma_wait3A_168 = tpu.memref_slice %arg8[%run_scoped3A_138, %dma_wait3A_166, %dma_wait3A_167] : memref<5x80x64xf32, #tpu.memory_space<vmem>> -> memref<1x80x64xf32, #tpu.memory_space<vmem>>
      %dma_wait3A_169 = tpu.memref_squeeze %dma_wait3A_168 : memref<1x80x64xf32, #tpu.memory_space<vmem>> -> memref<80x64xf32, #tpu.memory_space<vmem>>
      %dma_wait3A_170 = arith.constant 19920 : i32
      %dma_wait3A_171 = tpu.memref_slice %arg7[%dma_wait3A_170] : memref<20000xi32, #tpu.memory_space<vmem>> -> memref<80xi32, #tpu.memory_space<vmem>>
      %dma_wait3A_172 = arith.constant 0 : i32
      %dma_wait3A_173 = arith.constant 0 : i32
      %dma_wait3A_174 = tpu.memref_slice %arg5[%dma_wait3A_172, %dma_wait3A_173] : memref<10240x64xf32, #tpu.memory_space<vmem_shared>> -> memref<10240x64xf32, #tpu.memory_space<vmem_shared>>
      tpu.wait_indirect_dma semaphore(%run_scoped3A_156 : memref<!tpu.dma_semaphore, #tpu.memory_space<semaphore_mem>>) src(%dma_wait3A_169 : memref<80x64xf32, #tpu.memory_space<vmem>>) dst(%dma_wait3A_174 : memref<10240x64xf32, #tpu.memory_space<vmem_shared>>)
      tpu.yield
    }) : () -> ()
    %barrier3A_139 = arith.constant 0 : index
    tpu.barrier barrier_id(%barrier3A_139)
    %mul3A_140 = arith.constant 640 : i32
    %mul3A_141 = arith.muli %arg1, %mul3A_140 : i32
    %add3A_142 = arith.constant 0 : i32
    %add3A_143 = arith.addi %mul3A_141, %add3A_142 : i32
    "tpu.region"() ({
      %run_scoped3A_156 = tpu.sem_alloc : memref<!tpu.dma_semaphore, #tpu.memory_space<semaphore_mem>>
      %dma_start3A_157 = arith.constant 0 : i32
      %dma_start3A_158 = tpu.memref_slice %arg5[%add3A_143, %dma_start3A_157] : memref<10240x64xf32, #tpu.memory_space<vmem_shared>> -> memref<160x64xf32, #tpu.memory_space<vmem_shared>>
      %dma_start3A_159 = arith.constant 0 : i32
      %dma_start3A_160 = tpu.memref_slice %arg5[%add3A_143, %dma_start3A_159] : memref<10240x64xf32, #tpu.memory_space<vmem_shared>> -> memref<160x64xf32, #tpu.memory_space<vmem_shared>>
      tpu.enqueue_dma source(%dma_start3A_160 : memref<160x64xf32, #tpu.memory_space<vmem_shared>>) target(%arg9 : memref<160x64xf32, #tpu.memory_space<vmem>>) target_semaphore(%run_scoped3A_156 : memref<!tpu.dma_semaphore, #tpu.memory_space<semaphore_mem>>)
      %dma_wait3A_161 = arith.constant 0 : i32
      %dma_wait3A_162 = tpu.memref_slice %arg5[%add3A_143, %dma_wait3A_161] : memref<10240x64xf32, #tpu.memory_space<vmem_shared>> -> memref<160x64xf32, #tpu.memory_space<vmem_shared>>
      %dma_wait3A_163 = arith.constant 0 : i32
      %dma_wait3A_164 = tpu.memref_slice %arg5[%add3A_143, %dma_wait3A_163] : memref<10240x64xf32, #tpu.memory_space<vmem_shared>> -> memref<160x64xf32, #tpu.memory_space<vmem_shared>>
      tpu.wait_dma2 semaphore(%run_scoped3A_156 : memref<!tpu.dma_semaphore, #tpu.memory_space<semaphore_mem>>) src(%dma_wait3A_164 : memref<160x64xf32, #tpu.memory_space<vmem_shared>>) dst(%arg9 : memref<160x64xf32, #tpu.memory_space<vmem>>)
      tpu.yield
    }) : () -> ()
    "tpu.region"() ({
      %run_scoped3A_156 = tpu.sem_alloc : memref<!tpu.dma_semaphore, #tpu.memory_space<semaphore_mem>>
      %dma_start3A_157 = arith.constant 0 : i32
      %dma_start3A_158 = tpu.memref_slice %arg4[%arg0, %add3A_143, %dma_start3A_157] : memref<2x10240x64xf32, #tpu.memory_space<hbm>> -> memref<1x160x64xf32, #tpu.memory_space<hbm>>
      %dma_start3A_159 = tpu.memref_squeeze %dma_start3A_158 : memref<1x160x64xf32, #tpu.memory_space<hbm>> -> memref<160x64xf32, #tpu.memory_space<hbm>>
      %dma_start3A_160 = arith.constant 0 : i32
      %dma_start3A_161 = tpu.memref_slice %arg4[%arg0, %add3A_143, %dma_start3A_160] : memref<2x10240x64xf32, #tpu.memory_space<hbm>> -> memref<1x160x64xf32, #tpu.memory_space<hbm>>
      %dma_start3A_162 = tpu.memref_squeeze %dma_start3A_161 : memref<1x160x64xf32, #tpu.memory_space<hbm>> -> memref<160x64xf32, #tpu.memory_space<hbm>>
      tpu.enqueue_dma source(%arg9 : memref<160x64xf32, #tpu.memory_space<vmem>>) target(%dma_start3A_162 : memref<160x64xf32, #tpu.memory_space<hbm>>) target_semaphore(%run_scoped3A_156 : memref<!tpu.dma_semaphore, #tpu.memory_space<semaphore_mem>>)
      %dma_wait3A_163 = arith.constant 0 : i32
      %dma_wait3A_164 = tpu.memref_slice %arg4[%arg0, %add3A_143, %dma_wait3A_163] : memref<2x10240x64xf32, #tpu.memory_space<hbm>> -> memref<1x160x64xf32, #tpu.memory_space<hbm>>
      %dma_wait3A_165 = tpu.memref_squeeze %dma_wait3A_164 : memref<1x160x64xf32, #tpu.memory_space<hbm>> -> memref<160x64xf32, #tpu.memory_space<hbm>>
      %dma_wait3A_166 = arith.constant 0 : i32
      %dma_wait3A_167 = tpu.memref_slice %arg4[%arg0, %add3A_143, %dma_wait3A_166] : memref<2x10240x64xf32, #tpu.memory_space<hbm>> -> memref<1x160x64xf32, #tpu.memory_space<hbm>>
      %dma_wait3A_168 = tpu.memref_squeeze %dma_wait3A_167 : memref<1x160x64xf32, #tpu.memory_space<hbm>> -> memref<160x64xf32, #tpu.memory_space<hbm>>
      tpu.wait_dma2 semaphore(%run_scoped3A_156 : memref<!tpu.dma_semaphore, #tpu.memory_space<semaphore_mem>>) src(%arg9 : memref<160x64xf32, #tpu.memory_space<vmem>>) dst(%dma_wait3A_168 : memref<160x64xf32, #tpu.memory_space<hbm>>)
      tpu.yield
    }) : () -> ()
    %mul3A_144 = arith.constant 640 : i32
    %mul3A_145 = arith.muli %arg1, %mul3A_144 : i32
    %add3A_146 = arith.constant 160 : i32
    %add3A_147 = arith.addi %mul3A_145, %add3A_146 : i32
    "tpu.region"() ({
      %run_scoped3A_156 = tpu.sem_alloc : memref<!tpu.dma_semaphore, #tpu.memory_space<semaphore_mem>>
      %dma_start3A_157 = arith.constant 0 : i32
      %dma_start3A_158 = tpu.memref_slice %arg5[%add3A_147, %dma_start3A_157] : memref<10240x64xf32, #tpu.memory_space<vmem_shared>> -> memref<160x64xf32, #tpu.memory_space<vmem_shared>>
      %dma_start3A_159 = arith.constant 0 : i32
      %dma_start3A_160 = tpu.memref_slice %arg5[%add3A_147, %dma_start3A_159] : memref<10240x64xf32, #tpu.memory_space<vmem_shared>> -> memref<160x64xf32, #tpu.memory_space<vmem_shared>>
      tpu.enqueue_dma source(%dma_start3A_160 : memref<160x64xf32, #tpu.memory_space<vmem_shared>>) target(%arg9 : memref<160x64xf32, #tpu.memory_space<vmem>>) target_semaphore(%run_scoped3A_156 : memref<!tpu.dma_semaphore, #tpu.memory_space<semaphore_mem>>)
      %dma_wait3A_161 = arith.constant 0 : i32
      %dma_wait3A_162 = tpu.memref_slice %arg5[%add3A_147, %dma_wait3A_161] : memref<10240x64xf32, #tpu.memory_space<vmem_shared>> -> memref<160x64xf32, #tpu.memory_space<vmem_shared>>
      %dma_wait3A_163 = arith.constant 0 : i32
      %dma_wait3A_164 = tpu.memref_slice %arg5[%add3A_147, %dma_wait3A_163] : memref<10240x64xf32, #tpu.memory_space<vmem_shared>> -> memref<160x64xf32, #tpu.memory_space<vmem_shared>>
      tpu.wait_dma2 semaphore(%run_scoped3A_156 : memref<!tpu.dma_semaphore, #tpu.memory_space<semaphore_mem>>) src(%dma_wait3A_164 : memref<160x64xf32, #tpu.memory_space<vmem_shared>>) dst(%arg9 : memref<160x64xf32, #tpu.memory_space<vmem>>)
      tpu.yield
    }) : () -> ()
    "tpu.region"() ({
      %run_scoped3A_156 = tpu.sem_alloc : memref<!tpu.dma_semaphore, #tpu.memory_space<semaphore_mem>>
      %dma_start3A_157 = arith.constant 0 : i32
      %dma_start3A_158 = tpu.memref_slice %arg4[%arg0, %add3A_147, %dma_start3A_157] : memref<2x10240x64xf32, #tpu.memory_space<hbm>> -> memref<1x160x64xf32, #tpu.memory_space<hbm>>
      %dma_start3A_159 = tpu.memref_squeeze %dma_start3A_158 : memref<1x160x64xf32, #tpu.memory_space<hbm>> -> memref<160x64xf32, #tpu.memory_space<hbm>>
      %dma_start3A_160 = arith.constant 0 : i32
      %dma_start3A_161 = tpu.memref_slice %arg4[%arg0, %add3A_147, %dma_start3A_160] : memref<2x10240x64xf32, #tpu.memory_space<hbm>> -> memref<1x160x64xf32, #tpu.memory_space<hbm>>
      %dma_start3A_162 = tpu.memref_squeeze %dma_start3A_161 : memref<1x160x64xf32, #tpu.memory_space<hbm>> -> memref<160x64xf32, #tpu.memory_space<hbm>>
      tpu.enqueue_dma source(%arg9 : memref<160x64xf32, #tpu.memory_space<vmem>>) target(%dma_start3A_162 : memref<160x64xf32, #tpu.memory_space<hbm>>) target_semaphore(%run_scoped3A_156 : memref<!tpu.dma_semaphore, #tpu.memory_space<semaphore_mem>>)
      %dma_wait3A_163 = arith.constant 0 : i32
      %dma_wait3A_164 = tpu.memref_slice %arg4[%arg0, %add3A_147, %dma_wait3A_163] : memref<2x10240x64xf32, #tpu.memory_space<hbm>> -> memref<1x160x64xf32, #tpu.memory_space<hbm>>
      %dma_wait3A_165 = tpu.memref_squeeze %dma_wait3A_164 : memref<1x160x64xf32, #tpu.memory_space<hbm>> -> memref<160x64xf32, #tpu.memory_space<hbm>>
      %dma_wait3A_166 = arith.constant 0 : i32
      %dma_wait3A_167 = tpu.memref_slice %arg4[%arg0, %add3A_147, %dma_wait3A_166] : memref<2x10240x64xf32, #tpu.memory_space<hbm>> -> memref<1x160x64xf32, #tpu.memory_space<hbm>>
      %dma_wait3A_168 = tpu.memref_squeeze %dma_wait3A_167 : memref<1x160x64xf32, #tpu.memory_space<hbm>> -> memref<160x64xf32, #tpu.memory_space<hbm>>
      tpu.wait_dma2 semaphore(%run_scoped3A_156 : memref<!tpu.dma_semaphore, #tpu.memory_space<semaphore_mem>>) src(%arg9 : memref<160x64xf32, #tpu.memory_space<vmem>>) dst(%dma_wait3A_168 : memref<160x64xf32, #tpu.memory_space<hbm>>)
      tpu.yield
    }) : () -> ()
    %mul3A_148 = arith.constant 640 : i32
    %mul3A_149 = arith.muli %arg1, %mul3A_148 : i32
    %add3A_150 = arith.constant 320 : i32
    %add3A_151 = arith.addi %mul3A_149, %add3A_150 : i32
    "tpu.region"() ({
      %run_scoped3A_156 = tpu.sem_alloc : memref<!tpu.dma_semaphore, #tpu.memory_space<semaphore_mem>>
      %dma_start3A_157 = arith.constant 0 : i32
      %dma_start3A_158 = tpu.memref_slice %arg5[%add3A_151, %dma_start3A_157] : memref<10240x64xf32, #tpu.memory_space<vmem_shared>> -> memref<160x64xf32, #tpu.memory_space<vmem_shared>>
      %dma_start3A_159 = arith.constant 0 : i32
      %dma_start3A_160 = tpu.memref_slice %arg5[%add3A_151, %dma_start3A_159] : memref<10240x64xf32, #tpu.memory_space<vmem_shared>> -> memref<160x64xf32, #tpu.memory_space<vmem_shared>>
      tpu.enqueue_dma source(%dma_start3A_160 : memref<160x64xf32, #tpu.memory_space<vmem_shared>>) target(%arg9 : memref<160x64xf32, #tpu.memory_space<vmem>>) target_semaphore(%run_scoped3A_156 : memref<!tpu.dma_semaphore, #tpu.memory_space<semaphore_mem>>)
      %dma_wait3A_161 = arith.constant 0 : i32
      %dma_wait3A_162 = tpu.memref_slice %arg5[%add3A_151, %dma_wait3A_161] : memref<10240x64xf32, #tpu.memory_space<vmem_shared>> -> memref<160x64xf32, #tpu.memory_space<vmem_shared>>
      %dma_wait3A_163 = arith.constant 0 : i32
      %dma_wait3A_164 = tpu.memref_slice %arg5[%add3A_151, %dma_wait3A_163] : memref<10240x64xf32, #tpu.memory_space<vmem_shared>> -> memref<160x64xf32, #tpu.memory_space<vmem_shared>>
      tpu.wait_dma2 semaphore(%run_scoped3A_156 : memref<!tpu.dma_semaphore, #tpu.memory_space<semaphore_mem>>) src(%dma_wait3A_164 : memref<160x64xf32, #tpu.memory_space<vmem_shared>>) dst(%arg9 : memref<160x64xf32, #tpu.memory_space<vmem>>)
      tpu.yield
    }) : () -> ()
    "tpu.region"() ({
      %run_scoped3A_156 = tpu.sem_alloc : memref<!tpu.dma_semaphore, #tpu.memory_space<semaphore_mem>>
      %dma_start3A_157 = arith.constant 0 : i32
      %dma_start3A_158 = tpu.memref_slice %arg4[%arg0, %add3A_151, %dma_start3A_157] : memref<2x10240x64xf32, #tpu.memory_space<hbm>> -> memref<1x160x64xf32, #tpu.memory_space<hbm>>
      %dma_start3A_159 = tpu.memref_squeeze %dma_start3A_158 : memref<1x160x64xf32, #tpu.memory_space<hbm>> -> memref<160x64xf32, #tpu.memory_space<hbm>>
      %dma_start3A_160 = arith.constant 0 : i32
      %dma_start3A_161 = tpu.memref_slice %arg4[%arg0, %add3A_151, %dma_start3A_160] : memref<2x10240x64xf32, #tpu.memory_space<hbm>> -> memref<1x160x64xf32, #tpu.memory_space<hbm>>
      %dma_start3A_162 = tpu.memref_squeeze %dma_start3A_161 : memref<1x160x64xf32, #tpu.memory_space<hbm>> -> memref<160x64xf32, #tpu.memory_space<hbm>>
      tpu.enqueue_dma source(%arg9 : memref<160x64xf32, #tpu.memory_space<vmem>>) target(%dma_start3A_162 : memref<160x64xf32, #tpu.memory_space<hbm>>) target_semaphore(%run_scoped3A_156 : memref<!tpu.dma_semaphore, #tpu.memory_space<semaphore_mem>>)
      %dma_wait3A_163 = arith.constant 0 : i32
      %dma_wait3A_164 = tpu.memref_slice %arg4[%arg0, %add3A_151, %dma_wait3A_163] : memref<2x10240x64xf32, #tpu.memory_space<hbm>> -> memref<1x160x64xf32, #tpu.memory_space<hbm>>
      %dma_wait3A_165 = tpu.memref_squeeze %dma_wait3A_164 : memref<1x160x64xf32, #tpu.memory_space<hbm>> -> memref<160x64xf32, #tpu.memory_space<hbm>>
      %dma_wait3A_166 = arith.constant 0 : i32
      %dma_wait3A_167 = tpu.memref_slice %arg4[%arg0, %add3A_151, %dma_wait3A_166] : memref<2x10240x64xf32, #tpu.memory_space<hbm>> -> memref<1x160x64xf32, #tpu.memory_space<hbm>>
      %dma_wait3A_168 = tpu.memref_squeeze %dma_wait3A_167 : memref<1x160x64xf32, #tpu.memory_space<hbm>> -> memref<160x64xf32, #tpu.memory_space<hbm>>
      tpu.wait_dma2 semaphore(%run_scoped3A_156 : memref<!tpu.dma_semaphore, #tpu.memory_space<semaphore_mem>>) src(%arg9 : memref<160x64xf32, #tpu.memory_space<vmem>>) dst(%dma_wait3A_168 : memref<160x64xf32, #tpu.memory_space<hbm>>)
      tpu.yield
    }) : () -> ()
    %mul3A_152 = arith.constant 640 : i32
    %mul3A_153 = arith.muli %arg1, %mul3A_152 : i32
    %add3A_154 = arith.constant 480 : i32
    %add3A_155 = arith.addi %mul3A_153, %add3A_154 : i32
    "tpu.region"() ({
      %run_scoped3A_156 = tpu.sem_alloc : memref<!tpu.dma_semaphore, #tpu.memory_space<semaphore_mem>>
      %dma_start3A_157 = arith.constant 0 : i32
      %dma_start3A_158 = tpu.memref_slice %arg5[%add3A_155, %dma_start3A_157] : memref<10240x64xf32, #tpu.memory_space<vmem_shared>> -> memref<160x64xf32, #tpu.memory_space<vmem_shared>>
      %dma_start3A_159 = arith.constant 0 : i32
      %dma_start3A_160 = tpu.memref_slice %arg5[%add3A_155, %dma_start3A_159] : memref<10240x64xf32, #tpu.memory_space<vmem_shared>> -> memref<160x64xf32, #tpu.memory_space<vmem_shared>>
      tpu.enqueue_dma source(%dma_start3A_160 : memref<160x64xf32, #tpu.memory_space<vmem_shared>>) target(%arg9 : memref<160x64xf32, #tpu.memory_space<vmem>>) target_semaphore(%run_scoped3A_156 : memref<!tpu.dma_semaphore, #tpu.memory_space<semaphore_mem>>)
      %dma_wait3A_161 = arith.constant 0 : i32
      %dma_wait3A_162 = tpu.memref_slice %arg5[%add3A_155, %dma_wait3A_161] : memref<10240x64xf32, #tpu.memory_space<vmem_shared>> -> memref<160x64xf32, #tpu.memory_space<vmem_shared>>
      %dma_wait3A_163 = arith.constant 0 : i32
      %dma_wait3A_164 = tpu.memref_slice %arg5[%add3A_155, %dma_wait3A_163] : memref<10240x64xf32, #tpu.memory_space<vmem_shared>> -> memref<160x64xf32, #tpu.memory_space<vmem_shared>>
      tpu.wait_dma2 semaphore(%run_scoped3A_156 : memref<!tpu.dma_semaphore, #tpu.memory_space<semaphore_mem>>) src(%dma_wait3A_164 : memref<160x64xf32, #tpu.memory_space<vmem_shared>>) dst(%arg9 : memref<160x64xf32, #tpu.memory_space<vmem>>)
      tpu.yield
    }) : () -> ()
    "tpu.region"() ({
      %run_scoped3A_156 = tpu.sem_alloc : memref<!tpu.dma_semaphore, #tpu.memory_space<semaphore_mem>>
      %dma_start3A_157 = arith.constant 0 : i32
      %dma_start3A_158 = tpu.memref_slice %arg4[%arg0, %add3A_155, %dma_start3A_157] : memref<2x10240x64xf32, #tpu.memory_space<hbm>> -> memref<1x160x64xf32, #tpu.memory_space<hbm>>
      %dma_start3A_159 = tpu.memref_squeeze %dma_start3A_158 : memref<1x160x64xf32, #tpu.memory_space<hbm>> -> memref<160x64xf32, #tpu.memory_space<hbm>>
      %dma_start3A_160 = arith.constant 0 : i32
      %dma_start3A_161 = tpu.memref_slice %arg4[%arg0, %add3A_155, %dma_start3A_160] : memref<2x10240x64xf32, #tpu.memory_space<hbm>> -> memref<1x160x64xf32, #tpu.memory_space<hbm>>
      %dma_start3A_162 = tpu.memref_squeeze %dma_start3A_161 : memref<1x160x64xf32, #tpu.memory_space<hbm>> -> memref<160x64xf32, #tpu.memory_space<hbm>>
      tpu.enqueue_dma source(%arg9 : memref<160x64xf32, #tpu.memory_space<vmem>>) target(%dma_start3A_162 : memref<160x64xf32, #tpu.memory_space<hbm>>) target_semaphore(%run_scoped3A_156 : memref<!tpu.dma_semaphore, #tpu.memory_space<semaphore_mem>>)
      %dma_wait3A_163 = arith.constant 0 : i32
      %dma_wait3A_164 = tpu.memref_slice %arg4[%arg0, %add3A_155, %dma_wait3A_163] : memref<2x10240x64xf32, #tpu.memory_space<hbm>> -> memref<1x160x64xf32, #tpu.memory_space<hbm>>
      %dma_wait3A_165 = tpu.memref_squeeze %dma_wait3A_164 : memref<1x160x64xf32, #tpu.memory_space<hbm>> -> memref<160x64xf32, #tpu.memory_space<hbm>>
      %dma_wait3A_166 = arith.constant 0 : i32
      %dma_wait3A_167 = tpu.memref_slice %arg4[%arg0, %add3A_155, %dma_wait3A_166] : memref<2x10240x64xf32, #tpu.memory_space<hbm>> -> memref<1x160x64xf32, #tpu.memory_space<hbm>>
      %dma_wait3A_168 = tpu.memref_squeeze %dma_wait3A_167 : memref<1x160x64xf32, #tpu.memory_space<hbm>> -> memref<160x64xf32, #tpu.memory_space<hbm>>
      tpu.wait_dma2 semaphore(%run_scoped3A_156 : memref<!tpu.dma_semaphore, #tpu.memory_space<semaphore_mem>>) src(%arg9 : memref<160x64xf32, #tpu.memory_space<vmem>>) dst(%dma_wait3A_168 : memref<160x64xf32, #tpu.memory_space<hbm>>)
      tpu.yield
    }) : () -> ()
    return
  }
}

#map = affine_map<(d0, d1) -> (0, 0)>
#map1 = affine_map<(d0, d1) -> (0, 0, 0)>
module attributes {stable_mosaic.version = 14 : i64} {
  func.func @body(%arg0: i32, %arg1: i32, %arg2: memref<10000x64xf32, #tpu.memory_space<hbm>>, %arg3: memref<2x640000xi32, #tpu.memory_space<hbm>>, %arg4: memref<2x10240x64xf32, #tpu.memory_space<hbm>>, %arg5: memref<2x10240x16xf32, #tpu.memory_space<hbm>>, %arg6: memref<10240x64xf32, #tpu.memory_space<vmem_shared>>, %arg7: memref<10240x16xf32, #tpu.memory_space<vmem_shared>>, %arg8: memref<20000xi32, #tpu.memory_space<vmem>>, %arg9: memref<20000xi32, #tpu.memory_space<vmem>>, %arg10: memref<5x80x64xf32, #tpu.memory_space<vmem>>, %arg11: memref<160x64xf32, #tpu.memory_space<vmem>>, %arg12: memref<80x16xf32, #tpu.memory_space<vmem>>, %arg13: memref<160x16xf32, #tpu.memory_space<vmem>>, %arg14: memref<!tpu.dma_semaphore, #tpu.memory_space<semaphore_mem>>, %arg15: memref<!tpu.dma_semaphore, #tpu.memory_space<semaphore_mem>>, %arg16: memref<!tpu.dma_semaphore, #tpu.memory_space<semaphore_mem>>, %arg17: memref<!tpu.dma_semaphore, #tpu.memory_space<semaphore_mem>>, %arg18: memref<!tpu.dma_semaphore, #tpu.memory_space<semaphore_mem>>, %arg19: memref<!tpu.dma_semaphore, #tpu.memory_space<semaphore_mem>>) attributes {dimension_semantics = [#tpu.dimension_semantics<core_parallel>, #tpu.dimension_semantics<subcore_parallel>], iteration_bounds = array<i64: 2, 16>, scalar_prefetch = 0 : i64, scratch_operands = 14 : i64, tpu.core_type = #tpu.core_type<sc_vector_subcore>, window_params = [{transform_indices = #map}, {transform_indices = #map}, {transform_indices = #map1}, {transform_indices = #map1}]} {
    %mul3A = arith.constant 2 : i32
    %mul3A_0 = arith.muli %arg1, %mul3A : i32
    %add3A = arith.addi %mul3A_0, %arg0 : i32
    %broadcast_in_dim3A = arith.constant 0.000000e+00 : f32
    %broadcast_in_dim3A_1 = vector.broadcast %broadcast_in_dim3A : f32 to vector<16xf32>
    %scan3A = arith.constant 0 : i32
    %scan3A_2 = arith.constant 0 : i32
    %scan3A_3 = arith.constant 160 : i32
    %scan3A_4 = arith.addi %scan3A_2, %scan3A_3 : i32
    %scan3A_5 = arith.constant 1 : i32
    %scan3A_6 = scf.for %scan3A_261 = %scan3A_2 to %scan3A_4 step %scan3A_5 iter_args(%scan3A_262 = %scan3A) -> (i32)  : i32 {
      %swap3A = arith.index_cast %scan3A_261 : i32 to index
      %swap3A_263 = arith.constant 0 : index
      %swap3A_264 = tpu.vector_load %arg11[%swap3A, %swap3A_263] {strides = array<i32>} : memref<160x64xf32, #tpu.memory_space<vmem>>, vector<1x16xf32>,
      %swap3A_265 = vector.shape_cast %swap3A_264 : vector<1x16xf32> to vector<16xf32>
      %swap3A_266 = vector.shape_cast %broadcast_in_dim3A_1 : vector<16xf32> to vector<1x16xf32>
      tpu.vector_store %arg11[%swap3A, %swap3A_263], %swap3A_266 {strides = array<i32>} : memref<160x64xf32, #tpu.memory_space<vmem>>, vector<1x16xf32>,
      %swap3A_267 = arith.index_cast %scan3A_261 : i32 to index
      %swap3A_268 = arith.constant 16 : index
      %swap3A_269 = tpu.vector_load %arg11[%swap3A_267, %swap3A_268] {strides = array<i32>} : memref<160x64xf32, #tpu.memory_space<vmem>>, vector<1x16xf32>,
      %swap3A_270 = vector.shape_cast %swap3A_269 : vector<1x16xf32> to vector<16xf32>
      %swap3A_271 = vector.shape_cast %broadcast_in_dim3A_1 : vector<16xf32> to vector<1x16xf32>
      tpu.vector_store %arg11[%swap3A_267, %swap3A_268], %swap3A_271 {strides = array<i32>} : memref<160x64xf32, #tpu.memory_space<vmem>>, vector<1x16xf32>,
      %swap3A_272 = arith.index_cast %scan3A_261 : i32 to index
      %swap3A_273 = arith.constant 32 : index
      %swap3A_274 = tpu.vector_load %arg11[%swap3A_272, %swap3A_273] {strides = array<i32>} : memref<160x64xf32, #tpu.memory_space<vmem>>, vector<1x16xf32>,
      %swap3A_275 = vector.shape_cast %swap3A_274 : vector<1x16xf32> to vector<16xf32>
      %swap3A_276 = vector.shape_cast %broadcast_in_dim3A_1 : vector<16xf32> to vector<1x16xf32>
      tpu.vector_store %arg11[%swap3A_272, %swap3A_273], %swap3A_276 {strides = array<i32>} : memref<160x64xf32, #tpu.memory_space<vmem>>, vector<1x16xf32>,
      %swap3A_277 = arith.index_cast %scan3A_261 : i32 to index
      %swap3A_278 = arith.constant 48 : index
      %swap3A_279 = tpu.vector_load %arg11[%swap3A_277, %swap3A_278] {strides = array<i32>} : memref<160x64xf32, #tpu.memory_space<vmem>>, vector<1x16xf32>,
      %swap3A_280 = vector.shape_cast %swap3A_279 : vector<1x16xf32> to vector<16xf32>
      %swap3A_281 = vector.shape_cast %broadcast_in_dim3A_1 : vector<16xf32> to vector<1x16xf32>
      tpu.vector_store %arg11[%swap3A_277, %swap3A_278], %swap3A_281 {strides = array<i32>} : memref<160x64xf32, #tpu.memory_space<vmem>>, vector<1x16xf32>,
      %scan3A_282 = arith.constant 0 : i32
      scf.yield %scan3A_282 : i32
    }
    %scan3A_7 = arith.constant 160 : i32
    %mul3A_8 = arith.constant 640 : i32
    %mul3A_9 = arith.muli %arg1, %mul3A_8 : i32
    %add3A_10 = arith.constant 0 : i32
    %add3A_11 = arith.addi %mul3A_9, %add3A_10 : i32
    "tpu.region"() ({
      %run_scoped3A_261 = tpu.sem_alloc : memref<!tpu.dma_semaphore, #tpu.memory_space<semaphore_mem>>
      %dma_start3A_262 = arith.constant 0 : i32
      %dma_start3A_263 = tpu.memref_slice %arg6[%add3A_11, %dma_start3A_262] : memref<10240x64xf32, #tpu.memory_space<vmem_shared>> -> memref<160x64xf32, #tpu.memory_space<vmem_shared>>
      %dma_start3A_264 = arith.constant 0 : i32
      %dma_start3A_265 = tpu.memref_slice %arg6[%add3A_11, %dma_start3A_264] : memref<10240x64xf32, #tpu.memory_space<vmem_shared>> -> memref<160x64xf32, #tpu.memory_space<vmem_shared>>
      tpu.enqueue_dma source(%arg11 : memref<160x64xf32, #tpu.memory_space<vmem>>) target(%dma_start3A_265 : memref<160x64xf32, #tpu.memory_space<vmem_shared>>) target_semaphore(%run_scoped3A_261 : memref<!tpu.dma_semaphore, #tpu.memory_space<semaphore_mem>>)
      %dma_wait3A_266 = arith.constant 0 : i32
      %dma_wait3A_267 = tpu.memref_slice %arg6[%add3A_11, %dma_wait3A_266] : memref<10240x64xf32, #tpu.memory_space<vmem_shared>> -> memref<160x64xf32, #tpu.memory_space<vmem_shared>>
      %dma_wait3A_268 = arith.constant 0 : i32
      %dma_wait3A_269 = tpu.memref_slice %arg6[%add3A_11, %dma_wait3A_268] : memref<10240x64xf32, #tpu.memory_space<vmem_shared>> -> memref<160x64xf32, #tpu.memory_space<vmem_shared>>
      tpu.wait_dma2 semaphore(%run_scoped3A_261 : memref<!tpu.dma_semaphore, #tpu.memory_space<semaphore_mem>>) src(%arg11 : memref<160x64xf32, #tpu.memory_space<vmem>>) dst(%dma_wait3A_269 : memref<160x64xf32, #tpu.memory_space<vmem_shared>>)
      tpu.yield
    }) : () -> ()
    %mul3A_12 = arith.constant 640 : i32
    %mul3A_13 = arith.muli %arg1, %mul3A_12 : i32
    %add3A_14 = arith.constant 160 : i32
    %add3A_15 = arith.addi %mul3A_13, %add3A_14 : i32
    "tpu.region"() ({
      %run_scoped3A_261 = tpu.sem_alloc : memref<!tpu.dma_semaphore, #tpu.memory_space<semaphore_mem>>
      %dma_start3A_262 = arith.constant 0 : i32
      %dma_start3A_263 = tpu.memref_slice %arg6[%add3A_15, %dma_start3A_262] : memref<10240x64xf32, #tpu.memory_space<vmem_shared>> -> memref<160x64xf32, #tpu.memory_space<vmem_shared>>
      %dma_start3A_264 = arith.constant 0 : i32
      %dma_start3A_265 = tpu.memref_slice %arg6[%add3A_15, %dma_start3A_264] : memref<10240x64xf32, #tpu.memory_space<vmem_shared>> -> memref<160x64xf32, #tpu.memory_space<vmem_shared>>
      tpu.enqueue_dma source(%arg11 : memref<160x64xf32, #tpu.memory_space<vmem>>) target(%dma_start3A_265 : memref<160x64xf32, #tpu.memory_space<vmem_shared>>) target_semaphore(%run_scoped3A_261 : memref<!tpu.dma_semaphore, #tpu.memory_space<semaphore_mem>>)
      %dma_wait3A_266 = arith.constant 0 : i32
      %dma_wait3A_267 = tpu.memref_slice %arg6[%add3A_15, %dma_wait3A_266] : memref<10240x64xf32, #tpu.memory_space<vmem_shared>> -> memref<160x64xf32, #tpu.memory_space<vmem_shared>>
      %dma_wait3A_268 = arith.constant 0 : i32
      %dma_wait3A_269 = tpu.memref_slice %arg6[%add3A_15, %dma_wait3A_268] : memref<10240x64xf32, #tpu.memory_space<vmem_shared>> -> memref<160x64xf32, #tpu.memory_space<vmem_shared>>
      tpu.wait_dma2 semaphore(%run_scoped3A_261 : memref<!tpu.dma_semaphore, #tpu.memory_space<semaphore_mem>>) src(%arg11 : memref<160x64xf32, #tpu.memory_space<vmem>>) dst(%dma_wait3A_269 : memref<160x64xf32, #tpu.memory_space<vmem_shared>>)
      tpu.yield
    }) : () -> ()
    %mul3A_16 = arith.constant 640 : i32
    %mul3A_17 = arith.muli %arg1, %mul3A_16 : i32
    %add3A_18 = arith.constant 320 : i32
    %add3A_19 = arith.addi %mul3A_17, %add3A_18 : i32
    "tpu.region"() ({
      %run_scoped3A_261 = tpu.sem_alloc : memref<!tpu.dma_semaphore, #tpu.memory_space<semaphore_mem>>
      %dma_start3A_262 = arith.constant 0 : i32
      %dma_start3A_263 = tpu.memref_slice %arg6[%add3A_19, %dma_start3A_262] : memref<10240x64xf32, #tpu.memory_space<vmem_shared>> -> memref<160x64xf32, #tpu.memory_space<vmem_shared>>
      %dma_start3A_264 = arith.constant 0 : i32
      %dma_start3A_265 = tpu.memref_slice %arg6[%add3A_19, %dma_start3A_264] : memref<10240x64xf32, #tpu.memory_space<vmem_shared>> -> memref<160x64xf32, #tpu.memory_space<vmem_shared>>
      tpu.enqueue_dma source(%arg11 : memref<160x64xf32, #tpu.memory_space<vmem>>) target(%dma_start3A_265 : memref<160x64xf32, #tpu.memory_space<vmem_shared>>) target_semaphore(%run_scoped3A_261 : memref<!tpu.dma_semaphore, #tpu.memory_space<semaphore_mem>>)
      %dma_wait3A_266 = arith.constant 0 : i32
      %dma_wait3A_267 = tpu.memref_slice %arg6[%add3A_19, %dma_wait3A_266] : memref<10240x64xf32, #tpu.memory_space<vmem_shared>> -> memref<160x64xf32, #tpu.memory_space<vmem_shared>>
      %dma_wait3A_268 = arith.constant 0 : i32
      %dma_wait3A_269 = tpu.memref_slice %arg6[%add3A_19, %dma_wait3A_268] : memref<10240x64xf32, #tpu.memory_space<vmem_shared>> -> memref<160x64xf32, #tpu.memory_space<vmem_shared>>
      tpu.wait_dma2 semaphore(%run_scoped3A_261 : memref<!tpu.dma_semaphore, #tpu.memory_space<semaphore_mem>>) src(%arg11 : memref<160x64xf32, #tpu.memory_space<vmem>>) dst(%dma_wait3A_269 : memref<160x64xf32, #tpu.memory_space<vmem_shared>>)
      tpu.yield
    }) : () -> ()
    %mul3A_20 = arith.constant 640 : i32
    %mul3A_21 = arith.muli %arg1, %mul3A_20 : i32
    %add3A_22 = arith.constant 480 : i32
    %add3A_23 = arith.addi %mul3A_21, %add3A_22 : i32
    "tpu.region"() ({
      %run_scoped3A_261 = tpu.sem_alloc : memref<!tpu.dma_semaphore, #tpu.memory_space<semaphore_mem>>
      %dma_start3A_262 = arith.constant 0 : i32
      %dma_start3A_263 = tpu.memref_slice %arg6[%add3A_23, %dma_start3A_262] : memref<10240x64xf32, #tpu.memory_space<vmem_shared>> -> memref<160x64xf32, #tpu.memory_space<vmem_shared>>
      %dma_start3A_264 = arith.constant 0 : i32
      %dma_start3A_265 = tpu.memref_slice %arg6[%add3A_23, %dma_start3A_264] : memref<10240x64xf32, #tpu.memory_space<vmem_shared>> -> memref<160x64xf32, #tpu.memory_space<vmem_shared>>
      tpu.enqueue_dma source(%arg11 : memref<160x64xf32, #tpu.memory_space<vmem>>) target(%dma_start3A_265 : memref<160x64xf32, #tpu.memory_space<vmem_shared>>) target_semaphore(%run_scoped3A_261 : memref<!tpu.dma_semaphore, #tpu.memory_space<semaphore_mem>>)
      %dma_wait3A_266 = arith.constant 0 : i32
      %dma_wait3A_267 = tpu.memref_slice %arg6[%add3A_23, %dma_wait3A_266] : memref<10240x64xf32, #tpu.memory_space<vmem_shared>> -> memref<160x64xf32, #tpu.memory_space<vmem_shared>>
      %dma_wait3A_268 = arith.constant 0 : i32
      %dma_wait3A_269 = tpu.memref_slice %arg6[%add3A_23, %dma_wait3A_268] : memref<10240x64xf32, #tpu.memory_space<vmem_shared>> -> memref<160x64xf32, #tpu.memory_space<vmem_shared>>
      tpu.wait_dma2 semaphore(%run_scoped3A_261 : memref<!tpu.dma_semaphore, #tpu.memory_space<semaphore_mem>>) src(%arg11 : memref<160x64xf32, #tpu.memory_space<vmem>>) dst(%dma_wait3A_269 : memref<160x64xf32, #tpu.memory_space<vmem_shared>>)
      tpu.yield
    }) : () -> ()
    %broadcast_in_dim3A_24 = arith.constant 0.000000e+00 : f32
    %broadcast_in_dim3A_25 = vector.broadcast %broadcast_in_dim3A_24 : f32 to vector<16xf32>
    %scan3A_26 = arith.constant 0 : i32
    %scan3A_27 = arith.constant 0 : i32
    %scan3A_28 = arith.constant 160 : i32
    %scan3A_29 = arith.addi %scan3A_27, %scan3A_28 : i32
    %scan3A_30 = arith.constant 1 : i32
    %scan3A_31 = scf.for %scan3A_261 = %scan3A_27 to %scan3A_29 step %scan3A_30 iter_args(%scan3A_262 = %scan3A_26) -> (i32)  : i32 {
      %swap3A = arith.index_cast %scan3A_261 : i32 to index
      %swap3A_263 = arith.constant 0 : index
      %swap3A_264 = tpu.vector_load %arg13[%swap3A, %swap3A_263] {strides = array<i32>} : memref<160x16xf32, #tpu.memory_space<vmem>>, vector<1x16xf32>,
      %swap3A_265 = vector.shape_cast %swap3A_264 : vector<1x16xf32> to vector<16xf32>
      %swap3A_266 = vector.shape_cast %broadcast_in_dim3A_25 : vector<16xf32> to vector<1x16xf32>
      tpu.vector_store %arg13[%swap3A, %swap3A_263], %swap3A_266 {strides = array<i32>} : memref<160x16xf32, #tpu.memory_space<vmem>>, vector<1x16xf32>,
      %scan3A_267 = arith.constant 0 : i32
      scf.yield %scan3A_267 : i32
    }
    %scan3A_32 = arith.constant 160 : i32
    %broadcast_in_dim3A_33 = arith.constant 1.000000e+00 : f32
    %broadcast_in_dim3A_34 = vector.broadcast %broadcast_in_dim3A_33 : f32 to vector<16xf32>
    %scan3A_35 = arith.constant 0 : i32
    %scan3A_36 = arith.constant 0 : i32
    %scan3A_37 = arith.constant 80 : i32
    %scan3A_38 = arith.addi %scan3A_36, %scan3A_37 : i32
    %scan3A_39 = arith.constant 1 : i32
    %scan3A_40 = scf.for %scan3A_261 = %scan3A_36 to %scan3A_38 step %scan3A_39 iter_args(%scan3A_262 = %scan3A_35) -> (i32)  : i32 {
      %swap3A = arith.index_cast %scan3A_261 : i32 to index
      %swap3A_263 = arith.constant 0 : index
      %swap3A_264 = tpu.vector_load %arg12[%swap3A, %swap3A_263] {strides = array<i32>} : memref<80x16xf32, #tpu.memory_space<vmem>>, vector<1x16xf32>,
      %swap3A_265 = vector.shape_cast %swap3A_264 : vector<1x16xf32> to vector<16xf32>
      %swap3A_266 = vector.shape_cast %broadcast_in_dim3A_34 : vector<16xf32> to vector<1x16xf32>
      tpu.vector_store %arg12[%swap3A, %swap3A_263], %swap3A_266 {strides = array<i32>} : memref<80x16xf32, #tpu.memory_space<vmem>>, vector<1x16xf32>,
      %scan3A_267 = arith.constant 0 : i32
      scf.yield %scan3A_267 : i32
    }
    %scan3A_41 = arith.constant 80 : i32
    %mul3A_42 = arith.constant 640 : i32
    %mul3A_43 = arith.muli %arg1, %mul3A_42 : i32
    %add3A_44 = arith.constant 0 : i32
    %add3A_45 = arith.addi %mul3A_43, %add3A_44 : i32
    "tpu.region"() ({
      %run_scoped3A_261 = tpu.sem_alloc : memref<!tpu.dma_semaphore, #tpu.memory_space<semaphore_mem>>
      %dma_start3A_262 = arith.constant 0 : i32
      %dma_start3A_263 = tpu.memref_slice %arg7[%add3A_45, %dma_start3A_262] : memref<10240x16xf32, #tpu.memory_space<vmem_shared>> -> memref<160x16xf32, #tpu.memory_space<vmem_shared>>
      %dma_start3A_264 = arith.constant 0 : i32
      %dma_start3A_265 = tpu.memref_slice %arg7[%add3A_45, %dma_start3A_264] : memref<10240x16xf32, #tpu.memory_space<vmem_shared>> -> memref<160x16xf32, #tpu.memory_space<vmem_shared>>
      tpu.enqueue_dma source(%arg13 : memref<160x16xf32, #tpu.memory_space<vmem>>) target(%dma_start3A_265 : memref<160x16xf32, #tpu.memory_space<vmem_shared>>) target_semaphore(%run_scoped3A_261 : memref<!tpu.dma_semaphore, #tpu.memory_space<semaphore_mem>>)
      %dma_wait3A_266 = arith.constant 0 : i32
      %dma_wait3A_267 = tpu.memref_slice %arg7[%add3A_45, %dma_wait3A_266] : memref<10240x16xf32, #tpu.memory_space<vmem_shared>> -> memref<160x16xf32, #tpu.memory_space<vmem_shared>>
      %dma_wait3A_268 = arith.constant 0 : i32
      %dma_wait3A_269 = tpu.memref_slice %arg7[%add3A_45, %dma_wait3A_268] : memref<10240x16xf32, #tpu.memory_space<vmem_shared>> -> memref<160x16xf32, #tpu.memory_space<vmem_shared>>
      tpu.wait_dma2 semaphore(%run_scoped3A_261 : memref<!tpu.dma_semaphore, #tpu.memory_space<semaphore_mem>>) src(%arg13 : memref<160x16xf32, #tpu.memory_space<vmem>>) dst(%dma_wait3A_269 : memref<160x16xf32, #tpu.memory_space<vmem_shared>>)
      tpu.yield
    }) : () -> ()
    %mul3A_46 = arith.constant 640 : i32
    %mul3A_47 = arith.muli %arg1, %mul3A_46 : i32
    %add3A_48 = arith.constant 160 : i32
    %add3A_49 = arith.addi %mul3A_47, %add3A_48 : i32
    "tpu.region"() ({
      %run_scoped3A_261 = tpu.sem_alloc : memref<!tpu.dma_semaphore, #tpu.memory_space<semaphore_mem>>
      %dma_start3A_262 = arith.constant 0 : i32
      %dma_start3A_263 = tpu.memref_slice %arg7[%add3A_49, %dma_start3A_262] : memref<10240x16xf32, #tpu.memory_space<vmem_shared>> -> memref<160x16xf32, #tpu.memory_space<vmem_shared>>
      %dma_start3A_264 = arith.constant 0 : i32
      %dma_start3A_265 = tpu.memref_slice %arg7[%add3A_49, %dma_start3A_264] : memref<10240x16xf32, #tpu.memory_space<vmem_shared>> -> memref<160x16xf32, #tpu.memory_space<vmem_shared>>
      tpu.enqueue_dma source(%arg13 : memref<160x16xf32, #tpu.memory_space<vmem>>) target(%dma_start3A_265 : memref<160x16xf32, #tpu.memory_space<vmem_shared>>) target_semaphore(%run_scoped3A_261 : memref<!tpu.dma_semaphore, #tpu.memory_space<semaphore_mem>>)
      %dma_wait3A_266 = arith.constant 0 : i32
      %dma_wait3A_267 = tpu.memref_slice %arg7[%add3A_49, %dma_wait3A_266] : memref<10240x16xf32, #tpu.memory_space<vmem_shared>> -> memref<160x16xf32, #tpu.memory_space<vmem_shared>>
      %dma_wait3A_268 = arith.constant 0 : i32
      %dma_wait3A_269 = tpu.memref_slice %arg7[%add3A_49, %dma_wait3A_268] : memref<10240x16xf32, #tpu.memory_space<vmem_shared>> -> memref<160x16xf32, #tpu.memory_space<vmem_shared>>
      tpu.wait_dma2 semaphore(%run_scoped3A_261 : memref<!tpu.dma_semaphore, #tpu.memory_space<semaphore_mem>>) src(%arg13 : memref<160x16xf32, #tpu.memory_space<vmem>>) dst(%dma_wait3A_269 : memref<160x16xf32, #tpu.memory_space<vmem_shared>>)
      tpu.yield
    }) : () -> ()
    %mul3A_50 = arith.constant 640 : i32
    %mul3A_51 = arith.muli %arg1, %mul3A_50 : i32
    %add3A_52 = arith.constant 320 : i32
    %add3A_53 = arith.addi %mul3A_51, %add3A_52 : i32
    "tpu.region"() ({
      %run_scoped3A_261 = tpu.sem_alloc : memref<!tpu.dma_semaphore, #tpu.memory_space<semaphore_mem>>
      %dma_start3A_262 = arith.constant 0 : i32
      %dma_start3A_263 = tpu.memref_slice %arg7[%add3A_53, %dma_start3A_262] : memref<10240x16xf32, #tpu.memory_space<vmem_shared>> -> memref<160x16xf32, #tpu.memory_space<vmem_shared>>
      %dma_start3A_264 = arith.constant 0 : i32
      %dma_start3A_265 = tpu.memref_slice %arg7[%add3A_53, %dma_start3A_264] : memref<10240x16xf32, #tpu.memory_space<vmem_shared>> -> memref<160x16xf32, #tpu.memory_space<vmem_shared>>
      tpu.enqueue_dma source(%arg13 : memref<160x16xf32, #tpu.memory_space<vmem>>) target(%dma_start3A_265 : memref<160x16xf32, #tpu.memory_space<vmem_shared>>) target_semaphore(%run_scoped3A_261 : memref<!tpu.dma_semaphore, #tpu.memory_space<semaphore_mem>>)
      %dma_wait3A_266 = arith.constant 0 : i32
      %dma_wait3A_267 = tpu.memref_slice %arg7[%add3A_53, %dma_wait3A_266] : memref<10240x16xf32, #tpu.memory_space<vmem_shared>> -> memref<160x16xf32, #tpu.memory_space<vmem_shared>>
      %dma_wait3A_268 = arith.constant 0 : i32
      %dma_wait3A_269 = tpu.memref_slice %arg7[%add3A_53, %dma_wait3A_268] : memref<10240x16xf32, #tpu.memory_space<vmem_shared>> -> memref<160x16xf32, #tpu.memory_space<vmem_shared>>
      tpu.wait_dma2 semaphore(%run_scoped3A_261 : memref<!tpu.dma_semaphore, #tpu.memory_space<semaphore_mem>>) src(%arg13 : memref<160x16xf32, #tpu.memory_space<vmem>>) dst(%dma_wait3A_269 : memref<160x16xf32, #tpu.memory_space<vmem_shared>>)
      tpu.yield
    }) : () -> ()
    %mul3A_54 = arith.constant 640 : i32
    %mul3A_55 = arith.muli %arg1, %mul3A_54 : i32
    %add3A_56 = arith.constant 480 : i32
    %add3A_57 = arith.addi %mul3A_55, %add3A_56 : i32
    "tpu.region"() ({
      %run_scoped3A_261 = tpu.sem_alloc : memref<!tpu.dma_semaphore, #tpu.memory_space<semaphore_mem>>
      %dma_start3A_262 = arith.constant 0 : i32
      %dma_start3A_263 = tpu.memref_slice %arg7[%add3A_57, %dma_start3A_262] : memref<10240x16xf32, #tpu.memory_space<vmem_shared>> -> memref<160x16xf32, #tpu.memory_space<vmem_shared>>
      %dma_start3A_264 = arith.constant 0 : i32
      %dma_start3A_265 = tpu.memref_slice %arg7[%add3A_57, %dma_start3A_264] : memref<10240x16xf32, #tpu.memory_space<vmem_shared>> -> memref<160x16xf32, #tpu.memory_space<vmem_shared>>
      tpu.enqueue_dma source(%arg13 : memref<160x16xf32, #tpu.memory_space<vmem>>) target(%dma_start3A_265 : memref<160x16xf32, #tpu.memory_space<vmem_shared>>) target_semaphore(%run_scoped3A_261 : memref<!tpu.dma_semaphore, #tpu.memory_space<semaphore_mem>>)
      %dma_wait3A_266 = arith.constant 0 : i32
      %dma_wait3A_267 = tpu.memref_slice %arg7[%add3A_57, %dma_wait3A_266] : memref<10240x16xf32, #tpu.memory_space<vmem_shared>> -> memref<160x16xf32, #tpu.memory_space<vmem_shared>>
      %dma_wait3A_268 = arith.constant 0 : i32
      %dma_wait3A_269 = tpu.memref_slice %arg7[%add3A_57, %dma_wait3A_268] : memref<10240x16xf32, #tpu.memory_space<vmem_shared>> -> memref<160x16xf32, #tpu.memory_space<vmem_shared>>
      tpu.wait_dma2 semaphore(%run_scoped3A_261 : memref<!tpu.dma_semaphore, #tpu.memory_space<semaphore_mem>>) src(%arg13 : memref<160x16xf32, #tpu.memory_space<vmem>>) dst(%dma_wait3A_269 : memref<160x16xf32, #tpu.memory_space<vmem_shared>>)
      tpu.yield
    }) : () -> ()
    %mul3A_58 = arith.constant 20000 : i32
    %mul3A_59 = arith.muli %add3A, %mul3A_58 : i32
    %run_scoped3A = arith.constant 0 : i32
    "tpu.region"() ({
      %run_scoped3A_261 = tpu.sem_alloc : memref<!tpu.dma_semaphore, #tpu.memory_space<semaphore_mem>>
      %dma_start3A_262 = tpu.memref_slice %arg3[%run_scoped3A, %mul3A_59] : memref<2x640000xi32, #tpu.memory_space<hbm>> -> memref<1x20000xi32, #tpu.memory_space<hbm>>
      %dma_start3A_263 = tpu.memref_squeeze %dma_start3A_262 : memref<1x20000xi32, #tpu.memory_space<hbm>> -> memref<20000xi32, #tpu.memory_space<hbm>>
      %dma_start3A_264 = tpu.memref_slice %arg3[%run_scoped3A, %mul3A_59] : memref<2x640000xi32, #tpu.memory_space<hbm>> -> memref<1x20000xi32, #tpu.memory_space<hbm>>
      %dma_start3A_265 = tpu.memref_squeeze %dma_start3A_264 : memref<1x20000xi32, #tpu.memory_space<hbm>> -> memref<20000xi32, #tpu.memory_space<hbm>>
      tpu.enqueue_dma source(%dma_start3A_265 : memref<20000xi32, #tpu.memory_space<hbm>>) target(%arg8 : memref<20000xi32, #tpu.memory_space<vmem>>) target_semaphore(%run_scoped3A_261 : memref<!tpu.dma_semaphore, #tpu.memory_space<semaphore_mem>>)
      %dma_wait3A_266 = tpu.memref_slice %arg3[%run_scoped3A, %mul3A_59] : memref<2x640000xi32, #tpu.memory_space<hbm>> -> memref<1x20000xi32, #tpu.memory_space<hbm>>
      %dma_wait3A_267 = tpu.memref_squeeze %dma_wait3A_266 : memref<1x20000xi32, #tpu.memory_space<hbm>> -> memref<20000xi32, #tpu.memory_space<hbm>>
      %dma_wait3A_268 = tpu.memref_slice %arg3[%run_scoped3A, %mul3A_59] : memref<2x640000xi32, #tpu.memory_space<hbm>> -> memref<1x20000xi32, #tpu.memory_space<hbm>>
      %dma_wait3A_269 = tpu.memref_squeeze %dma_wait3A_268 : memref<1x20000xi32, #tpu.memory_space<hbm>> -> memref<20000xi32, #tpu.memory_space<hbm>>
      tpu.wait_dma2 semaphore(%run_scoped3A_261 : memref<!tpu.dma_semaphore, #tpu.memory_space<semaphore_mem>>) src(%dma_wait3A_269 : memref<20000xi32, #tpu.memory_space<hbm>>) dst(%arg8 : memref<20000xi32, #tpu.memory_space<vmem>>)
      tpu.yield
    }) : () -> ()
    %mul3A_60 = arith.constant 20000 : i32
    %mul3A_61 = arith.muli %add3A, %mul3A_60 : i32
    %run_scoped3A_62 = arith.constant 1 : i32
    "tpu.region"() ({
      %run_scoped3A_261 = tpu.sem_alloc : memref<!tpu.dma_semaphore, #tpu.memory_space<semaphore_mem>>
      %dma_start3A_262 = tpu.memref_slice %arg3[%run_scoped3A_62, %mul3A_61] : memref<2x640000xi32, #tpu.memory_space<hbm>> -> memref<1x20000xi32, #tpu.memory_space<hbm>>
      %dma_start3A_263 = tpu.memref_squeeze %dma_start3A_262 : memref<1x20000xi32, #tpu.memory_space<hbm>> -> memref<20000xi32, #tpu.memory_space<hbm>>
      %dma_start3A_264 = tpu.memref_slice %arg3[%run_scoped3A_62, %mul3A_61] : memref<2x640000xi32, #tpu.memory_space<hbm>> -> memref<1x20000xi32, #tpu.memory_space<hbm>>
      %dma_start3A_265 = tpu.memref_squeeze %dma_start3A_264 : memref<1x20000xi32, #tpu.memory_space<hbm>> -> memref<20000xi32, #tpu.memory_space<hbm>>
      tpu.enqueue_dma source(%dma_start3A_265 : memref<20000xi32, #tpu.memory_space<hbm>>) target(%arg9 : memref<20000xi32, #tpu.memory_space<vmem>>) target_semaphore(%run_scoped3A_261 : memref<!tpu.dma_semaphore, #tpu.memory_space<semaphore_mem>>)
      %dma_wait3A_266 = tpu.memref_slice %arg3[%run_scoped3A_62, %mul3A_61] : memref<2x640000xi32, #tpu.memory_space<hbm>> -> memref<1x20000xi32, #tpu.memory_space<hbm>>
      %dma_wait3A_267 = tpu.memref_squeeze %dma_wait3A_266 : memref<1x20000xi32, #tpu.memory_space<hbm>> -> memref<20000xi32, #tpu.memory_space<hbm>>
      %dma_wait3A_268 = tpu.memref_slice %arg3[%run_scoped3A_62, %mul3A_61] : memref<2x640000xi32, #tpu.memory_space<hbm>> -> memref<1x20000xi32, #tpu.memory_space<hbm>>
      %dma_wait3A_269 = tpu.memref_squeeze %dma_wait3A_268 : memref<1x20000xi32, #tpu.memory_space<hbm>> -> memref<20000xi32, #tpu.memory_space<hbm>>
      tpu.wait_dma2 semaphore(%run_scoped3A_261 : memref<!tpu.dma_semaphore, #tpu.memory_space<semaphore_mem>>) src(%dma_wait3A_269 : memref<20000xi32, #tpu.memory_space<hbm>>) dst(%arg9 : memref<20000xi32, #tpu.memory_space<vmem>>)
      tpu.yield
    }) : () -> ()
    %barrier3A = arith.constant 0 : index
    tpu.barrier barrier_id(%barrier3A)
    %dma_start3A = arith.constant 0 : i32
    %dma_start3A_63 = arith.constant 0 : i32
    %dma_start3A_64 = arith.constant 0 : i32
    %dma_start3A_65 = tpu.memref_slice %arg10[%dma_start3A, %dma_start3A_63, %dma_start3A_64] : memref<5x80x64xf32, #tpu.memory_space<vmem>> -> memref<1x80x64xf32, #tpu.memory_space<vmem>>
    %dma_start3A_66 = tpu.memref_squeeze %dma_start3A_65 : memref<1x80x64xf32, #tpu.memory_space<vmem>> -> memref<80x64xf32, #tpu.memory_space<vmem>>
    %dma_start3A_67 = arith.constant 0 : i32
    %dma_start3A_68 = tpu.memref_slice %arg8[%dma_start3A_67] : memref<20000xi32, #tpu.memory_space<vmem>> -> memref<80xi32, #tpu.memory_space<vmem>>
    %dma_start3A_69 = arith.constant 0 : i32
    %dma_start3A_70 = arith.constant 0 : i32
    %dma_start3A_71 = tpu.memref_slice %arg2[%dma_start3A_69, %dma_start3A_70] : memref<10000x64xf32, #tpu.memory_space<hbm>> -> memref<10000x64xf32, #tpu.memory_space<hbm>>
    tpu.enqueue_indirect_dma source(%dma_start3A_71 : memref<10000x64xf32, #tpu.memory_space<hbm>>) target(%dma_start3A_66 : memref<80x64xf32, #tpu.memory_space<vmem>>) offsets(%dma_start3A_68 : memref<80xi32, #tpu.memory_space<vmem>>) semaphore(%arg15 : memref<!tpu.dma_semaphore, #tpu.memory_space<semaphore_mem>>)
    %dma_start3A_72 = arith.constant 1 : i32
    %dma_start3A_73 = arith.constant 0 : i32
    %dma_start3A_74 = arith.constant 0 : i32
    %dma_start3A_75 = tpu.memref_slice %arg10[%dma_start3A_72, %dma_start3A_73, %dma_start3A_74] : memref<5x80x64xf32, #tpu.memory_space<vmem>> -> memref<1x80x64xf32, #tpu.memory_space<vmem>>
    %dma_start3A_76 = tpu.memref_squeeze %dma_start3A_75 : memref<1x80x64xf32, #tpu.memory_space<vmem>> -> memref<80x64xf32, #tpu.memory_space<vmem>>
    %dma_start3A_77 = arith.constant 80 : i32
    %dma_start3A_78 = tpu.memref_slice %arg8[%dma_start3A_77] : memref<20000xi32, #tpu.memory_space<vmem>> -> memref<80xi32, #tpu.memory_space<vmem>>
    %dma_start3A_79 = arith.constant 0 : i32
    %dma_start3A_80 = arith.constant 0 : i32
    %dma_start3A_81 = tpu.memref_slice %arg2[%dma_start3A_79, %dma_start3A_80] : memref<10000x64xf32, #tpu.memory_space<hbm>> -> memref<10000x64xf32, #tpu.memory_space<hbm>>
    tpu.enqueue_indirect_dma source(%dma_start3A_81 : memref<10000x64xf32, #tpu.memory_space<hbm>>) target(%dma_start3A_76 : memref<80x64xf32, #tpu.memory_space<vmem>>) offsets(%dma_start3A_78 : memref<80xi32, #tpu.memory_space<vmem>>) semaphore(%arg16 : memref<!tpu.dma_semaphore, #tpu.memory_space<semaphore_mem>>)
    %dma_start3A_82 = arith.constant 2 : i32
    %dma_start3A_83 = arith.constant 0 : i32
    %dma_start3A_84 = arith.constant 0 : i32
    %dma_start3A_85 = tpu.memref_slice %arg10[%dma_start3A_82, %dma_start3A_83, %dma_start3A_84] : memref<5x80x64xf32, #tpu.memory_space<vmem>> -> memref<1x80x64xf32, #tpu.memory_space<vmem>>
    %dma_start3A_86 = tpu.memref_squeeze %dma_start3A_85 : memref<1x80x64xf32, #tpu.memory_space<vmem>> -> memref<80x64xf32, #tpu.memory_space<vmem>>
    %dma_start3A_87 = arith.constant 160 : i32
    %dma_start3A_88 = tpu.memref_slice %arg8[%dma_start3A_87] : memref<20000xi32, #tpu.memory_space<vmem>> -> memref<80xi32, #tpu.memory_space<vmem>>
    %dma_start3A_89 = arith.constant 0 : i32
    %dma_start3A_90 = arith.constant 0 : i32
    %dma_start3A_91 = tpu.memref_slice %arg2[%dma_start3A_89, %dma_start3A_90] : memref<10000x64xf32, #tpu.memory_space<hbm>> -> memref<10000x64xf32, #tpu.memory_space<hbm>>
    tpu.enqueue_indirect_dma source(%dma_start3A_91 : memref<10000x64xf32, #tpu.memory_space<hbm>>) target(%dma_start3A_86 : memref<80x64xf32, #tpu.memory_space<vmem>>) offsets(%dma_start3A_88 : memref<80xi32, #tpu.memory_space<vmem>>) semaphore(%arg17 : memref<!tpu.dma_semaphore, #tpu.memory_space<semaphore_mem>>)
    %dma_start3A_92 = arith.constant 3 : i32
    %dma_start3A_93 = arith.constant 0 : i32
    %dma_start3A_94 = arith.constant 0 : i32
    %dma_start3A_95 = tpu.memref_slice %arg10[%dma_start3A_92, %dma_start3A_93, %dma_start3A_94] : memref<5x80x64xf32, #tpu.memory_space<vmem>> -> memref<1x80x64xf32, #tpu.memory_space<vmem>>
    %dma_start3A_96 = tpu.memref_squeeze %dma_start3A_95 : memref<1x80x64xf32, #tpu.memory_space<vmem>> -> memref<80x64xf32, #tpu.memory_space<vmem>>
    %dma_start3A_97 = arith.constant 240 : i32
    %dma_start3A_98 = tpu.memref_slice %arg8[%dma_start3A_97] : memref<20000xi32, #tpu.memory_space<vmem>> -> memref<80xi32, #tpu.memory_space<vmem>>
    %dma_start3A_99 = arith.constant 0 : i32
    %dma_start3A_100 = arith.constant 0 : i32
    %dma_start3A_101 = tpu.memref_slice %arg2[%dma_start3A_99, %dma_start3A_100] : memref<10000x64xf32, #tpu.memory_space<hbm>> -> memref<10000x64xf32, #tpu.memory_space<hbm>>
    tpu.enqueue_indirect_dma source(%dma_start3A_101 : memref<10000x64xf32, #tpu.memory_space<hbm>>) target(%dma_start3A_96 : memref<80x64xf32, #tpu.memory_space<vmem>>) offsets(%dma_start3A_98 : memref<80xi32, #tpu.memory_space<vmem>>) semaphore(%arg18 : memref<!tpu.dma_semaphore, #tpu.memory_space<semaphore_mem>>)
    %dma_start3A_102 = arith.constant 4 : i32
    %dma_start3A_103 = arith.constant 0 : i32
    %dma_start3A_104 = arith.constant 0 : i32
    %dma_start3A_105 = tpu.memref_slice %arg10[%dma_start3A_102, %dma_start3A_103, %dma_start3A_104] : memref<5x80x64xf32, #tpu.memory_space<vmem>> -> memref<1x80x64xf32, #tpu.memory_space<vmem>>
    %dma_start3A_106 = tpu.memref_squeeze %dma_start3A_105 : memref<1x80x64xf32, #tpu.memory_space<vmem>> -> memref<80x64xf32, #tpu.memory_space<vmem>>
    %dma_start3A_107 = arith.constant 320 : i32
    %dma_start3A_108 = tpu.memref_slice %arg8[%dma_start3A_107] : memref<20000xi32, #tpu.memory_space<vmem>> -> memref<80xi32, #tpu.memory_space<vmem>>
    %dma_start3A_109 = arith.constant 0 : i32
    %dma_start3A_110 = arith.constant 0 : i32
    %dma_start3A_111 = tpu.memref_slice %arg2[%dma_start3A_109, %dma_start3A_110] : memref<10000x64xf32, #tpu.memory_space<hbm>> -> memref<10000x64xf32, #tpu.memory_space<hbm>>
    tpu.enqueue_indirect_dma source(%dma_start3A_111 : memref<10000x64xf32, #tpu.memory_space<hbm>>) target(%dma_start3A_106 : memref<80x64xf32, #tpu.memory_space<vmem>>) offsets(%dma_start3A_108 : memref<80xi32, #tpu.memory_space<vmem>>) semaphore(%arg19 : memref<!tpu.dma_semaphore, #tpu.memory_space<semaphore_mem>>)
    %scan3A_112 = arith.constant 0 : i32
    %scan3A_113 = arith.constant 0 : i32
    %scan3A_114 = arith.constant 49 : i32
    %scan3A_115 = arith.addi %scan3A_113, %scan3A_114 : i32
    %scan3A_116 = arith.constant 1 : i32
    %scan3A_117 = scf.for %scan3A_261 = %scan3A_113 to %scan3A_115 step %scan3A_116 iter_args(%scan3A_262 = %scan3A_112) -> (i32)  : i32 {
      %mul3A_263 = arith.constant 5 : i32
      %mul3A_264 = arith.muli %scan3A_261, %mul3A_263 : i32
      %add3A_265 = arith.constant 0 : i32
      %add3A_266 = arith.addi %mul3A_264, %add3A_265 : i32
      %dma_wait3A_267 = arith.constant 0 : i32
      %dma_wait3A_268 = arith.constant 0 : i32
      %dma_wait3A_269 = arith.constant 0 : i32
      %dma_wait3A_270 = tpu.memref_slice %arg10[%dma_wait3A_267, %dma_wait3A_268, %dma_wait3A_269] : memref<5x80x64xf32, #tpu.memory_space<vmem>> -> memref<1x80x64xf32, #tpu.memory_space<vmem>>
      %dma_wait3A_271 = tpu.memref_squeeze %dma_wait3A_270 : memref<1x80x64xf32, #tpu.memory_space<vmem>> -> memref<80x64xf32, #tpu.memory_space<vmem>>
      %dma_wait3A_272 = arith.constant 0 : i32
      %dma_wait3A_273 = tpu.memref_slice %arg8[%dma_wait3A_272] : memref<20000xi32, #tpu.memory_space<vmem>> -> memref<80xi32, #tpu.memory_space<vmem>>
      %dma_wait3A_274 = arith.constant 0 : i32
      %dma_wait3A_275 = arith.constant 0 : i32
      %dma_wait3A_276 = tpu.memref_slice %arg2[%dma_wait3A_274, %dma_wait3A_275] : memref<10000x64xf32, #tpu.memory_space<hbm>> -> memref<10000x64xf32, #tpu.memory_space<hbm>>
      tpu.wait_indirect_dma semaphore(%arg15 : memref<!tpu.dma_semaphore, #tpu.memory_space<semaphore_mem>>) src(%dma_wait3A_276 : memref<10000x64xf32, #tpu.memory_space<hbm>>) dst(%dma_wait3A_271 : memref<80x64xf32, #tpu.memory_space<vmem>>)
      %gt3A = arith.constant 0 : i32
      %gt3A_277 = arith.cmpi sgt, %add3A_266, %gt3A : i32
      %convert_element_type3A = arith.extui %gt3A_277 : i1 to i32
      %cond3A = arith.constant 0 : i32
      %cond3A_278 = arith.cmpi ne, %convert_element_type3A, %cond3A : i32
      scf.if %cond3A_278 {
        %dma_wait3A_466 = arith.constant 0 : i32
        %dma_wait3A_467 = tpu.memref_slice %arg9[%dma_wait3A_466] : memref<20000xi32, #tpu.memory_space<vmem>> -> memref<80xi32, #tpu.memory_space<vmem>>
        %dma_wait3A_468 = arith.constant 0 : i32
        %dma_wait3A_469 = arith.constant 0 : i32
        %dma_wait3A_470 = tpu.memref_slice %arg7[%dma_wait3A_468, %dma_wait3A_469] : memref<10240x16xf32, #tpu.memory_space<vmem_shared>> -> memref<10240x16xf32, #tpu.memory_space<vmem_shared>>
        tpu.wait_indirect_dma semaphore(%arg14 : memref<!tpu.dma_semaphore, #tpu.memory_space<semaphore_mem>>) src(%arg12 : memref<80x16xf32, #tpu.memory_space<vmem>>) dst(%dma_wait3A_470 : memref<10240x16xf32, #tpu.memory_space<vmem_shared>>)
      } else {
      }
      %mul3A_279 = arith.constant 80 : i32
      %mul3A_280 = arith.muli %add3A_266, %mul3A_279 : i32
      %dma_start3A_281 = tpu.memref_slice %arg9[%mul3A_280] : memref<20000xi32, #tpu.memory_space<vmem>> -> memref<80xi32, #tpu.memory_space<vmem>>
      %dma_start3A_282 = arith.constant 0 : i32
      %dma_start3A_283 = arith.constant 0 : i32
      %dma_start3A_284 = tpu.memref_slice %arg7[%dma_start3A_282, %dma_start3A_283] : memref<10240x16xf32, #tpu.memory_space<vmem_shared>> -> memref<10240x16xf32, #tpu.memory_space<vmem_shared>>
      tpu.enqueue_indirect_dma source(%arg12 : memref<80x16xf32, #tpu.memory_space<vmem>>) target(%dma_start3A_284 : memref<10240x16xf32, #tpu.memory_space<vmem_shared>>) offsets(%dma_start3A_281 : memref<80xi32, #tpu.memory_space<vmem>>) semaphore(%arg14 : memref<!tpu.dma_semaphore, #tpu.memory_space<semaphore_mem>>) {add = true}
      %mul3A_285 = arith.constant 80 : i32
      %mul3A_286 = arith.muli %add3A_266, %mul3A_285 : i32
      %run_scoped3A_287 = arith.constant 0 : i32
      "tpu.region"() ({
        %run_scoped3A_466 = tpu.sem_alloc : memref<!tpu.dma_semaphore, #tpu.memory_space<semaphore_mem>>
        %dma_start3A_467 = arith.constant 0 : i32
        %dma_start3A_468 = arith.constant 0 : i32
        %dma_start3A_469 = tpu.memref_slice %arg10[%run_scoped3A_287, %dma_start3A_467, %dma_start3A_468] : memref<5x80x64xf32, #tpu.memory_space<vmem>> -> memref<1x80x64xf32, #tpu.memory_space<vmem>>
        %dma_start3A_470 = tpu.memref_squeeze %dma_start3A_469 : memref<1x80x64xf32, #tpu.memory_space<vmem>> -> memref<80x64xf32, #tpu.memory_space<vmem>>
        %dma_start3A_471 = tpu.memref_slice %arg9[%mul3A_286] : memref<20000xi32, #tpu.memory_space<vmem>> -> memref<80xi32, #tpu.memory_space<vmem>>
        %dma_start3A_472 = arith.constant 0 : i32
        %dma_start3A_473 = arith.constant 0 : i32
        %dma_start3A_474 = tpu.memref_slice %arg6[%dma_start3A_472, %dma_start3A_473] : memref<10240x64xf32, #tpu.memory_space<vmem_shared>> -> memref<10240x64xf32, #tpu.memory_space<vmem_shared>>
        tpu.enqueue_indirect_dma source(%dma_start3A_470 : memref<80x64xf32, #tpu.memory_space<vmem>>) target(%dma_start3A_474 : memref<10240x64xf32, #tpu.memory_space<vmem_shared>>) offsets(%dma_start3A_471 : memref<80xi32, #tpu.memory_space<vmem>>) semaphore(%run_scoped3A_466 : memref<!tpu.dma_semaphore, #tpu.memory_space<semaphore_mem>>) {add = true}
        %dma_wait3A_475 = arith.constant 0 : i32
        %dma_wait3A_476 = arith.constant 0 : i32
        %dma_wait3A_477 = tpu.memref_slice %arg10[%run_scoped3A_287, %dma_wait3A_475, %dma_wait3A_476] : memref<5x80x64xf32, #tpu.memory_space<vmem>> -> memref<1x80x64xf32, #tpu.memory_space<vmem>>
        %dma_wait3A_478 = tpu.memref_squeeze %dma_wait3A_477 : memref<1x80x64xf32, #tpu.memory_space<vmem>> -> memref<80x64xf32, #tpu.memory_space<vmem>>
        %dma_wait3A_479 = tpu.memref_slice %arg9[%mul3A_286] : memref<20000xi32, #tpu.memory_space<vmem>> -> memref<80xi32, #tpu.memory_space<vmem>>
        %dma_wait3A_480 = arith.constant 0 : i32
        %dma_wait3A_481 = arith.constant 0 : i32
        %dma_wait3A_482 = tpu.memref_slice %arg6[%dma_wait3A_480, %dma_wait3A_481] : memref<10240x64xf32, #tpu.memory_space<vmem_shared>> -> memref<10240x64xf32, #tpu.memory_space<vmem_shared>>
        tpu.wait_indirect_dma semaphore(%run_scoped3A_466 : memref<!tpu.dma_semaphore, #tpu.memory_space<semaphore_mem>>) src(%dma_wait3A_478 : memref<80x64xf32, #tpu.memory_space<vmem>>) dst(%dma_wait3A_482 : memref<10240x64xf32, #tpu.memory_space<vmem_shared>>)
        tpu.yield
      }) : () -> ()
      %add3A_288 = arith.constant 5 : i32
      %add3A_289 = arith.addi %add3A_266, %add3A_288 : i32
      %mul3A_290 = arith.constant 80 : i32
      %mul3A_291 = arith.muli %add3A_289, %mul3A_290 : i32
      %dma_start3A_292 = arith.constant 0 : i32
      %dma_start3A_293 = arith.constant 0 : i32
      %dma_start3A_294 = arith.constant 0 : i32
      %dma_start3A_295 = tpu.memref_slice %arg10[%dma_start3A_292, %dma_start3A_293, %dma_start3A_294] : memref<5x80x64xf32, #tpu.memory_space<vmem>> -> memref<1x80x64xf32, #tpu.memory_space<vmem>>
      %dma_start3A_296 = tpu.memref_squeeze %dma_start3A_295 : memref<1x80x64xf32, #tpu.memory_space<vmem>> -> memref<80x64xf32, #tpu.memory_space<vmem>>
      %dma_start3A_297 = tpu.memref_slice %arg8[%mul3A_291] : memref<20000xi32, #tpu.memory_space<vmem>> -> memref<80xi32, #tpu.memory_space<vmem>>
      %dma_start3A_298 = arith.constant 0 : i32
      %dma_start3A_299 = arith.constant 0 : i32
      %dma_start3A_300 = tpu.memref_slice %arg2[%dma_start3A_298, %dma_start3A_299] : memref<10000x64xf32, #tpu.memory_space<hbm>> -> memref<10000x64xf32, #tpu.memory_space<hbm>>
      tpu.enqueue_indirect_dma source(%dma_start3A_300 : memref<10000x64xf32, #tpu.memory_space<hbm>>) target(%dma_start3A_296 : memref<80x64xf32, #tpu.memory_space<vmem>>) offsets(%dma_start3A_297 : memref<80xi32, #tpu.memory_space<vmem>>) semaphore(%arg15 : memref<!tpu.dma_semaphore, #tpu.memory_space<semaphore_mem>>)
      %mul3A_301 = arith.constant 5 : i32
      %mul3A_302 = arith.muli %scan3A_261, %mul3A_301 : i32
      %add3A_303 = arith.constant 1 : i32
      %add3A_304 = arith.addi %mul3A_302, %add3A_303 : i32
      %dma_wait3A_305 = arith.constant 1 : i32
      %dma_wait3A_306 = arith.constant 0 : i32
      %dma_wait3A_307 = arith.constant 0 : i32
      %dma_wait3A_308 = tpu.memref_slice %arg10[%dma_wait3A_305, %dma_wait3A_306, %dma_wait3A_307] : memref<5x80x64xf32, #tpu.memory_space<vmem>> -> memref<1x80x64xf32, #tpu.memory_space<vmem>>
      %dma_wait3A_309 = tpu.memref_squeeze %dma_wait3A_308 : memref<1x80x64xf32, #tpu.memory_space<vmem>> -> memref<80x64xf32, #tpu.memory_space<vmem>>
      %dma_wait3A_310 = arith.constant 0 : i32
      %dma_wait3A_311 = tpu.memref_slice %arg8[%dma_wait3A_310] : memref<20000xi32, #tpu.memory_space<vmem>> -> memref<80xi32, #tpu.memory_space<vmem>>
      %dma_wait3A_312 = arith.constant 0 : i32
      %dma_wait3A_313 = arith.constant 0 : i32
      %dma_wait3A_314 = tpu.memref_slice %arg2[%dma_wait3A_312, %dma_wait3A_313] : memref<10000x64xf32, #tpu.memory_space<hbm>> -> memref<10000x64xf32, #tpu.memory_space<hbm>>
      tpu.wait_indirect_dma semaphore(%arg16 : memref<!tpu.dma_semaphore, #tpu.memory_space<semaphore_mem>>) src(%dma_wait3A_314 : memref<10000x64xf32, #tpu.memory_space<hbm>>) dst(%dma_wait3A_309 : memref<80x64xf32, #tpu.memory_space<vmem>>)
      %gt3A_315 = arith.constant 0 : i32
      %gt3A_316 = arith.cmpi sgt, %add3A_304, %gt3A_315 : i32
      %convert_element_type3A_317 = arith.extui %gt3A_316 : i1 to i32
      %cond3A_318 = arith.constant 0 : i32
      %cond3A_319 = arith.cmpi ne, %convert_element_type3A_317, %cond3A_318 : i32
      scf.if %cond3A_319 {
        %dma_wait3A_466 = arith.constant 0 : i32
        %dma_wait3A_467 = tpu.memref_slice %arg9[%dma_wait3A_466] : memref<20000xi32, #tpu.memory_space<vmem>> -> memref<80xi32, #tpu.memory_space<vmem>>
        %dma_wait3A_468 = arith.constant 0 : i32
        %dma_wait3A_469 = arith.constant 0 : i32
        %dma_wait3A_470 = tpu.memref_slice %arg7[%dma_wait3A_468, %dma_wait3A_469] : memref<10240x16xf32, #tpu.memory_space<vmem_shared>> -> memref<10240x16xf32, #tpu.memory_space<vmem_shared>>
        tpu.wait_indirect_dma semaphore(%arg14 : memref<!tpu.dma_semaphore, #tpu.memory_space<semaphore_mem>>) src(%arg12 : memref<80x16xf32, #tpu.memory_space<vmem>>) dst(%dma_wait3A_470 : memref<10240x16xf32, #tpu.memory_space<vmem_shared>>)
      } else {
      }
      %mul3A_320 = arith.constant 80 : i32
      %mul3A_321 = arith.muli %add3A_304, %mul3A_320 : i32
      %dma_start3A_322 = tpu.memref_slice %arg9[%mul3A_321] : memref<20000xi32, #tpu.memory_space<vmem>> -> memref<80xi32, #tpu.memory_space<vmem>>
      %dma_start3A_323 = arith.constant 0 : i32
      %dma_start3A_324 = arith.constant 0 : i32
      %dma_start3A_325 = tpu.memref_slice %arg7[%dma_start3A_323, %dma_start3A_324] : memref<10240x16xf32, #tpu.memory_space<vmem_shared>> -> memref<10240x16xf32, #tpu.memory_space<vmem_shared>>
      tpu.enqueue_indirect_dma source(%arg12 : memref<80x16xf32, #tpu.memory_space<vmem>>) target(%dma_start3A_325 : memref<10240x16xf32, #tpu.memory_space<vmem_shared>>) offsets(%dma_start3A_322 : memref<80xi32, #tpu.memory_space<vmem>>) semaphore(%arg14 : memref<!tpu.dma_semaphore, #tpu.memory_space<semaphore_mem>>) {add = true}
      %mul3A_326 = arith.constant 80 : i32
      %mul3A_327 = arith.muli %add3A_304, %mul3A_326 : i32
      %run_scoped3A_328 = arith.constant 1 : i32
      "tpu.region"() ({
        %run_scoped3A_466 = tpu.sem_alloc : memref<!tpu.dma_semaphore, #tpu.memory_space<semaphore_mem>>
        %dma_start3A_467 = arith.constant 0 : i32
        %dma_start3A_468 = arith.constant 0 : i32
        %dma_start3A_469 = tpu.memref_slice %arg10[%run_scoped3A_328, %dma_start3A_467, %dma_start3A_468] : memref<5x80x64xf32, #tpu.memory_space<vmem>> -> memref<1x80x64xf32, #tpu.memory_space<vmem>>
        %dma_start3A_470 = tpu.memref_squeeze %dma_start3A_469 : memref<1x80x64xf32, #tpu.memory_space<vmem>> -> memref<80x64xf32, #tpu.memory_space<vmem>>
        %dma_start3A_471 = tpu.memref_slice %arg9[%mul3A_327] : memref<20000xi32, #tpu.memory_space<vmem>> -> memref<80xi32, #tpu.memory_space<vmem>>
        %dma_start3A_472 = arith.constant 0 : i32
        %dma_start3A_473 = arith.constant 0 : i32
        %dma_start3A_474 = tpu.memref_slice %arg6[%dma_start3A_472, %dma_start3A_473] : memref<10240x64xf32, #tpu.memory_space<vmem_shared>> -> memref<10240x64xf32, #tpu.memory_space<vmem_shared>>
        tpu.enqueue_indirect_dma source(%dma_start3A_470 : memref<80x64xf32, #tpu.memory_space<vmem>>) target(%dma_start3A_474 : memref<10240x64xf32, #tpu.memory_space<vmem_shared>>) offsets(%dma_start3A_471 : memref<80xi32, #tpu.memory_space<vmem>>) semaphore(%run_scoped3A_466 : memref<!tpu.dma_semaphore, #tpu.memory_space<semaphore_mem>>) {add = true}
        %dma_wait3A_475 = arith.constant 0 : i32
        %dma_wait3A_476 = arith.constant 0 : i32
        %dma_wait3A_477 = tpu.memref_slice %arg10[%run_scoped3A_328, %dma_wait3A_475, %dma_wait3A_476] : memref<5x80x64xf32, #tpu.memory_space<vmem>> -> memref<1x80x64xf32, #tpu.memory_space<vmem>>
        %dma_wait3A_478 = tpu.memref_squeeze %dma_wait3A_477 : memref<1x80x64xf32, #tpu.memory_space<vmem>> -> memref<80x64xf32, #tpu.memory_space<vmem>>
        %dma_wait3A_479 = tpu.memref_slice %arg9[%mul3A_327] : memref<20000xi32, #tpu.memory_space<vmem>> -> memref<80xi32, #tpu.memory_space<vmem>>
        %dma_wait3A_480 = arith.constant 0 : i32
        %dma_wait3A_481 = arith.constant 0 : i32
        %dma_wait3A_482 = tpu.memref_slice %arg6[%dma_wait3A_480, %dma_wait3A_481] : memref<10240x64xf32, #tpu.memory_space<vmem_shared>> -> memref<10240x64xf32, #tpu.memory_space<vmem_shared>>
        tpu.wait_indirect_dma semaphore(%run_scoped3A_466 : memref<!tpu.dma_semaphore, #tpu.memory_space<semaphore_mem>>) src(%dma_wait3A_478 : memref<80x64xf32, #tpu.memory_space<vmem>>) dst(%dma_wait3A_482 : memref<10240x64xf32, #tpu.memory_space<vmem_shared>>)
        tpu.yield
      }) : () -> ()
      %add3A_329 = arith.constant 5 : i32
      %add3A_330 = arith.addi %add3A_304, %add3A_329 : i32
      %mul3A_331 = arith.constant 80 : i32
      %mul3A_332 = arith.muli %add3A_330, %mul3A_331 : i32
      %dma_start3A_333 = arith.constant 1 : i32
      %dma_start3A_334 = arith.constant 0 : i32
      %dma_start3A_335 = arith.constant 0 : i32
      %dma_start3A_336 = tpu.memref_slice %arg10[%dma_start3A_333, %dma_start3A_334, %dma_start3A_335] : memref<5x80x64xf32, #tpu.memory_space<vmem>> -> memref<1x80x64xf32, #tpu.memory_space<vmem>>
      %dma_start3A_337 = tpu.memref_squeeze %dma_start3A_336 : memref<1x80x64xf32, #tpu.memory_space<vmem>> -> memref<80x64xf32, #tpu.memory_space<vmem>>
      %dma_start3A_338 = tpu.memref_slice %arg8[%mul3A_332] : memref<20000xi32, #tpu.memory_space<vmem>> -> memref<80xi32, #tpu.memory_space<vmem>>
      %dma_start3A_339 = arith.constant 0 : i32
      %dma_start3A_340 = arith.constant 0 : i32
      %dma_start3A_341 = tpu.memref_slice %arg2[%dma_start3A_339, %dma_start3A_340] : memref<10000x64xf32, #tpu.memory_space<hbm>> -> memref<10000x64xf32, #tpu.memory_space<hbm>>
      tpu.enqueue_indirect_dma source(%dma_start3A_341 : memref<10000x64xf32, #tpu.memory_space<hbm>>) target(%dma_start3A_337 : memref<80x64xf32, #tpu.memory_space<vmem>>) offsets(%dma_start3A_338 : memref<80xi32, #tpu.memory_space<vmem>>) semaphore(%arg16 : memref<!tpu.dma_semaphore, #tpu.memory_space<semaphore_mem>>)
      %mul3A_342 = arith.constant 5 : i32
      %mul3A_343 = arith.muli %scan3A_261, %mul3A_342 : i32
      %add3A_344 = arith.constant 2 : i32
      %add3A_345 = arith.addi %mul3A_343, %add3A_344 : i32
      %dma_wait3A_346 = arith.constant 2 : i32
      %dma_wait3A_347 = arith.constant 0 : i32
      %dma_wait3A_348 = arith.constant 0 : i32
      %dma_wait3A_349 = tpu.memref_slice %arg10[%dma_wait3A_346, %dma_wait3A_347, %dma_wait3A_348] : memref<5x80x64xf32, #tpu.memory_space<vmem>> -> memref<1x80x64xf32, #tpu.memory_space<vmem>>
      %dma_wait3A_350 = tpu.memref_squeeze %dma_wait3A_349 : memref<1x80x64xf32, #tpu.memory_space<vmem>> -> memref<80x64xf32, #tpu.memory_space<vmem>>
      %dma_wait3A_351 = arith.constant 0 : i32
      %dma_wait3A_352 = tpu.memref_slice %arg8[%dma_wait3A_351] : memref<20000xi32, #tpu.memory_space<vmem>> -> memref<80xi32, #tpu.memory_space<vmem>>
      %dma_wait3A_353 = arith.constant 0 : i32
      %dma_wait3A_354 = arith.constant 0 : i32
      %dma_wait3A_355 = tpu.memref_slice %arg2[%dma_wait3A_353, %dma_wait3A_354] : memref<10000x64xf32, #tpu.memory_space<hbm>> -> memref<10000x64xf32, #tpu.memory_space<hbm>>
      tpu.wait_indirect_dma semaphore(%arg17 : memref<!tpu.dma_semaphore, #tpu.memory_space<semaphore_mem>>) src(%dma_wait3A_355 : memref<10000x64xf32, #tpu.memory_space<hbm>>) dst(%dma_wait3A_350 : memref<80x64xf32, #tpu.memory_space<vmem>>)
      %gt3A_356 = arith.constant 0 : i32
      %gt3A_357 = arith.cmpi sgt, %add3A_345, %gt3A_356 : i32
      %convert_element_type3A_358 = arith.extui %gt3A_357 : i1 to i32
      %cond3A_359 = arith.constant 0 : i32
      %cond3A_360 = arith.cmpi ne, %convert_element_type3A_358, %cond3A_359 : i32
      scf.if %cond3A_360 {
        %dma_wait3A_466 = arith.constant 0 : i32
        %dma_wait3A_467 = tpu.memref_slice %arg9[%dma_wait3A_466] : memref<20000xi32, #tpu.memory_space<vmem>> -> memref<80xi32, #tpu.memory_space<vmem>>
        %dma_wait3A_468 = arith.constant 0 : i32
        %dma_wait3A_469 = arith.constant 0 : i32
        %dma_wait3A_470 = tpu.memref_slice %arg7[%dma_wait3A_468, %dma_wait3A_469] : memref<10240x16xf32, #tpu.memory_space<vmem_shared>> -> memref<10240x16xf32, #tpu.memory_space<vmem_shared>>
        tpu.wait_indirect_dma semaphore(%arg14 : memref<!tpu.dma_semaphore, #tpu.memory_space<semaphore_mem>>) src(%arg12 : memref<80x16xf32, #tpu.memory_space<vmem>>) dst(%dma_wait3A_470 : memref<10240x16xf32, #tpu.memory_space<vmem_shared>>)
      } else {
      }
      %mul3A_361 = arith.constant 80 : i32
      %mul3A_362 = arith.muli %add3A_345, %mul3A_361 : i32
      %dma_start3A_363 = tpu.memref_slice %arg9[%mul3A_362] : memref<20000xi32, #tpu.memory_space<vmem>> -> memref<80xi32, #tpu.memory_space<vmem>>
      %dma_start3A_364 = arith.constant 0 : i32
      %dma_start3A_365 = arith.constant 0 : i32
      %dma_start3A_366 = tpu.memref_slice %arg7[%dma_start3A_364, %dma_start3A_365] : memref<10240x16xf32, #tpu.memory_space<vmem_shared>> -> memref<10240x16xf32, #tpu.memory_space<vmem_shared>>
      tpu.enqueue_indirect_dma source(%arg12 : memref<80x16xf32, #tpu.memory_space<vmem>>) target(%dma_start3A_366 : memref<10240x16xf32, #tpu.memory_space<vmem_shared>>) offsets(%dma_start3A_363 : memref<80xi32, #tpu.memory_space<vmem>>) semaphore(%arg14 : memref<!tpu.dma_semaphore, #tpu.memory_space<semaphore_mem>>) {add = true}
      %mul3A_367 = arith.constant 80 : i32
      %mul3A_368 = arith.muli %add3A_345, %mul3A_367 : i32
      %run_scoped3A_369 = arith.constant 2 : i32
      "tpu.region"() ({
        %run_scoped3A_466 = tpu.sem_alloc : memref<!tpu.dma_semaphore, #tpu.memory_space<semaphore_mem>>
        %dma_start3A_467 = arith.constant 0 : i32
        %dma_start3A_468 = arith.constant 0 : i32
        %dma_start3A_469 = tpu.memref_slice %arg10[%run_scoped3A_369, %dma_start3A_467, %dma_start3A_468] : memref<5x80x64xf32, #tpu.memory_space<vmem>> -> memref<1x80x64xf32, #tpu.memory_space<vmem>>
        %dma_start3A_470 = tpu.memref_squeeze %dma_start3A_469 : memref<1x80x64xf32, #tpu.memory_space<vmem>> -> memref<80x64xf32, #tpu.memory_space<vmem>>
        %dma_start3A_471 = tpu.memref_slice %arg9[%mul3A_368] : memref<20000xi32, #tpu.memory_space<vmem>> -> memref<80xi32, #tpu.memory_space<vmem>>
        %dma_start3A_472 = arith.constant 0 : i32
        %dma_start3A_473 = arith.constant 0 : i32
        %dma_start3A_474 = tpu.memref_slice %arg6[%dma_start3A_472, %dma_start3A_473] : memref<10240x64xf32, #tpu.memory_space<vmem_shared>> -> memref<10240x64xf32, #tpu.memory_space<vmem_shared>>
        tpu.enqueue_indirect_dma source(%dma_start3A_470 : memref<80x64xf32, #tpu.memory_space<vmem>>) target(%dma_start3A_474 : memref<10240x64xf32, #tpu.memory_space<vmem_shared>>) offsets(%dma_start3A_471 : memref<80xi32, #tpu.memory_space<vmem>>) semaphore(%run_scoped3A_466 : memref<!tpu.dma_semaphore, #tpu.memory_space<semaphore_mem>>) {add = true}
        %dma_wait3A_475 = arith.constant 0 : i32
        %dma_wait3A_476 = arith.constant 0 : i32
        %dma_wait3A_477 = tpu.memref_slice %arg10[%run_scoped3A_369, %dma_wait3A_475, %dma_wait3A_476] : memref<5x80x64xf32, #tpu.memory_space<vmem>> -> memref<1x80x64xf32, #tpu.memory_space<vmem>>
        %dma_wait3A_478 = tpu.memref_squeeze %dma_wait3A_477 : memref<1x80x64xf32, #tpu.memory_space<vmem>> -> memref<80x64xf32, #tpu.memory_space<vmem>>
        %dma_wait3A_479 = tpu.memref_slice %arg9[%mul3A_368] : memref<20000xi32, #tpu.memory_space<vmem>> -> memref<80xi32, #tpu.memory_space<vmem>>
        %dma_wait3A_480 = arith.constant 0 : i32
        %dma_wait3A_481 = arith.constant 0 : i32
        %dma_wait3A_482 = tpu.memref_slice %arg6[%dma_wait3A_480, %dma_wait3A_481] : memref<10240x64xf32, #tpu.memory_space<vmem_shared>> -> memref<10240x64xf32, #tpu.memory_space<vmem_shared>>
        tpu.wait_indirect_dma semaphore(%run_scoped3A_466 : memref<!tpu.dma_semaphore, #tpu.memory_space<semaphore_mem>>) src(%dma_wait3A_478 : memref<80x64xf32, #tpu.memory_space<vmem>>) dst(%dma_wait3A_482 : memref<10240x64xf32, #tpu.memory_space<vmem_shared>>)
        tpu.yield
      }) : () -> ()
      %add3A_370 = arith.constant 5 : i32
      %add3A_371 = arith.addi %add3A_345, %add3A_370 : i32
      %mul3A_372 = arith.constant 80 : i32
      %mul3A_373 = arith.muli %add3A_371, %mul3A_372 : i32
      %dma_start3A_374 = arith.constant 2 : i32
      %dma_start3A_375 = arith.constant 0 : i32
      %dma_start3A_376 = arith.constant 0 : i32
      %dma_start3A_377 = tpu.memref_slice %arg10[%dma_start3A_374, %dma_start3A_375, %dma_start3A_376] : memref<5x80x64xf32, #tpu.memory_space<vmem>> -> memref<1x80x64xf32, #tpu.memory_space<vmem>>
      %dma_start3A_378 = tpu.memref_squeeze %dma_start3A_377 : memref<1x80x64xf32, #tpu.memory_space<vmem>> -> memref<80x64xf32, #tpu.memory_space<vmem>>
      %dma_start3A_379 = tpu.memref_slice %arg8[%mul3A_373] : memref<20000xi32, #tpu.memory_space<vmem>> -> memref<80xi32, #tpu.memory_space<vmem>>
      %dma_start3A_380 = arith.constant 0 : i32
      %dma_start3A_381 = arith.constant 0 : i32
      %dma_start3A_382 = tpu.memref_slice %arg2[%dma_start3A_380, %dma_start3A_381] : memref<10000x64xf32, #tpu.memory_space<hbm>> -> memref<10000x64xf32, #tpu.memory_space<hbm>>
      tpu.enqueue_indirect_dma source(%dma_start3A_382 : memref<10000x64xf32, #tpu.memory_space<hbm>>) target(%dma_start3A_378 : memref<80x64xf32, #tpu.memory_space<vmem>>) offsets(%dma_start3A_379 : memref<80xi32, #tpu.memory_space<vmem>>) semaphore(%arg17 : memref<!tpu.dma_semaphore, #tpu.memory_space<semaphore_mem>>)
      %mul3A_383 = arith.constant 5 : i32
      %mul3A_384 = arith.muli %scan3A_261, %mul3A_383 : i32
      %add3A_385 = arith.constant 3 : i32
      %add3A_386 = arith.addi %mul3A_384, %add3A_385 : i32
      %dma_wait3A_387 = arith.constant 3 : i32
      %dma_wait3A_388 = arith.constant 0 : i32
      %dma_wait3A_389 = arith.constant 0 : i32
      %dma_wait3A_390 = tpu.memref_slice %arg10[%dma_wait3A_387, %dma_wait3A_388, %dma_wait3A_389] : memref<5x80x64xf32, #tpu.memory_space<vmem>> -> memref<1x80x64xf32, #tpu.memory_space<vmem>>
      %dma_wait3A_391 = tpu.memref_squeeze %dma_wait3A_390 : memref<1x80x64xf32, #tpu.memory_space<vmem>> -> memref<80x64xf32, #tpu.memory_space<vmem>>
      %dma_wait3A_392 = arith.constant 0 : i32
      %dma_wait3A_393 = tpu.memref_slice %arg8[%dma_wait3A_392] : memref<20000xi32, #tpu.memory_space<vmem>> -> memref<80xi32, #tpu.memory_space<vmem>>
      %dma_wait3A_394 = arith.constant 0 : i32
      %dma_wait3A_395 = arith.constant 0 : i32
      %dma_wait3A_396 = tpu.memref_slice %arg2[%dma_wait3A_394, %dma_wait3A_395] : memref<10000x64xf32, #tpu.memory_space<hbm>> -> memref<10000x64xf32, #tpu.memory_space<hbm>>
      tpu.wait_indirect_dma semaphore(%arg18 : memref<!tpu.dma_semaphore, #tpu.memory_space<semaphore_mem>>) src(%dma_wait3A_396 : memref<10000x64xf32, #tpu.memory_space<hbm>>) dst(%dma_wait3A_391 : memref<80x64xf32, #tpu.memory_space<vmem>>)
      %gt3A_397 = arith.constant 0 : i32
      %gt3A_398 = arith.cmpi sgt, %add3A_386, %gt3A_397 : i32
      %convert_element_type3A_399 = arith.extui %gt3A_398 : i1 to i32
      %cond3A_400 = arith.constant 0 : i32
      %cond3A_401 = arith.cmpi ne, %convert_element_type3A_399, %cond3A_400 : i32
      scf.if %cond3A_401 {
        %dma_wait3A_466 = arith.constant 0 : i32
        %dma_wait3A_467 = tpu.memref_slice %arg9[%dma_wait3A_466] : memref<20000xi32, #tpu.memory_space<vmem>> -> memref<80xi32, #tpu.memory_space<vmem>>
        %dma_wait3A_468 = arith.constant 0 : i32
        %dma_wait3A_469 = arith.constant 0 : i32
        %dma_wait3A_470 = tpu.memref_slice %arg7[%dma_wait3A_468, %dma_wait3A_469] : memref<10240x16xf32, #tpu.memory_space<vmem_shared>> -> memref<10240x16xf32, #tpu.memory_space<vmem_shared>>
        tpu.wait_indirect_dma semaphore(%arg14 : memref<!tpu.dma_semaphore, #tpu.memory_space<semaphore_mem>>) src(%arg12 : memref<80x16xf32, #tpu.memory_space<vmem>>) dst(%dma_wait3A_470 : memref<10240x16xf32, #tpu.memory_space<vmem_shared>>)
      } else {
      }
      %mul3A_402 = arith.constant 80 : i32
      %mul3A_403 = arith.muli %add3A_386, %mul3A_402 : i32
      %dma_start3A_404 = tpu.memref_slice %arg9[%mul3A_403] : memref<20000xi32, #tpu.memory_space<vmem>> -> memref<80xi32, #tpu.memory_space<vmem>>
      %dma_start3A_405 = arith.constant 0 : i32
      %dma_start3A_406 = arith.constant 0 : i32
      %dma_start3A_407 = tpu.memref_slice %arg7[%dma_start3A_405, %dma_start3A_406] : memref<10240x16xf32, #tpu.memory_space<vmem_shared>> -> memref<10240x16xf32, #tpu.memory_space<vmem_shared>>
      tpu.enqueue_indirect_dma source(%arg12 : memref<80x16xf32, #tpu.memory_space<vmem>>) target(%dma_start3A_407 : memref<10240x16xf32, #tpu.memory_space<vmem_shared>>) offsets(%dma_start3A_404 : memref<80xi32, #tpu.memory_space<vmem>>) semaphore(%arg14 : memref<!tpu.dma_semaphore, #tpu.memory_space<semaphore_mem>>) {add = true}
      %mul3A_408 = arith.constant 80 : i32
      %mul3A_409 = arith.muli %add3A_386, %mul3A_408 : i32
      %run_scoped3A_410 = arith.constant 3 : i32
      "tpu.region"() ({
        %run_scoped3A_466 = tpu.sem_alloc : memref<!tpu.dma_semaphore, #tpu.memory_space<semaphore_mem>>
        %dma_start3A_467 = arith.constant 0 : i32
        %dma_start3A_468 = arith.constant 0 : i32
        %dma_start3A_469 = tpu.memref_slice %arg10[%run_scoped3A_410, %dma_start3A_467, %dma_start3A_468] : memref<5x80x64xf32, #tpu.memory_space<vmem>> -> memref<1x80x64xf32, #tpu.memory_space<vmem>>
        %dma_start3A_470 = tpu.memref_squeeze %dma_start3A_469 : memref<1x80x64xf32, #tpu.memory_space<vmem>> -> memref<80x64xf32, #tpu.memory_space<vmem>>
        %dma_start3A_471 = tpu.memref_slice %arg9[%mul3A_409] : memref<20000xi32, #tpu.memory_space<vmem>> -> memref<80xi32, #tpu.memory_space<vmem>>
        %dma_start3A_472 = arith.constant 0 : i32
        %dma_start3A_473 = arith.constant 0 : i32
        %dma_start3A_474 = tpu.memref_slice %arg6[%dma_start3A_472, %dma_start3A_473] : memref<10240x64xf32, #tpu.memory_space<vmem_shared>> -> memref<10240x64xf32, #tpu.memory_space<vmem_shared>>
        tpu.enqueue_indirect_dma source(%dma_start3A_470 : memref<80x64xf32, #tpu.memory_space<vmem>>) target(%dma_start3A_474 : memref<10240x64xf32, #tpu.memory_space<vmem_shared>>) offsets(%dma_start3A_471 : memref<80xi32, #tpu.memory_space<vmem>>) semaphore(%run_scoped3A_466 : memref<!tpu.dma_semaphore, #tpu.memory_space<semaphore_mem>>) {add = true}
        %dma_wait3A_475 = arith.constant 0 : i32
        %dma_wait3A_476 = arith.constant 0 : i32
        %dma_wait3A_477 = tpu.memref_slice %arg10[%run_scoped3A_410, %dma_wait3A_475, %dma_wait3A_476] : memref<5x80x64xf32, #tpu.memory_space<vmem>> -> memref<1x80x64xf32, #tpu.memory_space<vmem>>
        %dma_wait3A_478 = tpu.memref_squeeze %dma_wait3A_477 : memref<1x80x64xf32, #tpu.memory_space<vmem>> -> memref<80x64xf32, #tpu.memory_space<vmem>>
        %dma_wait3A_479 = tpu.memref_slice %arg9[%mul3A_409] : memref<20000xi32, #tpu.memory_space<vmem>> -> memref<80xi32, #tpu.memory_space<vmem>>
        %dma_wait3A_480 = arith.constant 0 : i32
        %dma_wait3A_481 = arith.constant 0 : i32
        %dma_wait3A_482 = tpu.memref_slice %arg6[%dma_wait3A_480, %dma_wait3A_481] : memref<10240x64xf32, #tpu.memory_space<vmem_shared>> -> memref<10240x64xf32, #tpu.memory_space<vmem_shared>>
        tpu.wait_indirect_dma semaphore(%run_scoped3A_466 : memref<!tpu.dma_semaphore, #tpu.memory_space<semaphore_mem>>) src(%dma_wait3A_478 : memref<80x64xf32, #tpu.memory_space<vmem>>) dst(%dma_wait3A_482 : memref<10240x64xf32, #tpu.memory_space<vmem_shared>>)
        tpu.yield
      }) : () -> ()
      %add3A_411 = arith.constant 5 : i32
      %add3A_412 = arith.addi %add3A_386, %add3A_411 : i32
      %mul3A_413 = arith.constant 80 : i32
      %mul3A_414 = arith.muli %add3A_412, %mul3A_413 : i32
      %dma_start3A_415 = arith.constant 3 : i32
      %dma_start3A_416 = arith.constant 0 : i32
      %dma_start3A_417 = arith.constant 0 : i32
      %dma_start3A_418 = tpu.memref_slice %arg10[%dma_start3A_415, %dma_start3A_416, %dma_start3A_417] : memref<5x80x64xf32, #tpu.memory_space<vmem>> -> memref<1x80x64xf32, #tpu.memory_space<vmem>>
      %dma_start3A_419 = tpu.memref_squeeze %dma_start3A_418 : memref<1x80x64xf32, #tpu.memory_space<vmem>> -> memref<80x64xf32, #tpu.memory_space<vmem>>
      %dma_start3A_420 = tpu.memref_slice %arg8[%mul3A_414] : memref<20000xi32, #tpu.memory_space<vmem>> -> memref<80xi32, #tpu.memory_space<vmem>>
      %dma_start3A_421 = arith.constant 0 : i32
      %dma_start3A_422 = arith.constant 0 : i32
      %dma_start3A_423 = tpu.memref_slice %arg2[%dma_start3A_421, %dma_start3A_422] : memref<10000x64xf32, #tpu.memory_space<hbm>> -> memref<10000x64xf32, #tpu.memory_space<hbm>>
      tpu.enqueue_indirect_dma source(%dma_start3A_423 : memref<10000x64xf32, #tpu.memory_space<hbm>>) target(%dma_start3A_419 : memref<80x64xf32, #tpu.memory_space<vmem>>) offsets(%dma_start3A_420 : memref<80xi32, #tpu.memory_space<vmem>>) semaphore(%arg18 : memref<!tpu.dma_semaphore, #tpu.memory_space<semaphore_mem>>)
      %mul3A_424 = arith.constant 5 : i32
      %mul3A_425 = arith.muli %scan3A_261, %mul3A_424 : i32
      %add3A_426 = arith.constant 4 : i32
      %add3A_427 = arith.addi %mul3A_425, %add3A_426 : i32
      %dma_wait3A_428 = arith.constant 4 : i32
      %dma_wait3A_429 = arith.constant 0 : i32
      %dma_wait3A_430 = arith.constant 0 : i32
      %dma_wait3A_431 = tpu.memref_slice %arg10[%dma_wait3A_428, %dma_wait3A_429, %dma_wait3A_430] : memref<5x80x64xf32, #tpu.memory_space<vmem>> -> memref<1x80x64xf32, #tpu.memory_space<vmem>>
      %dma_wait3A_432 = tpu.memref_squeeze %dma_wait3A_431 : memref<1x80x64xf32, #tpu.memory_space<vmem>> -> memref<80x64xf32, #tpu.memory_space<vmem>>
      %dma_wait3A_433 = arith.constant 0 : i32
      %dma_wait3A_434 = tpu.memref_slice %arg8[%dma_wait3A_433] : memref<20000xi32, #tpu.memory_space<vmem>> -> memref<80xi32, #tpu.memory_space<vmem>>
      %dma_wait3A_435 = arith.constant 0 : i32
      %dma_wait3A_436 = arith.constant 0 : i32
      %dma_wait3A_437 = tpu.memref_slice %arg2[%dma_wait3A_435, %dma_wait3A_436] : memref<10000x64xf32, #tpu.memory_space<hbm>> -> memref<10000x64xf32, #tpu.memory_space<hbm>>
      tpu.wait_indirect_dma semaphore(%arg19 : memref<!tpu.dma_semaphore, #tpu.memory_space<semaphore_mem>>) src(%dma_wait3A_437 : memref<10000x64xf32, #tpu.memory_space<hbm>>) dst(%dma_wait3A_432 : memref<80x64xf32, #tpu.memory_space<vmem>>)
      %gt3A_438 = arith.constant 0 : i32
      %gt3A_439 = arith.cmpi sgt, %add3A_427, %gt3A_438 : i32
      %convert_element_type3A_440 = arith.extui %gt3A_439 : i1 to i32
      %cond3A_441 = arith.constant 0 : i32
      %cond3A_442 = arith.cmpi ne, %convert_element_type3A_440, %cond3A_441 : i32
      scf.if %cond3A_442 {
        %dma_wait3A_466 = arith.constant 0 : i32
        %dma_wait3A_467 = tpu.memref_slice %arg9[%dma_wait3A_466] : memref<20000xi32, #tpu.memory_space<vmem>> -> memref<80xi32, #tpu.memory_space<vmem>>
        %dma_wait3A_468 = arith.constant 0 : i32
        %dma_wait3A_469 = arith.constant 0 : i32
        %dma_wait3A_470 = tpu.memref_slice %arg7[%dma_wait3A_468, %dma_wait3A_469] : memref<10240x16xf32, #tpu.memory_space<vmem_shared>> -> memref<10240x16xf32, #tpu.memory_space<vmem_shared>>
        tpu.wait_indirect_dma semaphore(%arg14 : memref<!tpu.dma_semaphore, #tpu.memory_space<semaphore_mem>>) src(%arg12 : memref<80x16xf32, #tpu.memory_space<vmem>>) dst(%dma_wait3A_470 : memref<10240x16xf32, #tpu.memory_space<vmem_shared>>)
      } else {
      }
      %mul3A_443 = arith.constant 80 : i32
      %mul3A_444 = arith.muli %add3A_427, %mul3A_443 : i32
      %dma_start3A_445 = tpu.memref_slice %arg9[%mul3A_444] : memref<20000xi32, #tpu.memory_space<vmem>> -> memref<80xi32, #tpu.memory_space<vmem>>
      %dma_start3A_446 = arith.constant 0 : i32
      %dma_start3A_447 = arith.constant 0 : i32
      %dma_start3A_448 = tpu.memref_slice %arg7[%dma_start3A_446, %dma_start3A_447] : memref<10240x16xf32, #tpu.memory_space<vmem_shared>> -> memref<10240x16xf32, #tpu.memory_space<vmem_shared>>
      tpu.enqueue_indirect_dma source(%arg12 : memref<80x16xf32, #tpu.memory_space<vmem>>) target(%dma_start3A_448 : memref<10240x16xf32, #tpu.memory_space<vmem_shared>>) offsets(%dma_start3A_445 : memref<80xi32, #tpu.memory_space<vmem>>) semaphore(%arg14 : memref<!tpu.dma_semaphore, #tpu.memory_space<semaphore_mem>>) {add = true}
      %mul3A_449 = arith.constant 80 : i32
      %mul3A_450 = arith.muli %add3A_427, %mul3A_449 : i32
      %run_scoped3A_451 = arith.constant 4 : i32
      "tpu.region"() ({
        %run_scoped3A_466 = tpu.sem_alloc : memref<!tpu.dma_semaphore, #tpu.memory_space<semaphore_mem>>
        %dma_start3A_467 = arith.constant 0 : i32
        %dma_start3A_468 = arith.constant 0 : i32
        %dma_start3A_469 = tpu.memref_slice %arg10[%run_scoped3A_451, %dma_start3A_467, %dma_start3A_468] : memref<5x80x64xf32, #tpu.memory_space<vmem>> -> memref<1x80x64xf32, #tpu.memory_space<vmem>>
        %dma_start3A_470 = tpu.memref_squeeze %dma_start3A_469 : memref<1x80x64xf32, #tpu.memory_space<vmem>> -> memref<80x64xf32, #tpu.memory_space<vmem>>
        %dma_start3A_471 = tpu.memref_slice %arg9[%mul3A_450] : memref<20000xi32, #tpu.memory_space<vmem>> -> memref<80xi32, #tpu.memory_space<vmem>>
        %dma_start3A_472 = arith.constant 0 : i32
        %dma_start3A_473 = arith.constant 0 : i32
        %dma_start3A_474 = tpu.memref_slice %arg6[%dma_start3A_472, %dma_start3A_473] : memref<10240x64xf32, #tpu.memory_space<vmem_shared>> -> memref<10240x64xf32, #tpu.memory_space<vmem_shared>>
        tpu.enqueue_indirect_dma source(%dma_start3A_470 : memref<80x64xf32, #tpu.memory_space<vmem>>) target(%dma_start3A_474 : memref<10240x64xf32, #tpu.memory_space<vmem_shared>>) offsets(%dma_start3A_471 : memref<80xi32, #tpu.memory_space<vmem>>) semaphore(%run_scoped3A_466 : memref<!tpu.dma_semaphore, #tpu.memory_space<semaphore_mem>>) {add = true}
        %dma_wait3A_475 = arith.constant 0 : i32
        %dma_wait3A_476 = arith.constant 0 : i32
        %dma_wait3A_477 = tpu.memref_slice %arg10[%run_scoped3A_451, %dma_wait3A_475, %dma_wait3A_476] : memref<5x80x64xf32, #tpu.memory_space<vmem>> -> memref<1x80x64xf32, #tpu.memory_space<vmem>>
        %dma_wait3A_478 = tpu.memref_squeeze %dma_wait3A_477 : memref<1x80x64xf32, #tpu.memory_space<vmem>> -> memref<80x64xf32, #tpu.memory_space<vmem>>
        %dma_wait3A_479 = tpu.memref_slice %arg9[%mul3A_450] : memref<20000xi32, #tpu.memory_space<vmem>> -> memref<80xi32, #tpu.memory_space<vmem>>
        %dma_wait3A_480 = arith.constant 0 : i32
        %dma_wait3A_481 = arith.constant 0 : i32
        %dma_wait3A_482 = tpu.memref_slice %arg6[%dma_wait3A_480, %dma_wait3A_481] : memref<10240x64xf32, #tpu.memory_space<vmem_shared>> -> memref<10240x64xf32, #tpu.memory_space<vmem_shared>>
        tpu.wait_indirect_dma semaphore(%run_scoped3A_466 : memref<!tpu.dma_semaphore, #tpu.memory_space<semaphore_mem>>) src(%dma_wait3A_478 : memref<80x64xf32, #tpu.memory_space<vmem>>) dst(%dma_wait3A_482 : memref<10240x64xf32, #tpu.memory_space<vmem_shared>>)
        tpu.yield
      }) : () -> ()
      %add3A_452 = arith.constant 5 : i32
      %add3A_453 = arith.addi %add3A_427, %add3A_452 : i32
      %mul3A_454 = arith.constant 80 : i32
      %mul3A_455 = arith.muli %add3A_453, %mul3A_454 : i32
      %dma_start3A_456 = arith.constant 4 : i32
      %dma_start3A_457 = arith.constant 0 : i32
      %dma_start3A_458 = arith.constant 0 : i32
      %dma_start3A_459 = tpu.memref_slice %arg10[%dma_start3A_456, %dma_start3A_457, %dma_start3A_458] : memref<5x80x64xf32, #tpu.memory_space<vmem>> -> memref<1x80x64xf32, #tpu.memory_space<vmem>>
      %dma_start3A_460 = tpu.memref_squeeze %dma_start3A_459 : memref<1x80x64xf32, #tpu.memory_space<vmem>> -> memref<80x64xf32, #tpu.memory_space<vmem>>
      %dma_start3A_461 = tpu.memref_slice %arg8[%mul3A_455] : memref<20000xi32, #tpu.memory_space<vmem>> -> memref<80xi32, #tpu.memory_space<vmem>>
      %dma_start3A_462 = arith.constant 0 : i32
      %dma_start3A_463 = arith.constant 0 : i32
      %dma_start3A_464 = tpu.memref_slice %arg2[%dma_start3A_462, %dma_start3A_463] : memref<10000x64xf32, #tpu.memory_space<hbm>> -> memref<10000x64xf32, #tpu.memory_space<hbm>>
      tpu.enqueue_indirect_dma source(%dma_start3A_464 : memref<10000x64xf32, #tpu.memory_space<hbm>>) target(%dma_start3A_460 : memref<80x64xf32, #tpu.memory_space<vmem>>) offsets(%dma_start3A_461 : memref<80xi32, #tpu.memory_space<vmem>>) semaphore(%arg19 : memref<!tpu.dma_semaphore, #tpu.memory_space<semaphore_mem>>)
      %scan3A_465 = arith.constant 0 : i32
      scf.yield %scan3A_465 : i32
    }
    %scan3A_118 = arith.constant 49 : i32
    %dma_wait3A = arith.constant 0 : i32
    %dma_wait3A_119 = arith.constant 0 : i32
    %dma_wait3A_120 = arith.constant 0 : i32
    %dma_wait3A_121 = tpu.memref_slice %arg10[%dma_wait3A, %dma_wait3A_119, %dma_wait3A_120] : memref<5x80x64xf32, #tpu.memory_space<vmem>> -> memref<1x80x64xf32, #tpu.memory_space<vmem>>
    %dma_wait3A_122 = tpu.memref_squeeze %dma_wait3A_121 : memref<1x80x64xf32, #tpu.memory_space<vmem>> -> memref<80x64xf32, #tpu.memory_space<vmem>>
    %dma_wait3A_123 = arith.constant 0 : i32
    %dma_wait3A_124 = tpu.memref_slice %arg8[%dma_wait3A_123] : memref<20000xi32, #tpu.memory_space<vmem>> -> memref<80xi32, #tpu.memory_space<vmem>>
    %dma_wait3A_125 = arith.constant 0 : i32
    %dma_wait3A_126 = arith.constant 0 : i32
    %dma_wait3A_127 = tpu.memref_slice %arg2[%dma_wait3A_125, %dma_wait3A_126] : memref<10000x64xf32, #tpu.memory_space<hbm>> -> memref<10000x64xf32, #tpu.memory_space<hbm>>
    tpu.wait_indirect_dma semaphore(%arg15 : memref<!tpu.dma_semaphore, #tpu.memory_space<semaphore_mem>>) src(%dma_wait3A_127 : memref<10000x64xf32, #tpu.memory_space<hbm>>) dst(%dma_wait3A_122 : memref<80x64xf32, #tpu.memory_space<vmem>>)
    %dma_wait3A_128 = arith.constant 0 : i32
    %dma_wait3A_129 = tpu.memref_slice %arg9[%dma_wait3A_128] : memref<20000xi32, #tpu.memory_space<vmem>> -> memref<80xi32, #tpu.memory_space<vmem>>
    %dma_wait3A_130 = arith.constant 0 : i32
    %dma_wait3A_131 = arith.constant 0 : i32
    %dma_wait3A_132 = tpu.memref_slice %arg7[%dma_wait3A_130, %dma_wait3A_131] : memref<10240x16xf32, #tpu.memory_space<vmem_shared>> -> memref<10240x16xf32, #tpu.memory_space<vmem_shared>>
    tpu.wait_indirect_dma semaphore(%arg14 : memref<!tpu.dma_semaphore, #tpu.memory_space<semaphore_mem>>) src(%arg12 : memref<80x16xf32, #tpu.memory_space<vmem>>) dst(%dma_wait3A_132 : memref<10240x16xf32, #tpu.memory_space<vmem_shared>>)
    %dma_start3A_133 = arith.constant 19600 : i32
    %dma_start3A_134 = tpu.memref_slice %arg9[%dma_start3A_133] : memref<20000xi32, #tpu.memory_space<vmem>> -> memref<80xi32, #tpu.memory_space<vmem>>
    %dma_start3A_135 = arith.constant 0 : i32
    %dma_start3A_136 = arith.constant 0 : i32
    %dma_start3A_137 = tpu.memref_slice %arg7[%dma_start3A_135, %dma_start3A_136] : memref<10240x16xf32, #tpu.memory_space<vmem_shared>> -> memref<10240x16xf32, #tpu.memory_space<vmem_shared>>
    tpu.enqueue_indirect_dma source(%arg12 : memref<80x16xf32, #tpu.memory_space<vmem>>) target(%dma_start3A_137 : memref<10240x16xf32, #tpu.memory_space<vmem_shared>>) offsets(%dma_start3A_134 : memref<80xi32, #tpu.memory_space<vmem>>) semaphore(%arg14 : memref<!tpu.dma_semaphore, #tpu.memory_space<semaphore_mem>>) {add = true}
    %run_scoped3A_138 = arith.constant 0 : i32
    "tpu.region"() ({
      %run_scoped3A_261 = tpu.sem_alloc : memref<!tpu.dma_semaphore, #tpu.memory_space<semaphore_mem>>
      %dma_start3A_262 = arith.constant 0 : i32
      %dma_start3A_263 = arith.constant 0 : i32
      %dma_start3A_264 = tpu.memref_slice %arg10[%run_scoped3A_138, %dma_start3A_262, %dma_start3A_263] : memref<5x80x64xf32, #tpu.memory_space<vmem>> -> memref<1x80x64xf32, #tpu.memory_space<vmem>>
      %dma_start3A_265 = tpu.memref_squeeze %dma_start3A_264 : memref<1x80x64xf32, #tpu.memory_space<vmem>> -> memref<80x64xf32, #tpu.memory_space<vmem>>
      %dma_start3A_266 = arith.constant 19600 : i32
      %dma_start3A_267 = tpu.memref_slice %arg9[%dma_start3A_266] : memref<20000xi32, #tpu.memory_space<vmem>> -> memref<80xi32, #tpu.memory_space<vmem>>
      %dma_start3A_268 = arith.constant 0 : i32
      %dma_start3A_269 = arith.constant 0 : i32
      %dma_start3A_270 = tpu.memref_slice %arg6[%dma_start3A_268, %dma_start3A_269] : memref<10240x64xf32, #tpu.memory_space<vmem_shared>> -> memref<10240x64xf32, #tpu.memory_space<vmem_shared>>
      tpu.enqueue_indirect_dma source(%dma_start3A_265 : memref<80x64xf32, #tpu.memory_space<vmem>>) target(%dma_start3A_270 : memref<10240x64xf32, #tpu.memory_space<vmem_shared>>) offsets(%dma_start3A_267 : memref<80xi32, #tpu.memory_space<vmem>>) semaphore(%run_scoped3A_261 : memref<!tpu.dma_semaphore, #tpu.memory_space<semaphore_mem>>) {add = true}
      %dma_wait3A_271 = arith.constant 0 : i32
      %dma_wait3A_272 = arith.constant 0 : i32
      %dma_wait3A_273 = tpu.memref_slice %arg10[%run_scoped3A_138, %dma_wait3A_271, %dma_wait3A_272] : memref<5x80x64xf32, #tpu.memory_space<vmem>> -> memref<1x80x64xf32, #tpu.memory_space<vmem>>
      %dma_wait3A_274 = tpu.memref_squeeze %dma_wait3A_273 : memref<1x80x64xf32, #tpu.memory_space<vmem>> -> memref<80x64xf32, #tpu.memory_space<vmem>>
      %dma_wait3A_275 = arith.constant 19600 : i32
      %dma_wait3A_276 = tpu.memref_slice %arg9[%dma_wait3A_275] : memref<20000xi32, #tpu.memory_space<vmem>> -> memref<80xi32, #tpu.memory_space<vmem>>
      %dma_wait3A_277 = arith.constant 0 : i32
      %dma_wait3A_278 = arith.constant 0 : i32
      %dma_wait3A_279 = tpu.memref_slice %arg6[%dma_wait3A_277, %dma_wait3A_278] : memref<10240x64xf32, #tpu.memory_space<vmem_shared>> -> memref<10240x64xf32, #tpu.memory_space<vmem_shared>>
      tpu.wait_indirect_dma semaphore(%run_scoped3A_261 : memref<!tpu.dma_semaphore, #tpu.memory_space<semaphore_mem>>) src(%dma_wait3A_274 : memref<80x64xf32, #tpu.memory_space<vmem>>) dst(%dma_wait3A_279 : memref<10240x64xf32, #tpu.memory_space<vmem_shared>>)
      tpu.yield
    }) : () -> ()
    %dma_wait3A_139 = arith.constant 1 : i32
    %dma_wait3A_140 = arith.constant 0 : i32
    %dma_wait3A_141 = arith.constant 0 : i32
    %dma_wait3A_142 = tpu.memref_slice %arg10[%dma_wait3A_139, %dma_wait3A_140, %dma_wait3A_141] : memref<5x80x64xf32, #tpu.memory_space<vmem>> -> memref<1x80x64xf32, #tpu.memory_space<vmem>>
    %dma_wait3A_143 = tpu.memref_squeeze %dma_wait3A_142 : memref<1x80x64xf32, #tpu.memory_space<vmem>> -> memref<80x64xf32, #tpu.memory_space<vmem>>
    %dma_wait3A_144 = arith.constant 0 : i32
    %dma_wait3A_145 = tpu.memref_slice %arg8[%dma_wait3A_144] : memref<20000xi32, #tpu.memory_space<vmem>> -> memref<80xi32, #tpu.memory_space<vmem>>
    %dma_wait3A_146 = arith.constant 0 : i32
    %dma_wait3A_147 = arith.constant 0 : i32
    %dma_wait3A_148 = tpu.memref_slice %arg2[%dma_wait3A_146, %dma_wait3A_147] : memref<10000x64xf32, #tpu.memory_space<hbm>> -> memref<10000x64xf32, #tpu.memory_space<hbm>>
    tpu.wait_indirect_dma semaphore(%arg16 : memref<!tpu.dma_semaphore, #tpu.memory_space<semaphore_mem>>) src(%dma_wait3A_148 : memref<10000x64xf32, #tpu.memory_space<hbm>>) dst(%dma_wait3A_143 : memref<80x64xf32, #tpu.memory_space<vmem>>)
    %dma_wait3A_149 = arith.constant 0 : i32
    %dma_wait3A_150 = tpu.memref_slice %arg9[%dma_wait3A_149] : memref<20000xi32, #tpu.memory_space<vmem>> -> memref<80xi32, #tpu.memory_space<vmem>>
    %dma_wait3A_151 = arith.constant 0 : i32
    %dma_wait3A_152 = arith.constant 0 : i32
    %dma_wait3A_153 = tpu.memref_slice %arg7[%dma_wait3A_151, %dma_wait3A_152] : memref<10240x16xf32, #tpu.memory_space<vmem_shared>> -> memref<10240x16xf32, #tpu.memory_space<vmem_shared>>
    tpu.wait_indirect_dma semaphore(%arg14 : memref<!tpu.dma_semaphore, #tpu.memory_space<semaphore_mem>>) src(%arg12 : memref<80x16xf32, #tpu.memory_space<vmem>>) dst(%dma_wait3A_153 : memref<10240x16xf32, #tpu.memory_space<vmem_shared>>)
    %dma_start3A_154 = arith.constant 19680 : i32
    %dma_start3A_155 = tpu.memref_slice %arg9[%dma_start3A_154] : memref<20000xi32, #tpu.memory_space<vmem>> -> memref<80xi32, #tpu.memory_space<vmem>>
    %dma_start3A_156 = arith.constant 0 : i32
    %dma_start3A_157 = arith.constant 0 : i32
    %dma_start3A_158 = tpu.memref_slice %arg7[%dma_start3A_156, %dma_start3A_157] : memref<10240x16xf32, #tpu.memory_space<vmem_shared>> -> memref<10240x16xf32, #tpu.memory_space<vmem_shared>>
    tpu.enqueue_indirect_dma source(%arg12 : memref<80x16xf32, #tpu.memory_space<vmem>>) target(%dma_start3A_158 : memref<10240x16xf32, #tpu.memory_space<vmem_shared>>) offsets(%dma_start3A_155 : memref<80xi32, #tpu.memory_space<vmem>>) semaphore(%arg14 : memref<!tpu.dma_semaphore, #tpu.memory_space<semaphore_mem>>) {add = true}
    %run_scoped3A_159 = arith.constant 1 : i32
    "tpu.region"() ({
      %run_scoped3A_261 = tpu.sem_alloc : memref<!tpu.dma_semaphore, #tpu.memory_space<semaphore_mem>>
      %dma_start3A_262 = arith.constant 0 : i32
      %dma_start3A_263 = arith.constant 0 : i32
      %dma_start3A_264 = tpu.memref_slice %arg10[%run_scoped3A_159, %dma_start3A_262, %dma_start3A_263] : memref<5x80x64xf32, #tpu.memory_space<vmem>> -> memref<1x80x64xf32, #tpu.memory_space<vmem>>
      %dma_start3A_265 = tpu.memref_squeeze %dma_start3A_264 : memref<1x80x64xf32, #tpu.memory_space<vmem>> -> memref<80x64xf32, #tpu.memory_space<vmem>>
      %dma_start3A_266 = arith.constant 19680 : i32
      %dma_start3A_267 = tpu.memref_slice %arg9[%dma_start3A_266] : memref<20000xi32, #tpu.memory_space<vmem>> -> memref<80xi32, #tpu.memory_space<vmem>>
      %dma_start3A_268 = arith.constant 0 : i32
      %dma_start3A_269 = arith.constant 0 : i32
      %dma_start3A_270 = tpu.memref_slice %arg6[%dma_start3A_268, %dma_start3A_269] : memref<10240x64xf32, #tpu.memory_space<vmem_shared>> -> memref<10240x64xf32, #tpu.memory_space<vmem_shared>>
      tpu.enqueue_indirect_dma source(%dma_start3A_265 : memref<80x64xf32, #tpu.memory_space<vmem>>) target(%dma_start3A_270 : memref<10240x64xf32, #tpu.memory_space<vmem_shared>>) offsets(%dma_start3A_267 : memref<80xi32, #tpu.memory_space<vmem>>) semaphore(%run_scoped3A_261 : memref<!tpu.dma_semaphore, #tpu.memory_space<semaphore_mem>>) {add = true}
      %dma_wait3A_271 = arith.constant 0 : i32
      %dma_wait3A_272 = arith.constant 0 : i32
      %dma_wait3A_273 = tpu.memref_slice %arg10[%run_scoped3A_159, %dma_wait3A_271, %dma_wait3A_272] : memref<5x80x64xf32, #tpu.memory_space<vmem>> -> memref<1x80x64xf32, #tpu.memory_space<vmem>>
      %dma_wait3A_274 = tpu.memref_squeeze %dma_wait3A_273 : memref<1x80x64xf32, #tpu.memory_space<vmem>> -> memref<80x64xf32, #tpu.memory_space<vmem>>
      %dma_wait3A_275 = arith.constant 19680 : i32
      %dma_wait3A_276 = tpu.memref_slice %arg9[%dma_wait3A_275] : memref<20000xi32, #tpu.memory_space<vmem>> -> memref<80xi32, #tpu.memory_space<vmem>>
      %dma_wait3A_277 = arith.constant 0 : i32
      %dma_wait3A_278 = arith.constant 0 : i32
      %dma_wait3A_279 = tpu.memref_slice %arg6[%dma_wait3A_277, %dma_wait3A_278] : memref<10240x64xf32, #tpu.memory_space<vmem_shared>> -> memref<10240x64xf32, #tpu.memory_space<vmem_shared>>
      tpu.wait_indirect_dma semaphore(%run_scoped3A_261 : memref<!tpu.dma_semaphore, #tpu.memory_space<semaphore_mem>>) src(%dma_wait3A_274 : memref<80x64xf32, #tpu.memory_space<vmem>>) dst(%dma_wait3A_279 : memref<10240x64xf32, #tpu.memory_space<vmem_shared>>)
      tpu.yield
    }) : () -> ()
    %dma_wait3A_160 = arith.constant 2 : i32
    %dma_wait3A_161 = arith.constant 0 : i32
    %dma_wait3A_162 = arith.constant 0 : i32
    %dma_wait3A_163 = tpu.memref_slice %arg10[%dma_wait3A_160, %dma_wait3A_161, %dma_wait3A_162] : memref<5x80x64xf32, #tpu.memory_space<vmem>> -> memref<1x80x64xf32, #tpu.memory_space<vmem>>
    %dma_wait3A_164 = tpu.memref_squeeze %dma_wait3A_163 : memref<1x80x64xf32, #tpu.memory_space<vmem>> -> memref<80x64xf32, #tpu.memory_space<vmem>>
    %dma_wait3A_165 = arith.constant 0 : i32
    %dma_wait3A_166 = tpu.memref_slice %arg8[%dma_wait3A_165] : memref<20000xi32, #tpu.memory_space<vmem>> -> memref<80xi32, #tpu.memory_space<vmem>>
    %dma_wait3A_167 = arith.constant 0 : i32
    %dma_wait3A_168 = arith.constant 0 : i32
    %dma_wait3A_169 = tpu.memref_slice %arg2[%dma_wait3A_167, %dma_wait3A_168] : memref<10000x64xf32, #tpu.memory_space<hbm>> -> memref<10000x64xf32, #tpu.memory_space<hbm>>
    tpu.wait_indirect_dma semaphore(%arg17 : memref<!tpu.dma_semaphore, #tpu.memory_space<semaphore_mem>>) src(%dma_wait3A_169 : memref<10000x64xf32, #tpu.memory_space<hbm>>) dst(%dma_wait3A_164 : memref<80x64xf32, #tpu.memory_space<vmem>>)
    %dma_wait3A_170 = arith.constant 0 : i32
    %dma_wait3A_171 = tpu.memref_slice %arg9[%dma_wait3A_170] : memref<20000xi32, #tpu.memory_space<vmem>> -> memref<80xi32, #tpu.memory_space<vmem>>
    %dma_wait3A_172 = arith.constant 0 : i32
    %dma_wait3A_173 = arith.constant 0 : i32
    %dma_wait3A_174 = tpu.memref_slice %arg7[%dma_wait3A_172, %dma_wait3A_173] : memref<10240x16xf32, #tpu.memory_space<vmem_shared>> -> memref<10240x16xf32, #tpu.memory_space<vmem_shared>>
    tpu.wait_indirect_dma semaphore(%arg14 : memref<!tpu.dma_semaphore, #tpu.memory_space<semaphore_mem>>) src(%arg12 : memref<80x16xf32, #tpu.memory_space<vmem>>) dst(%dma_wait3A_174 : memref<10240x16xf32, #tpu.memory_space<vmem_shared>>)
    %dma_start3A_175 = arith.constant 19760 : i32
    %dma_start3A_176 = tpu.memref_slice %arg9[%dma_start3A_175] : memref<20000xi32, #tpu.memory_space<vmem>> -> memref<80xi32, #tpu.memory_space<vmem>>
    %dma_start3A_177 = arith.constant 0 : i32
    %dma_start3A_178 = arith.constant 0 : i32
    %dma_start3A_179 = tpu.memref_slice %arg7[%dma_start3A_177, %dma_start3A_178] : memref<10240x16xf32, #tpu.memory_space<vmem_shared>> -> memref<10240x16xf32, #tpu.memory_space<vmem_shared>>
    tpu.enqueue_indirect_dma source(%arg12 : memref<80x16xf32, #tpu.memory_space<vmem>>) target(%dma_start3A_179 : memref<10240x16xf32, #tpu.memory_space<vmem_shared>>) offsets(%dma_start3A_176 : memref<80xi32, #tpu.memory_space<vmem>>) semaphore(%arg14 : memref<!tpu.dma_semaphore, #tpu.memory_space<semaphore_mem>>) {add = true}
    %run_scoped3A_180 = arith.constant 2 : i32
    "tpu.region"() ({
      %run_scoped3A_261 = tpu.sem_alloc : memref<!tpu.dma_semaphore, #tpu.memory_space<semaphore_mem>>
      %dma_start3A_262 = arith.constant 0 : i32
      %dma_start3A_263 = arith.constant 0 : i32
      %dma_start3A_264 = tpu.memref_slice %arg10[%run_scoped3A_180, %dma_start3A_262, %dma_start3A_263] : memref<5x80x64xf32, #tpu.memory_space<vmem>> -> memref<1x80x64xf32, #tpu.memory_space<vmem>>
      %dma_start3A_265 = tpu.memref_squeeze %dma_start3A_264 : memref<1x80x64xf32, #tpu.memory_space<vmem>> -> memref<80x64xf32, #tpu.memory_space<vmem>>
      %dma_start3A_266 = arith.constant 19760 : i32
      %dma_start3A_267 = tpu.memref_slice %arg9[%dma_start3A_266] : memref<20000xi32, #tpu.memory_space<vmem>> -> memref<80xi32, #tpu.memory_space<vmem>>
      %dma_start3A_268 = arith.constant 0 : i32
      %dma_start3A_269 = arith.constant 0 : i32
      %dma_start3A_270 = tpu.memref_slice %arg6[%dma_start3A_268, %dma_start3A_269] : memref<10240x64xf32, #tpu.memory_space<vmem_shared>> -> memref<10240x64xf32, #tpu.memory_space<vmem_shared>>
      tpu.enqueue_indirect_dma source(%dma_start3A_265 : memref<80x64xf32, #tpu.memory_space<vmem>>) target(%dma_start3A_270 : memref<10240x64xf32, #tpu.memory_space<vmem_shared>>) offsets(%dma_start3A_267 : memref<80xi32, #tpu.memory_space<vmem>>) semaphore(%run_scoped3A_261 : memref<!tpu.dma_semaphore, #tpu.memory_space<semaphore_mem>>) {add = true}
      %dma_wait3A_271 = arith.constant 0 : i32
      %dma_wait3A_272 = arith.constant 0 : i32
      %dma_wait3A_273 = tpu.memref_slice %arg10[%run_scoped3A_180, %dma_wait3A_271, %dma_wait3A_272] : memref<5x80x64xf32, #tpu.memory_space<vmem>> -> memref<1x80x64xf32, #tpu.memory_space<vmem>>
      %dma_wait3A_274 = tpu.memref_squeeze %dma_wait3A_273 : memref<1x80x64xf32, #tpu.memory_space<vmem>> -> memref<80x64xf32, #tpu.memory_space<vmem>>
      %dma_wait3A_275 = arith.constant 19760 : i32
      %dma_wait3A_276 = tpu.memref_slice %arg9[%dma_wait3A_275] : memref<20000xi32, #tpu.memory_space<vmem>> -> memref<80xi32, #tpu.memory_space<vmem>>
      %dma_wait3A_277 = arith.constant 0 : i32
      %dma_wait3A_278 = arith.constant 0 : i32
      %dma_wait3A_279 = tpu.memref_slice %arg6[%dma_wait3A_277, %dma_wait3A_278] : memref<10240x64xf32, #tpu.memory_space<vmem_shared>> -> memref<10240x64xf32, #tpu.memory_space<vmem_shared>>
      tpu.wait_indirect_dma semaphore(%run_scoped3A_261 : memref<!tpu.dma_semaphore, #tpu.memory_space<semaphore_mem>>) src(%dma_wait3A_274 : memref<80x64xf32, #tpu.memory_space<vmem>>) dst(%dma_wait3A_279 : memref<10240x64xf32, #tpu.memory_space<vmem_shared>>)
      tpu.yield
    }) : () -> ()
    %dma_wait3A_181 = arith.constant 3 : i32
    %dma_wait3A_182 = arith.constant 0 : i32
    %dma_wait3A_183 = arith.constant 0 : i32
    %dma_wait3A_184 = tpu.memref_slice %arg10[%dma_wait3A_181, %dma_wait3A_182, %dma_wait3A_183] : memref<5x80x64xf32, #tpu.memory_space<vmem>> -> memref<1x80x64xf32, #tpu.memory_space<vmem>>
    %dma_wait3A_185 = tpu.memref_squeeze %dma_wait3A_184 : memref<1x80x64xf32, #tpu.memory_space<vmem>> -> memref<80x64xf32, #tpu.memory_space<vmem>>
    %dma_wait3A_186 = arith.constant 0 : i32
    %dma_wait3A_187 = tpu.memref_slice %arg8[%dma_wait3A_186] : memref<20000xi32, #tpu.memory_space<vmem>> -> memref<80xi32, #tpu.memory_space<vmem>>
    %dma_wait3A_188 = arith.constant 0 : i32
    %dma_wait3A_189 = arith.constant 0 : i32
    %dma_wait3A_190 = tpu.memref_slice %arg2[%dma_wait3A_188, %dma_wait3A_189] : memref<10000x64xf32, #tpu.memory_space<hbm>> -> memref<10000x64xf32, #tpu.memory_space<hbm>>
    tpu.wait_indirect_dma semaphore(%arg18 : memref<!tpu.dma_semaphore, #tpu.memory_space<semaphore_mem>>) src(%dma_wait3A_190 : memref<10000x64xf32, #tpu.memory_space<hbm>>) dst(%dma_wait3A_185 : memref<80x64xf32, #tpu.memory_space<vmem>>)
    %dma_wait3A_191 = arith.constant 0 : i32
    %dma_wait3A_192 = tpu.memref_slice %arg9[%dma_wait3A_191] : memref<20000xi32, #tpu.memory_space<vmem>> -> memref<80xi32, #tpu.memory_space<vmem>>
    %dma_wait3A_193 = arith.constant 0 : i32
    %dma_wait3A_194 = arith.constant 0 : i32
    %dma_wait3A_195 = tpu.memref_slice %arg7[%dma_wait3A_193, %dma_wait3A_194] : memref<10240x16xf32, #tpu.memory_space<vmem_shared>> -> memref<10240x16xf32, #tpu.memory_space<vmem_shared>>
    tpu.wait_indirect_dma semaphore(%arg14 : memref<!tpu.dma_semaphore, #tpu.memory_space<semaphore_mem>>) src(%arg12 : memref<80x16xf32, #tpu.memory_space<vmem>>) dst(%dma_wait3A_195 : memref<10240x16xf32, #tpu.memory_space<vmem_shared>>)
    %dma_start3A_196 = arith.constant 19840 : i32
    %dma_start3A_197 = tpu.memref_slice %arg9[%dma_start3A_196] : memref<20000xi32, #tpu.memory_space<vmem>> -> memref<80xi32, #tpu.memory_space<vmem>>
    %dma_start3A_198 = arith.constant 0 : i32
    %dma_start3A_199 = arith.constant 0 : i32
    %dma_start3A_200 = tpu.memref_slice %arg7[%dma_start3A_198, %dma_start3A_199] : memref<10240x16xf32, #tpu.memory_space<vmem_shared>> -> memref<10240x16xf32, #tpu.memory_space<vmem_shared>>
    tpu.enqueue_indirect_dma source(%arg12 : memref<80x16xf32, #tpu.memory_space<vmem>>) target(%dma_start3A_200 : memref<10240x16xf32, #tpu.memory_space<vmem_shared>>) offsets(%dma_start3A_197 : memref<80xi32, #tpu.memory_space<vmem>>) semaphore(%arg14 : memref<!tpu.dma_semaphore, #tpu.memory_space<semaphore_mem>>) {add = true}
    %run_scoped3A_201 = arith.constant 3 : i32
    "tpu.region"() ({
      %run_scoped3A_261 = tpu.sem_alloc : memref<!tpu.dma_semaphore, #tpu.memory_space<semaphore_mem>>
      %dma_start3A_262 = arith.constant 0 : i32
      %dma_start3A_263 = arith.constant 0 : i32
      %dma_start3A_264 = tpu.memref_slice %arg10[%run_scoped3A_201, %dma_start3A_262, %dma_start3A_263] : memref<5x80x64xf32, #tpu.memory_space<vmem>> -> memref<1x80x64xf32, #tpu.memory_space<vmem>>
      %dma_start3A_265 = tpu.memref_squeeze %dma_start3A_264 : memref<1x80x64xf32, #tpu.memory_space<vmem>> -> memref<80x64xf32, #tpu.memory_space<vmem>>
      %dma_start3A_266 = arith.constant 19840 : i32
      %dma_start3A_267 = tpu.memref_slice %arg9[%dma_start3A_266] : memref<20000xi32, #tpu.memory_space<vmem>> -> memref<80xi32, #tpu.memory_space<vmem>>
      %dma_start3A_268 = arith.constant 0 : i32
      %dma_start3A_269 = arith.constant 0 : i32
      %dma_start3A_270 = tpu.memref_slice %arg6[%dma_start3A_268, %dma_start3A_269] : memref<10240x64xf32, #tpu.memory_space<vmem_shared>> -> memref<10240x64xf32, #tpu.memory_space<vmem_shared>>
      tpu.enqueue_indirect_dma source(%dma_start3A_265 : memref<80x64xf32, #tpu.memory_space<vmem>>) target(%dma_start3A_270 : memref<10240x64xf32, #tpu.memory_space<vmem_shared>>) offsets(%dma_start3A_267 : memref<80xi32, #tpu.memory_space<vmem>>) semaphore(%run_scoped3A_261 : memref<!tpu.dma_semaphore, #tpu.memory_space<semaphore_mem>>) {add = true}
      %dma_wait3A_271 = arith.constant 0 : i32
      %dma_wait3A_272 = arith.constant 0 : i32
      %dma_wait3A_273 = tpu.memref_slice %arg10[%run_scoped3A_201, %dma_wait3A_271, %dma_wait3A_272] : memref<5x80x64xf32, #tpu.memory_space<vmem>> -> memref<1x80x64xf32, #tpu.memory_space<vmem>>
      %dma_wait3A_274 = tpu.memref_squeeze %dma_wait3A_273 : memref<1x80x64xf32, #tpu.memory_space<vmem>> -> memref<80x64xf32, #tpu.memory_space<vmem>>
      %dma_wait3A_275 = arith.constant 19840 : i32
      %dma_wait3A_276 = tpu.memref_slice %arg9[%dma_wait3A_275] : memref<20000xi32, #tpu.memory_space<vmem>> -> memref<80xi32, #tpu.memory_space<vmem>>
      %dma_wait3A_277 = arith.constant 0 : i32
      %dma_wait3A_278 = arith.constant 0 : i32
      %dma_wait3A_279 = tpu.memref_slice %arg6[%dma_wait3A_277, %dma_wait3A_278] : memref<10240x64xf32, #tpu.memory_space<vmem_shared>> -> memref<10240x64xf32, #tpu.memory_space<vmem_shared>>
      tpu.wait_indirect_dma semaphore(%run_scoped3A_261 : memref<!tpu.dma_semaphore, #tpu.memory_space<semaphore_mem>>) src(%dma_wait3A_274 : memref<80x64xf32, #tpu.memory_space<vmem>>) dst(%dma_wait3A_279 : memref<10240x64xf32, #tpu.memory_space<vmem_shared>>)
      tpu.yield
    }) : () -> ()
    %dma_wait3A_202 = arith.constant 4 : i32
    %dma_wait3A_203 = arith.constant 0 : i32
    %dma_wait3A_204 = arith.constant 0 : i32
    %dma_wait3A_205 = tpu.memref_slice %arg10[%dma_wait3A_202, %dma_wait3A_203, %dma_wait3A_204] : memref<5x80x64xf32, #tpu.memory_space<vmem>> -> memref<1x80x64xf32, #tpu.memory_space<vmem>>
    %dma_wait3A_206 = tpu.memref_squeeze %dma_wait3A_205 : memref<1x80x64xf32, #tpu.memory_space<vmem>> -> memref<80x64xf32, #tpu.memory_space<vmem>>
    %dma_wait3A_207 = arith.constant 0 : i32
    %dma_wait3A_208 = tpu.memref_slice %arg8[%dma_wait3A_207] : memref<20000xi32, #tpu.memory_space<vmem>> -> memref<80xi32, #tpu.memory_space<vmem>>
    %dma_wait3A_209 = arith.constant 0 : i32
    %dma_wait3A_210 = arith.constant 0 : i32
    %dma_wait3A_211 = tpu.memref_slice %arg2[%dma_wait3A_209, %dma_wait3A_210] : memref<10000x64xf32, #tpu.memory_space<hbm>> -> memref<10000x64xf32, #tpu.memory_space<hbm>>
    tpu.wait_indirect_dma semaphore(%arg19 : memref<!tpu.dma_semaphore, #tpu.memory_space<semaphore_mem>>) src(%dma_wait3A_211 : memref<10000x64xf32, #tpu.memory_space<hbm>>) dst(%dma_wait3A_206 : memref<80x64xf32, #tpu.memory_space<vmem>>)
    %dma_wait3A_212 = arith.constant 0 : i32
    %dma_wait3A_213 = tpu.memref_slice %arg9[%dma_wait3A_212] : memref<20000xi32, #tpu.memory_space<vmem>> -> memref<80xi32, #tpu.memory_space<vmem>>
    %dma_wait3A_214 = arith.constant 0 : i32
    %dma_wait3A_215 = arith.constant 0 : i32
    %dma_wait3A_216 = tpu.memref_slice %arg7[%dma_wait3A_214, %dma_wait3A_215] : memref<10240x16xf32, #tpu.memory_space<vmem_shared>> -> memref<10240x16xf32, #tpu.memory_space<vmem_shared>>
    tpu.wait_indirect_dma semaphore(%arg14 : memref<!tpu.dma_semaphore, #tpu.memory_space<semaphore_mem>>) src(%arg12 : memref<80x16xf32, #tpu.memory_space<vmem>>) dst(%dma_wait3A_216 : memref<10240x16xf32, #tpu.memory_space<vmem_shared>>)
    %dma_start3A_217 = arith.constant 19920 : i32
    %dma_start3A_218 = tpu.memref_slice %arg9[%dma_start3A_217] : memref<20000xi32, #tpu.memory_space<vmem>> -> memref<80xi32, #tpu.memory_space<vmem>>
    %dma_start3A_219 = arith.constant 0 : i32
    %dma_start3A_220 = arith.constant 0 : i32
    %dma_start3A_221 = tpu.memref_slice %arg7[%dma_start3A_219, %dma_start3A_220] : memref<10240x16xf32, #tpu.memory_space<vmem_shared>> -> memref<10240x16xf32, #tpu.memory_space<vmem_shared>>
    tpu.enqueue_indirect_dma source(%arg12 : memref<80x16xf32, #tpu.memory_space<vmem>>) target(%dma_start3A_221 : memref<10240x16xf32, #tpu.memory_space<vmem_shared>>) offsets(%dma_start3A_218 : memref<80xi32, #tpu.memory_space<vmem>>) semaphore(%arg14 : memref<!tpu.dma_semaphore, #tpu.memory_space<semaphore_mem>>) {add = true}
    %run_scoped3A_222 = arith.constant 4 : i32
    "tpu.region"() ({
      %run_scoped3A_261 = tpu.sem_alloc : memref<!tpu.dma_semaphore, #tpu.memory_space<semaphore_mem>>
      %dma_start3A_262 = arith.constant 0 : i32
      %dma_start3A_263 = arith.constant 0 : i32
      %dma_start3A_264 = tpu.memref_slice %arg10[%run_scoped3A_222, %dma_start3A_262, %dma_start3A_263] : memref<5x80x64xf32, #tpu.memory_space<vmem>> -> memref<1x80x64xf32, #tpu.memory_space<vmem>>
      %dma_start3A_265 = tpu.memref_squeeze %dma_start3A_264 : memref<1x80x64xf32, #tpu.memory_space<vmem>> -> memref<80x64xf32, #tpu.memory_space<vmem>>
      %dma_start3A_266 = arith.constant 19920 : i32
      %dma_start3A_267 = tpu.memref_slice %arg9[%dma_start3A_266] : memref<20000xi32, #tpu.memory_space<vmem>> -> memref<80xi32, #tpu.memory_space<vmem>>
      %dma_start3A_268 = arith.constant 0 : i32
      %dma_start3A_269 = arith.constant 0 : i32
      %dma_start3A_270 = tpu.memref_slice %arg6[%dma_start3A_268, %dma_start3A_269] : memref<10240x64xf32, #tpu.memory_space<vmem_shared>> -> memref<10240x64xf32, #tpu.memory_space<vmem_shared>>
      tpu.enqueue_indirect_dma source(%dma_start3A_265 : memref<80x64xf32, #tpu.memory_space<vmem>>) target(%dma_start3A_270 : memref<10240x64xf32, #tpu.memory_space<vmem_shared>>) offsets(%dma_start3A_267 : memref<80xi32, #tpu.memory_space<vmem>>) semaphore(%run_scoped3A_261 : memref<!tpu.dma_semaphore, #tpu.memory_space<semaphore_mem>>) {add = true}
      %dma_wait3A_271 = arith.constant 0 : i32
      %dma_wait3A_272 = arith.constant 0 : i32
      %dma_wait3A_273 = tpu.memref_slice %arg10[%run_scoped3A_222, %dma_wait3A_271, %dma_wait3A_272] : memref<5x80x64xf32, #tpu.memory_space<vmem>> -> memref<1x80x64xf32, #tpu.memory_space<vmem>>
      %dma_wait3A_274 = tpu.memref_squeeze %dma_wait3A_273 : memref<1x80x64xf32, #tpu.memory_space<vmem>> -> memref<80x64xf32, #tpu.memory_space<vmem>>
      %dma_wait3A_275 = arith.constant 19920 : i32
      %dma_wait3A_276 = tpu.memref_slice %arg9[%dma_wait3A_275] : memref<20000xi32, #tpu.memory_space<vmem>> -> memref<80xi32, #tpu.memory_space<vmem>>
      %dma_wait3A_277 = arith.constant 0 : i32
      %dma_wait3A_278 = arith.constant 0 : i32
      %dma_wait3A_279 = tpu.memref_slice %arg6[%dma_wait3A_277, %dma_wait3A_278] : memref<10240x64xf32, #tpu.memory_space<vmem_shared>> -> memref<10240x64xf32, #tpu.memory_space<vmem_shared>>
      tpu.wait_indirect_dma semaphore(%run_scoped3A_261 : memref<!tpu.dma_semaphore, #tpu.memory_space<semaphore_mem>>) src(%dma_wait3A_274 : memref<80x64xf32, #tpu.memory_space<vmem>>) dst(%dma_wait3A_279 : memref<10240x64xf32, #tpu.memory_space<vmem_shared>>)
      tpu.yield
    }) : () -> ()
    %dma_wait3A_223 = arith.constant 0 : i32
    %dma_wait3A_224 = tpu.memref_slice %arg9[%dma_wait3A_223] : memref<20000xi32, #tpu.memory_space<vmem>> -> memref<80xi32, #tpu.memory_space<vmem>>
    %dma_wait3A_225 = arith.constant 0 : i32
    %dma_wait3A_226 = arith.constant 0 : i32
    %dma_wait3A_227 = tpu.memref_slice %arg7[%dma_wait3A_225, %dma_wait3A_226] : memref<10240x16xf32, #tpu.memory_space<vmem_shared>> -> memref<10240x16xf32, #tpu.memory_space<vmem_shared>>
    tpu.wait_indirect_dma semaphore(%arg14 : memref<!tpu.dma_semaphore, #tpu.memory_space<semaphore_mem>>) src(%arg12 : memref<80x16xf32, #tpu.memory_space<vmem>>) dst(%dma_wait3A_227 : memref<10240x16xf32, #tpu.memory_space<vmem_shared>>)
    %barrier3A_228 = arith.constant 0 : index
    tpu.barrier barrier_id(%barrier3A_228)
    %mul3A_229 = arith.constant 640 : i32
    %mul3A_230 = arith.muli %arg1, %mul3A_229 : i32
    %add3A_231 = arith.constant 0 : i32
    %add3A_232 = arith.addi %mul3A_230, %add3A_231 : i32
    "tpu.region"() ({
      %run_scoped3A_261 = tpu.sem_alloc : memref<!tpu.dma_semaphore, #tpu.memory_space<semaphore_mem>>
      %dma_start3A_262 = arith.constant 0 : i32
      %dma_start3A_263 = tpu.memref_slice %arg6[%add3A_232, %dma_start3A_262] : memref<10240x64xf32, #tpu.memory_space<vmem_shared>> -> memref<160x64xf32, #tpu.memory_space<vmem_shared>>
      %dma_start3A_264 = arith.constant 0 : i32
      %dma_start3A_265 = tpu.memref_slice %arg6[%add3A_232, %dma_start3A_264] : memref<10240x64xf32, #tpu.memory_space<vmem_shared>> -> memref<160x64xf32, #tpu.memory_space<vmem_shared>>
      tpu.enqueue_dma source(%dma_start3A_265 : memref<160x64xf32, #tpu.memory_space<vmem_shared>>) target(%arg11 : memref<160x64xf32, #tpu.memory_space<vmem>>) target_semaphore(%run_scoped3A_261 : memref<!tpu.dma_semaphore, #tpu.memory_space<semaphore_mem>>)
      %dma_wait3A_266 = arith.constant 0 : i32
      %dma_wait3A_267 = tpu.memref_slice %arg6[%add3A_232, %dma_wait3A_266] : memref<10240x64xf32, #tpu.memory_space<vmem_shared>> -> memref<160x64xf32, #tpu.memory_space<vmem_shared>>
      %dma_wait3A_268 = arith.constant 0 : i32
      %dma_wait3A_269 = tpu.memref_slice %arg6[%add3A_232, %dma_wait3A_268] : memref<10240x64xf32, #tpu.memory_space<vmem_shared>> -> memref<160x64xf32, #tpu.memory_space<vmem_shared>>
      tpu.wait_dma2 semaphore(%run_scoped3A_261 : memref<!tpu.dma_semaphore, #tpu.memory_space<semaphore_mem>>) src(%dma_wait3A_269 : memref<160x64xf32, #tpu.memory_space<vmem_shared>>) dst(%arg11 : memref<160x64xf32, #tpu.memory_space<vmem>>)
      tpu.yield
    }) : () -> ()
    "tpu.region"() ({
      %run_scoped3A_261 = tpu.sem_alloc : memref<!tpu.dma_semaphore, #tpu.memory_space<semaphore_mem>>
      %dma_start3A_262 = arith.constant 0 : i32
      %dma_start3A_263 = tpu.memref_slice %arg4[%arg0, %add3A_232, %dma_start3A_262] : memref<2x10240x64xf32, #tpu.memory_space<hbm>> -> memref<1x160x64xf32, #tpu.memory_space<hbm>>
      %dma_start3A_264 = tpu.memref_squeeze %dma_start3A_263 : memref<1x160x64xf32, #tpu.memory_space<hbm>> -> memref<160x64xf32, #tpu.memory_space<hbm>>
      %dma_start3A_265 = arith.constant 0 : i32
      %dma_start3A_266 = tpu.memref_slice %arg4[%arg0, %add3A_232, %dma_start3A_265] : memref<2x10240x64xf32, #tpu.memory_space<hbm>> -> memref<1x160x64xf32, #tpu.memory_space<hbm>>
      %dma_start3A_267 = tpu.memref_squeeze %dma_start3A_266 : memref<1x160x64xf32, #tpu.memory_space<hbm>> -> memref<160x64xf32, #tpu.memory_space<hbm>>
      tpu.enqueue_dma source(%arg11 : memref<160x64xf32, #tpu.memory_space<vmem>>) target(%dma_start3A_267 : memref<160x64xf32, #tpu.memory_space<hbm>>) target_semaphore(%run_scoped3A_261 : memref<!tpu.dma_semaphore, #tpu.memory_space<semaphore_mem>>)
      %dma_wait3A_268 = arith.constant 0 : i32
      %dma_wait3A_269 = tpu.memref_slice %arg4[%arg0, %add3A_232, %dma_wait3A_268] : memref<2x10240x64xf32, #tpu.memory_space<hbm>> -> memref<1x160x64xf32, #tpu.memory_space<hbm>>
      %dma_wait3A_270 = tpu.memref_squeeze %dma_wait3A_269 : memref<1x160x64xf32, #tpu.memory_space<hbm>> -> memref<160x64xf32, #tpu.memory_space<hbm>>
      %dma_wait3A_271 = arith.constant 0 : i32
      %dma_wait3A_272 = tpu.memref_slice %arg4[%arg0, %add3A_232, %dma_wait3A_271] : memref<2x10240x64xf32, #tpu.memory_space<hbm>> -> memref<1x160x64xf32, #tpu.memory_space<hbm>>
      %dma_wait3A_273 = tpu.memref_squeeze %dma_wait3A_272 : memref<1x160x64xf32, #tpu.memory_space<hbm>> -> memref<160x64xf32, #tpu.memory_space<hbm>>
      tpu.wait_dma2 semaphore(%run_scoped3A_261 : memref<!tpu.dma_semaphore, #tpu.memory_space<semaphore_mem>>) src(%arg11 : memref<160x64xf32, #tpu.memory_space<vmem>>) dst(%dma_wait3A_273 : memref<160x64xf32, #tpu.memory_space<hbm>>)
      tpu.yield
    }) : () -> ()
    %mul3A_233 = arith.constant 640 : i32
    %mul3A_234 = arith.muli %arg1, %mul3A_233 : i32
    %add3A_235 = arith.constant 160 : i32
    %add3A_236 = arith.addi %mul3A_234, %add3A_235 : i32
    "tpu.region"() ({
      %run_scoped3A_261 = tpu.sem_alloc : memref<!tpu.dma_semaphore, #tpu.memory_space<semaphore_mem>>
      %dma_start3A_262 = arith.constant 0 : i32
      %dma_start3A_263 = tpu.memref_slice %arg6[%add3A_236, %dma_start3A_262] : memref<10240x64xf32, #tpu.memory_space<vmem_shared>> -> memref<160x64xf32, #tpu.memory_space<vmem_shared>>
      %dma_start3A_264 = arith.constant 0 : i32
      %dma_start3A_265 = tpu.memref_slice %arg6[%add3A_236, %dma_start3A_264] : memref<10240x64xf32, #tpu.memory_space<vmem_shared>> -> memref<160x64xf32, #tpu.memory_space<vmem_shared>>
      tpu.enqueue_dma source(%dma_start3A_265 : memref<160x64xf32, #tpu.memory_space<vmem_shared>>) target(%arg11 : memref<160x64xf32, #tpu.memory_space<vmem>>) target_semaphore(%run_scoped3A_261 : memref<!tpu.dma_semaphore, #tpu.memory_space<semaphore_mem>>)
      %dma_wait3A_266 = arith.constant 0 : i32
      %dma_wait3A_267 = tpu.memref_slice %arg6[%add3A_236, %dma_wait3A_266] : memref<10240x64xf32, #tpu.memory_space<vmem_shared>> -> memref<160x64xf32, #tpu.memory_space<vmem_shared>>
      %dma_wait3A_268 = arith.constant 0 : i32
      %dma_wait3A_269 = tpu.memref_slice %arg6[%add3A_236, %dma_wait3A_268] : memref<10240x64xf32, #tpu.memory_space<vmem_shared>> -> memref<160x64xf32, #tpu.memory_space<vmem_shared>>
      tpu.wait_dma2 semaphore(%run_scoped3A_261 : memref<!tpu.dma_semaphore, #tpu.memory_space<semaphore_mem>>) src(%dma_wait3A_269 : memref<160x64xf32, #tpu.memory_space<vmem_shared>>) dst(%arg11 : memref<160x64xf32, #tpu.memory_space<vmem>>)
      tpu.yield
    }) : () -> ()
    "tpu.region"() ({
      %run_scoped3A_261 = tpu.sem_alloc : memref<!tpu.dma_semaphore, #tpu.memory_space<semaphore_mem>>
      %dma_start3A_262 = arith.constant 0 : i32
      %dma_start3A_263 = tpu.memref_slice %arg4[%arg0, %add3A_236, %dma_start3A_262] : memref<2x10240x64xf32, #tpu.memory_space<hbm>> -> memref<1x160x64xf32, #tpu.memory_space<hbm>>
      %dma_start3A_264 = tpu.memref_squeeze %dma_start3A_263 : memref<1x160x64xf32, #tpu.memory_space<hbm>> -> memref<160x64xf32, #tpu.memory_space<hbm>>
      %dma_start3A_265 = arith.constant 0 : i32
      %dma_start3A_266 = tpu.memref_slice %arg4[%arg0, %add3A_236, %dma_start3A_265] : memref<2x10240x64xf32, #tpu.memory_space<hbm>> -> memref<1x160x64xf32, #tpu.memory_space<hbm>>
      %dma_start3A_267 = tpu.memref_squeeze %dma_start3A_266 : memref<1x160x64xf32, #tpu.memory_space<hbm>> -> memref<160x64xf32, #tpu.memory_space<hbm>>
      tpu.enqueue_dma source(%arg11 : memref<160x64xf32, #tpu.memory_space<vmem>>) target(%dma_start3A_267 : memref<160x64xf32, #tpu.memory_space<hbm>>) target_semaphore(%run_scoped3A_261 : memref<!tpu.dma_semaphore, #tpu.memory_space<semaphore_mem>>)
      %dma_wait3A_268 = arith.constant 0 : i32
      %dma_wait3A_269 = tpu.memref_slice %arg4[%arg0, %add3A_236, %dma_wait3A_268] : memref<2x10240x64xf32, #tpu.memory_space<hbm>> -> memref<1x160x64xf32, #tpu.memory_space<hbm>>
      %dma_wait3A_270 = tpu.memref_squeeze %dma_wait3A_269 : memref<1x160x64xf32, #tpu.memory_space<hbm>> -> memref<160x64xf32, #tpu.memory_space<hbm>>
      %dma_wait3A_271 = arith.constant 0 : i32
      %dma_wait3A_272 = tpu.memref_slice %arg4[%arg0, %add3A_236, %dma_wait3A_271] : memref<2x10240x64xf32, #tpu.memory_space<hbm>> -> memref<1x160x64xf32, #tpu.memory_space<hbm>>
      %dma_wait3A_273 = tpu.memref_squeeze %dma_wait3A_272 : memref<1x160x64xf32, #tpu.memory_space<hbm>> -> memref<160x64xf32, #tpu.memory_space<hbm>>
      tpu.wait_dma2 semaphore(%run_scoped3A_261 : memref<!tpu.dma_semaphore, #tpu.memory_space<semaphore_mem>>) src(%arg11 : memref<160x64xf32, #tpu.memory_space<vmem>>) dst(%dma_wait3A_273 : memref<160x64xf32, #tpu.memory_space<hbm>>)
      tpu.yield
    }) : () -> ()
    %mul3A_237 = arith.constant 640 : i32
    %mul3A_238 = arith.muli %arg1, %mul3A_237 : i32
    %add3A_239 = arith.constant 320 : i32
    %add3A_240 = arith.addi %mul3A_238, %add3A_239 : i32
    "tpu.region"() ({
      %run_scoped3A_261 = tpu.sem_alloc : memref<!tpu.dma_semaphore, #tpu.memory_space<semaphore_mem>>
      %dma_start3A_262 = arith.constant 0 : i32
      %dma_start3A_263 = tpu.memref_slice %arg6[%add3A_240, %dma_start3A_262] : memref<10240x64xf32, #tpu.memory_space<vmem_shared>> -> memref<160x64xf32, #tpu.memory_space<vmem_shared>>
      %dma_start3A_264 = arith.constant 0 : i32
      %dma_start3A_265 = tpu.memref_slice %arg6[%add3A_240, %dma_start3A_264] : memref<10240x64xf32, #tpu.memory_space<vmem_shared>> -> memref<160x64xf32, #tpu.memory_space<vmem_shared>>
      tpu.enqueue_dma source(%dma_start3A_265 : memref<160x64xf32, #tpu.memory_space<vmem_shared>>) target(%arg11 : memref<160x64xf32, #tpu.memory_space<vmem>>) target_semaphore(%run_scoped3A_261 : memref<!tpu.dma_semaphore, #tpu.memory_space<semaphore_mem>>)
      %dma_wait3A_266 = arith.constant 0 : i32
      %dma_wait3A_267 = tpu.memref_slice %arg6[%add3A_240, %dma_wait3A_266] : memref<10240x64xf32, #tpu.memory_space<vmem_shared>> -> memref<160x64xf32, #tpu.memory_space<vmem_shared>>
      %dma_wait3A_268 = arith.constant 0 : i32
      %dma_wait3A_269 = tpu.memref_slice %arg6[%add3A_240, %dma_wait3A_268] : memref<10240x64xf32, #tpu.memory_space<vmem_shared>> -> memref<160x64xf32, #tpu.memory_space<vmem_shared>>
      tpu.wait_dma2 semaphore(%run_scoped3A_261 : memref<!tpu.dma_semaphore, #tpu.memory_space<semaphore_mem>>) src(%dma_wait3A_269 : memref<160x64xf32, #tpu.memory_space<vmem_shared>>) dst(%arg11 : memref<160x64xf32, #tpu.memory_space<vmem>>)
      tpu.yield
    }) : () -> ()
    "tpu.region"() ({
      %run_scoped3A_261 = tpu.sem_alloc : memref<!tpu.dma_semaphore, #tpu.memory_space<semaphore_mem>>
      %dma_start3A_262 = arith.constant 0 : i32
      %dma_start3A_263 = tpu.memref_slice %arg4[%arg0, %add3A_240, %dma_start3A_262] : memref<2x10240x64xf32, #tpu.memory_space<hbm>> -> memref<1x160x64xf32, #tpu.memory_space<hbm>>
      %dma_start3A_264 = tpu.memref_squeeze %dma_start3A_263 : memref<1x160x64xf32, #tpu.memory_space<hbm>> -> memref<160x64xf32, #tpu.memory_space<hbm>>
      %dma_start3A_265 = arith.constant 0 : i32
      %dma_start3A_266 = tpu.memref_slice %arg4[%arg0, %add3A_240, %dma_start3A_265] : memref<2x10240x64xf32, #tpu.memory_space<hbm>> -> memref<1x160x64xf32, #tpu.memory_space<hbm>>
      %dma_start3A_267 = tpu.memref_squeeze %dma_start3A_266 : memref<1x160x64xf32, #tpu.memory_space<hbm>> -> memref<160x64xf32, #tpu.memory_space<hbm>>
      tpu.enqueue_dma source(%arg11 : memref<160x64xf32, #tpu.memory_space<vmem>>) target(%dma_start3A_267 : memref<160x64xf32, #tpu.memory_space<hbm>>) target_semaphore(%run_scoped3A_261 : memref<!tpu.dma_semaphore, #tpu.memory_space<semaphore_mem>>)
      %dma_wait3A_268 = arith.constant 0 : i32
      %dma_wait3A_269 = tpu.memref_slice %arg4[%arg0, %add3A_240, %dma_wait3A_268] : memref<2x10240x64xf32, #tpu.memory_space<hbm>> -> memref<1x160x64xf32, #tpu.memory_space<hbm>>
      %dma_wait3A_270 = tpu.memref_squeeze %dma_wait3A_269 : memref<1x160x64xf32, #tpu.memory_space<hbm>> -> memref<160x64xf32, #tpu.memory_space<hbm>>
      %dma_wait3A_271 = arith.constant 0 : i32
      %dma_wait3A_272 = tpu.memref_slice %arg4[%arg0, %add3A_240, %dma_wait3A_271] : memref<2x10240x64xf32, #tpu.memory_space<hbm>> -> memref<1x160x64xf32, #tpu.memory_space<hbm>>
      %dma_wait3A_273 = tpu.memref_squeeze %dma_wait3A_272 : memref<1x160x64xf32, #tpu.memory_space<hbm>> -> memref<160x64xf32, #tpu.memory_space<hbm>>
      tpu.wait_dma2 semaphore(%run_scoped3A_261 : memref<!tpu.dma_semaphore, #tpu.memory_space<semaphore_mem>>) src(%arg11 : memref<160x64xf32, #tpu.memory_space<vmem>>) dst(%dma_wait3A_273 : memref<160x64xf32, #tpu.memory_space<hbm>>)
      tpu.yield
    }) : () -> ()
    %mul3A_241 = arith.constant 640 : i32
    %mul3A_242 = arith.muli %arg1, %mul3A_241 : i32
    %add3A_243 = arith.constant 480 : i32
    %add3A_244 = arith.addi %mul3A_242, %add3A_243 : i32
    "tpu.region"() ({
      %run_scoped3A_261 = tpu.sem_alloc : memref<!tpu.dma_semaphore, #tpu.memory_space<semaphore_mem>>
      %dma_start3A_262 = arith.constant 0 : i32
      %dma_start3A_263 = tpu.memref_slice %arg6[%add3A_244, %dma_start3A_262] : memref<10240x64xf32, #tpu.memory_space<vmem_shared>> -> memref<160x64xf32, #tpu.memory_space<vmem_shared>>
      %dma_start3A_264 = arith.constant 0 : i32
      %dma_start3A_265 = tpu.memref_slice %arg6[%add3A_244, %dma_start3A_264] : memref<10240x64xf32, #tpu.memory_space<vmem_shared>> -> memref<160x64xf32, #tpu.memory_space<vmem_shared>>
      tpu.enqueue_dma source(%dma_start3A_265 : memref<160x64xf32, #tpu.memory_space<vmem_shared>>) target(%arg11 : memref<160x64xf32, #tpu.memory_space<vmem>>) target_semaphore(%run_scoped3A_261 : memref<!tpu.dma_semaphore, #tpu.memory_space<semaphore_mem>>)
      %dma_wait3A_266 = arith.constant 0 : i32
      %dma_wait3A_267 = tpu.memref_slice %arg6[%add3A_244, %dma_wait3A_266] : memref<10240x64xf32, #tpu.memory_space<vmem_shared>> -> memref<160x64xf32, #tpu.memory_space<vmem_shared>>
      %dma_wait3A_268 = arith.constant 0 : i32
      %dma_wait3A_269 = tpu.memref_slice %arg6[%add3A_244, %dma_wait3A_268] : memref<10240x64xf32, #tpu.memory_space<vmem_shared>> -> memref<160x64xf32, #tpu.memory_space<vmem_shared>>
      tpu.wait_dma2 semaphore(%run_scoped3A_261 : memref<!tpu.dma_semaphore, #tpu.memory_space<semaphore_mem>>) src(%dma_wait3A_269 : memref<160x64xf32, #tpu.memory_space<vmem_shared>>) dst(%arg11 : memref<160x64xf32, #tpu.memory_space<vmem>>)
      tpu.yield
    }) : () -> ()
    "tpu.region"() ({
      %run_scoped3A_261 = tpu.sem_alloc : memref<!tpu.dma_semaphore, #tpu.memory_space<semaphore_mem>>
      %dma_start3A_262 = arith.constant 0 : i32
      %dma_start3A_263 = tpu.memref_slice %arg4[%arg0, %add3A_244, %dma_start3A_262] : memref<2x10240x64xf32, #tpu.memory_space<hbm>> -> memref<1x160x64xf32, #tpu.memory_space<hbm>>
      %dma_start3A_264 = tpu.memref_squeeze %dma_start3A_263 : memref<1x160x64xf32, #tpu.memory_space<hbm>> -> memref<160x64xf32, #tpu.memory_space<hbm>>
      %dma_start3A_265 = arith.constant 0 : i32
      %dma_start3A_266 = tpu.memref_slice %arg4[%arg0, %add3A_244, %dma_start3A_265] : memref<2x10240x64xf32, #tpu.memory_space<hbm>> -> memref<1x160x64xf32, #tpu.memory_space<hbm>>
      %dma_start3A_267 = tpu.memref_squeeze %dma_start3A_266 : memref<1x160x64xf32, #tpu.memory_space<hbm>> -> memref<160x64xf32, #tpu.memory_space<hbm>>
      tpu.enqueue_dma source(%arg11 : memref<160x64xf32, #tpu.memory_space<vmem>>) target(%dma_start3A_267 : memref<160x64xf32, #tpu.memory_space<hbm>>) target_semaphore(%run_scoped3A_261 : memref<!tpu.dma_semaphore, #tpu.memory_space<semaphore_mem>>)
      %dma_wait3A_268 = arith.constant 0 : i32
      %dma_wait3A_269 = tpu.memref_slice %arg4[%arg0, %add3A_244, %dma_wait3A_268] : memref<2x10240x64xf32, #tpu.memory_space<hbm>> -> memref<1x160x64xf32, #tpu.memory_space<hbm>>
      %dma_wait3A_270 = tpu.memref_squeeze %dma_wait3A_269 : memref<1x160x64xf32, #tpu.memory_space<hbm>> -> memref<160x64xf32, #tpu.memory_space<hbm>>
      %dma_wait3A_271 = arith.constant 0 : i32
      %dma_wait3A_272 = tpu.memref_slice %arg4[%arg0, %add3A_244, %dma_wait3A_271] : memref<2x10240x64xf32, #tpu.memory_space<hbm>> -> memref<1x160x64xf32, #tpu.memory_space<hbm>>
      %dma_wait3A_273 = tpu.memref_squeeze %dma_wait3A_272 : memref<1x160x64xf32, #tpu.memory_space<hbm>> -> memref<160x64xf32, #tpu.memory_space<hbm>>
      tpu.wait_dma2 semaphore(%run_scoped3A_261 : memref<!tpu.dma_semaphore, #tpu.memory_space<semaphore_mem>>) src(%arg11 : memref<160x64xf32, #tpu.memory_space<vmem>>) dst(%dma_wait3A_273 : memref<160x64xf32, #tpu.memory_space<hbm>>)
      tpu.yield
    }) : () -> ()
    %mul3A_245 = arith.constant 640 : i32
    %mul3A_246 = arith.muli %arg1, %mul3A_245 : i32
    %add3A_247 = arith.constant 0 : i32
    %add3A_248 = arith.addi %mul3A_246, %add3A_247 : i32
    "tpu.region"() ({
      %run_scoped3A_261 = tpu.sem_alloc : memref<!tpu.dma_semaphore, #tpu.memory_space<semaphore_mem>>
      %dma_start3A_262 = arith.constant 0 : i32
      %dma_start3A_263 = tpu.memref_slice %arg7[%add3A_248, %dma_start3A_262] : memref<10240x16xf32, #tpu.memory_space<vmem_shared>> -> memref<160x16xf32, #tpu.memory_space<vmem_shared>>
      %dma_start3A_264 = arith.constant 0 : i32
      %dma_start3A_265 = tpu.memref_slice %arg7[%add3A_248, %dma_start3A_264] : memref<10240x16xf32, #tpu.memory_space<vmem_shared>> -> memref<160x16xf32, #tpu.memory_space<vmem_shared>>
      tpu.enqueue_dma source(%dma_start3A_265 : memref<160x16xf32, #tpu.memory_space<vmem_shared>>) target(%arg13 : memref<160x16xf32, #tpu.memory_space<vmem>>) target_semaphore(%run_scoped3A_261 : memref<!tpu.dma_semaphore, #tpu.memory_space<semaphore_mem>>)
      %dma_wait3A_266 = arith.constant 0 : i32
      %dma_wait3A_267 = tpu.memref_slice %arg7[%add3A_248, %dma_wait3A_266] : memref<10240x16xf32, #tpu.memory_space<vmem_shared>> -> memref<160x16xf32, #tpu.memory_space<vmem_shared>>
      %dma_wait3A_268 = arith.constant 0 : i32
      %dma_wait3A_269 = tpu.memref_slice %arg7[%add3A_248, %dma_wait3A_268] : memref<10240x16xf32, #tpu.memory_space<vmem_shared>> -> memref<160x16xf32, #tpu.memory_space<vmem_shared>>
      tpu.wait_dma2 semaphore(%run_scoped3A_261 : memref<!tpu.dma_semaphore, #tpu.memory_space<semaphore_mem>>) src(%dma_wait3A_269 : memref<160x16xf32, #tpu.memory_space<vmem_shared>>) dst(%arg13 : memref<160x16xf32, #tpu.memory_space<vmem>>)
      tpu.yield
    }) : () -> ()
    "tpu.region"() ({
      %run_scoped3A_261 = tpu.sem_alloc : memref<!tpu.dma_semaphore, #tpu.memory_space<semaphore_mem>>
      %dma_start3A_262 = arith.constant 0 : i32
      %dma_start3A_263 = tpu.memref_slice %arg5[%arg0, %add3A_248, %dma_start3A_262] : memref<2x10240x16xf32, #tpu.memory_space<hbm>> -> memref<1x160x16xf32, #tpu.memory_space<hbm>>
      %dma_start3A_264 = tpu.memref_squeeze %dma_start3A_263 : memref<1x160x16xf32, #tpu.memory_space<hbm>> -> memref<160x16xf32, #tpu.memory_space<hbm>>
      %dma_start3A_265 = arith.constant 0 : i32
      %dma_start3A_266 = tpu.memref_slice %arg5[%arg0, %add3A_248, %dma_start3A_265] : memref<2x10240x16xf32, #tpu.memory_space<hbm>> -> memref<1x160x16xf32, #tpu.memory_space<hbm>>
      %dma_start3A_267 = tpu.memref_squeeze %dma_start3A_266 : memref<1x160x16xf32, #tpu.memory_space<hbm>> -> memref<160x16xf32, #tpu.memory_space<hbm>>
      tpu.enqueue_dma source(%arg13 : memref<160x16xf32, #tpu.memory_space<vmem>>) target(%dma_start3A_267 : memref<160x16xf32, #tpu.memory_space<hbm>>) target_semaphore(%run_scoped3A_261 : memref<!tpu.dma_semaphore, #tpu.memory_space<semaphore_mem>>)
      %dma_wait3A_268 = arith.constant 0 : i32
      %dma_wait3A_269 = tpu.memref_slice %arg5[%arg0, %add3A_248, %dma_wait3A_268] : memref<2x10240x16xf32, #tpu.memory_space<hbm>> -> memref<1x160x16xf32, #tpu.memory_space<hbm>>
      %dma_wait3A_270 = tpu.memref_squeeze %dma_wait3A_269 : memref<1x160x16xf32, #tpu.memory_space<hbm>> -> memref<160x16xf32, #tpu.memory_space<hbm>>
      %dma_wait3A_271 = arith.constant 0 : i32
      %dma_wait3A_272 = tpu.memref_slice %arg5[%arg0, %add3A_248, %dma_wait3A_271] : memref<2x10240x16xf32, #tpu.memory_space<hbm>> -> memref<1x160x16xf32, #tpu.memory_space<hbm>>
      %dma_wait3A_273 = tpu.memref_squeeze %dma_wait3A_272 : memref<1x160x16xf32, #tpu.memory_space<hbm>> -> memref<160x16xf32, #tpu.memory_space<hbm>>
      tpu.wait_dma2 semaphore(%run_scoped3A_261 : memref<!tpu.dma_semaphore, #tpu.memory_space<semaphore_mem>>) src(%arg13 : memref<160x16xf32, #tpu.memory_space<vmem>>) dst(%dma_wait3A_273 : memref<160x16xf32, #tpu.memory_space<hbm>>)
      tpu.yield
    }) : () -> ()
    %mul3A_249 = arith.constant 640 : i32
    %mul3A_250 = arith.muli %arg1, %mul3A_249 : i32
    %add3A_251 = arith.constant 160 : i32
    %add3A_252 = arith.addi %mul3A_250, %add3A_251 : i32
    "tpu.region"() ({
      %run_scoped3A_261 = tpu.sem_alloc : memref<!tpu.dma_semaphore, #tpu.memory_space<semaphore_mem>>
      %dma_start3A_262 = arith.constant 0 : i32
      %dma_start3A_263 = tpu.memref_slice %arg7[%add3A_252, %dma_start3A_262] : memref<10240x16xf32, #tpu.memory_space<vmem_shared>> -> memref<160x16xf32, #tpu.memory_space<vmem_shared>>
      %dma_start3A_264 = arith.constant 0 : i32
      %dma_start3A_265 = tpu.memref_slice %arg7[%add3A_252, %dma_start3A_264] : memref<10240x16xf32, #tpu.memory_space<vmem_shared>> -> memref<160x16xf32, #tpu.memory_space<vmem_shared>>
      tpu.enqueue_dma source(%dma_start3A_265 : memref<160x16xf32, #tpu.memory_space<vmem_shared>>) target(%arg13 : memref<160x16xf32, #tpu.memory_space<vmem>>) target_semaphore(%run_scoped3A_261 : memref<!tpu.dma_semaphore, #tpu.memory_space<semaphore_mem>>)
      %dma_wait3A_266 = arith.constant 0 : i32
      %dma_wait3A_267 = tpu.memref_slice %arg7[%add3A_252, %dma_wait3A_266] : memref<10240x16xf32, #tpu.memory_space<vmem_shared>> -> memref<160x16xf32, #tpu.memory_space<vmem_shared>>
      %dma_wait3A_268 = arith.constant 0 : i32
      %dma_wait3A_269 = tpu.memref_slice %arg7[%add3A_252, %dma_wait3A_268] : memref<10240x16xf32, #tpu.memory_space<vmem_shared>> -> memref<160x16xf32, #tpu.memory_space<vmem_shared>>
      tpu.wait_dma2 semaphore(%run_scoped3A_261 : memref<!tpu.dma_semaphore, #tpu.memory_space<semaphore_mem>>) src(%dma_wait3A_269 : memref<160x16xf32, #tpu.memory_space<vmem_shared>>) dst(%arg13 : memref<160x16xf32, #tpu.memory_space<vmem>>)
      tpu.yield
    }) : () -> ()
    "tpu.region"() ({
      %run_scoped3A_261 = tpu.sem_alloc : memref<!tpu.dma_semaphore, #tpu.memory_space<semaphore_mem>>
      %dma_start3A_262 = arith.constant 0 : i32
      %dma_start3A_263 = tpu.memref_slice %arg5[%arg0, %add3A_252, %dma_start3A_262] : memref<2x10240x16xf32, #tpu.memory_space<hbm>> -> memref<1x160x16xf32, #tpu.memory_space<hbm>>
      %dma_start3A_264 = tpu.memref_squeeze %dma_start3A_263 : memref<1x160x16xf32, #tpu.memory_space<hbm>> -> memref<160x16xf32, #tpu.memory_space<hbm>>
      %dma_start3A_265 = arith.constant 0 : i32
      %dma_start3A_266 = tpu.memref_slice %arg5[%arg0, %add3A_252, %dma_start3A_265] : memref<2x10240x16xf32, #tpu.memory_space<hbm>> -> memref<1x160x16xf32, #tpu.memory_space<hbm>>
      %dma_start3A_267 = tpu.memref_squeeze %dma_start3A_266 : memref<1x160x16xf32, #tpu.memory_space<hbm>> -> memref<160x16xf32, #tpu.memory_space<hbm>>
      tpu.enqueue_dma source(%arg13 : memref<160x16xf32, #tpu.memory_space<vmem>>) target(%dma_start3A_267 : memref<160x16xf32, #tpu.memory_space<hbm>>) target_semaphore(%run_scoped3A_261 : memref<!tpu.dma_semaphore, #tpu.memory_space<semaphore_mem>>)
      %dma_wait3A_268 = arith.constant 0 : i32
      %dma_wait3A_269 = tpu.memref_slice %arg5[%arg0, %add3A_252, %dma_wait3A_268] : memref<2x10240x16xf32, #tpu.memory_space<hbm>> -> memref<1x160x16xf32, #tpu.memory_space<hbm>>
      %dma_wait3A_270 = tpu.memref_squeeze %dma_wait3A_269 : memref<1x160x16xf32, #tpu.memory_space<hbm>> -> memref<160x16xf32, #tpu.memory_space<hbm>>
      %dma_wait3A_271 = arith.constant 0 : i32
      %dma_wait3A_272 = tpu.memref_slice %arg5[%arg0, %add3A_252, %dma_wait3A_271] : memref<2x10240x16xf32, #tpu.memory_space<hbm>> -> memref<1x160x16xf32, #tpu.memory_space<hbm>>
      %dma_wait3A_273 = tpu.memref_squeeze %dma_wait3A_272 : memref<1x160x16xf32, #tpu.memory_space<hbm>> -> memref<160x16xf32, #tpu.memory_space<hbm>>
      tpu.wait_dma2 semaphore(%run_scoped3A_261 : memref<!tpu.dma_semaphore, #tpu.memory_space<semaphore_mem>>) src(%arg13 : memref<160x16xf32, #tpu.memory_space<vmem>>) dst(%dma_wait3A_273 : memref<160x16xf32, #tpu.memory_space<hbm>>)
      tpu.yield
    }) : () -> ()
    %mul3A_253 = arith.constant 640 : i32
    %mul3A_254 = arith.muli %arg1, %mul3A_253 : i32
    %add3A_255 = arith.constant 320 : i32
    %add3A_256 = arith.addi %mul3A_254, %add3A_255 : i32
    "tpu.region"() ({
      %run_scoped3A_261 = tpu.sem_alloc : memref<!tpu.dma_semaphore, #tpu.memory_space<semaphore_mem>>
      %dma_start3A_262 = arith.constant 0 : i32
      %dma_start3A_263 = tpu.memref_slice %arg7[%add3A_256, %dma_start3A_262] : memref<10240x16xf32, #tpu.memory_space<vmem_shared>> -> memref<160x16xf32, #tpu.memory_space<vmem_shared>>
      %dma_start3A_264 = arith.constant 0 : i32
      %dma_start3A_265 = tpu.memref_slice %arg7[%add3A_256, %dma_start3A_264] : memref<10240x16xf32, #tpu.memory_space<vmem_shared>> -> memref<160x16xf32, #tpu.memory_space<vmem_shared>>
      tpu.enqueue_dma source(%dma_start3A_265 : memref<160x16xf32, #tpu.memory_space<vmem_shared>>) target(%arg13 : memref<160x16xf32, #tpu.memory_space<vmem>>) target_semaphore(%run_scoped3A_261 : memref<!tpu.dma_semaphore, #tpu.memory_space<semaphore_mem>>)
      %dma_wait3A_266 = arith.constant 0 : i32
      %dma_wait3A_267 = tpu.memref_slice %arg7[%add3A_256, %dma_wait3A_266] : memref<10240x16xf32, #tpu.memory_space<vmem_shared>> -> memref<160x16xf32, #tpu.memory_space<vmem_shared>>
      %dma_wait3A_268 = arith.constant 0 : i32
      %dma_wait3A_269 = tpu.memref_slice %arg7[%add3A_256, %dma_wait3A_268] : memref<10240x16xf32, #tpu.memory_space<vmem_shared>> -> memref<160x16xf32, #tpu.memory_space<vmem_shared>>
      tpu.wait_dma2 semaphore(%run_scoped3A_261 : memref<!tpu.dma_semaphore, #tpu.memory_space<semaphore_mem>>) src(%dma_wait3A_269 : memref<160x16xf32, #tpu.memory_space<vmem_shared>>) dst(%arg13 : memref<160x16xf32, #tpu.memory_space<vmem>>)
      tpu.yield
    }) : () -> ()
    "tpu.region"() ({
      %run_scoped3A_261 = tpu.sem_alloc : memref<!tpu.dma_semaphore, #tpu.memory_space<semaphore_mem>>
      %dma_start3A_262 = arith.constant 0 : i32
      %dma_start3A_263 = tpu.memref_slice %arg5[%arg0, %add3A_256, %dma_start3A_262] : memref<2x10240x16xf32, #tpu.memory_space<hbm>> -> memref<1x160x16xf32, #tpu.memory_space<hbm>>
      %dma_start3A_264 = tpu.memref_squeeze %dma_start3A_263 : memref<1x160x16xf32, #tpu.memory_space<hbm>> -> memref<160x16xf32, #tpu.memory_space<hbm>>
      %dma_start3A_265 = arith.constant 0 : i32
      %dma_start3A_266 = tpu.memref_slice %arg5[%arg0, %add3A_256, %dma_start3A_265] : memref<2x10240x16xf32, #tpu.memory_space<hbm>> -> memref<1x160x16xf32, #tpu.memory_space<hbm>>
      %dma_start3A_267 = tpu.memref_squeeze %dma_start3A_266 : memref<1x160x16xf32, #tpu.memory_space<hbm>> -> memref<160x16xf32, #tpu.memory_space<hbm>>
      tpu.enqueue_dma source(%arg13 : memref<160x16xf32, #tpu.memory_space<vmem>>) target(%dma_start3A_267 : memref<160x16xf32, #tpu.memory_space<hbm>>) target_semaphore(%run_scoped3A_261 : memref<!tpu.dma_semaphore, #tpu.memory_space<semaphore_mem>>)
      %dma_wait3A_268 = arith.constant 0 : i32
      %dma_wait3A_269 = tpu.memref_slice %arg5[%arg0, %add3A_256, %dma_wait3A_268] : memref<2x10240x16xf32, #tpu.memory_space<hbm>> -> memref<1x160x16xf32, #tpu.memory_space<hbm>>
      %dma_wait3A_270 = tpu.memref_squeeze %dma_wait3A_269 : memref<1x160x16xf32, #tpu.memory_space<hbm>> -> memref<160x16xf32, #tpu.memory_space<hbm>>
      %dma_wait3A_271 = arith.constant 0 : i32
      %dma_wait3A_272 = tpu.memref_slice %arg5[%arg0, %add3A_256, %dma_wait3A_271] : memref<2x10240x16xf32, #tpu.memory_space<hbm>> -> memref<1x160x16xf32, #tpu.memory_space<hbm>>
      %dma_wait3A_273 = tpu.memref_squeeze %dma_wait3A_272 : memref<1x160x16xf32, #tpu.memory_space<hbm>> -> memref<160x16xf32, #tpu.memory_space<hbm>>
      tpu.wait_dma2 semaphore(%run_scoped3A_261 : memref<!tpu.dma_semaphore, #tpu.memory_space<semaphore_mem>>) src(%arg13 : memref<160x16xf32, #tpu.memory_space<vmem>>) dst(%dma_wait3A_273 : memref<160x16xf32, #tpu.memory_space<hbm>>)
      tpu.yield
    }) : () -> ()
    %mul3A_257 = arith.constant 640 : i32
    %mul3A_258 = arith.muli %arg1, %mul3A_257 : i32
    %add3A_259 = arith.constant 480 : i32
    %add3A_260 = arith.addi %mul3A_258, %add3A_259 : i32
    "tpu.region"() ({
      %run_scoped3A_261 = tpu.sem_alloc : memref<!tpu.dma_semaphore, #tpu.memory_space<semaphore_mem>>
      %dma_start3A_262 = arith.constant 0 : i32
      %dma_start3A_263 = tpu.memref_slice %arg7[%add3A_260, %dma_start3A_262] : memref<10240x16xf32, #tpu.memory_space<vmem_shared>> -> memref<160x16xf32, #tpu.memory_space<vmem_shared>>
      %dma_start3A_264 = arith.constant 0 : i32
      %dma_start3A_265 = tpu.memref_slice %arg7[%add3A_260, %dma_start3A_264] : memref<10240x16xf32, #tpu.memory_space<vmem_shared>> -> memref<160x16xf32, #tpu.memory_space<vmem_shared>>
      tpu.enqueue_dma source(%dma_start3A_265 : memref<160x16xf32, #tpu.memory_space<vmem_shared>>) target(%arg13 : memref<160x16xf32, #tpu.memory_space<vmem>>) target_semaphore(%run_scoped3A_261 : memref<!tpu.dma_semaphore, #tpu.memory_space<semaphore_mem>>)
      %dma_wait3A_266 = arith.constant 0 : i32
      %dma_wait3A_267 = tpu.memref_slice %arg7[%add3A_260, %dma_wait3A_266] : memref<10240x16xf32, #tpu.memory_space<vmem_shared>> -> memref<160x16xf32, #tpu.memory_space<vmem_shared>>
      %dma_wait3A_268 = arith.constant 0 : i32
      %dma_wait3A_269 = tpu.memref_slice %arg7[%add3A_260, %dma_wait3A_268] : memref<10240x16xf32, #tpu.memory_space<vmem_shared>> -> memref<160x16xf32, #tpu.memory_space<vmem_shared>>
      tpu.wait_dma2 semaphore(%run_scoped3A_261 : memref<!tpu.dma_semaphore, #tpu.memory_space<semaphore_mem>>) src(%dma_wait3A_269 : memref<160x16xf32, #tpu.memory_space<vmem_shared>>) dst(%arg13 : memref<160x16xf32, #tpu.memory_space<vmem>>)
      tpu.yield
    }) : () -> ()
    "tpu.region"() ({
      %run_scoped3A_261 = tpu.sem_alloc : memref<!tpu.dma_semaphore, #tpu.memory_space<semaphore_mem>>
      %dma_start3A_262 = arith.constant 0 : i32
      %dma_start3A_263 = tpu.memref_slice %arg5[%arg0, %add3A_260, %dma_start3A_262] : memref<2x10240x16xf32, #tpu.memory_space<hbm>> -> memref<1x160x16xf32, #tpu.memory_space<hbm>>
      %dma_start3A_264 = tpu.memref_squeeze %dma_start3A_263 : memref<1x160x16xf32, #tpu.memory_space<hbm>> -> memref<160x16xf32, #tpu.memory_space<hbm>>
      %dma_start3A_265 = arith.constant 0 : i32
      %dma_start3A_266 = tpu.memref_slice %arg5[%arg0, %add3A_260, %dma_start3A_265] : memref<2x10240x16xf32, #tpu.memory_space<hbm>> -> memref<1x160x16xf32, #tpu.memory_space<hbm>>
      %dma_start3A_267 = tpu.memref_squeeze %dma_start3A_266 : memref<1x160x16xf32, #tpu.memory_space<hbm>> -> memref<160x16xf32, #tpu.memory_space<hbm>>
      tpu.enqueue_dma source(%arg13 : memref<160x16xf32, #tpu.memory_space<vmem>>) target(%dma_start3A_267 : memref<160x16xf32, #tpu.memory_space<hbm>>) target_semaphore(%run_scoped3A_261 : memref<!tpu.dma_semaphore, #tpu.memory_space<semaphore_mem>>)
      %dma_wait3A_268 = arith.constant 0 : i32
      %dma_wait3A_269 = tpu.memref_slice %arg5[%arg0, %add3A_260, %dma_wait3A_268] : memref<2x10240x16xf32, #tpu.memory_space<hbm>> -> memref<1x160x16xf32, #tpu.memory_space<hbm>>
      %dma_wait3A_270 = tpu.memref_squeeze %dma_wait3A_269 : memref<1x160x16xf32, #tpu.memory_space<hbm>> -> memref<160x16xf32, #tpu.memory_space<hbm>>
      %dma_wait3A_271 = arith.constant 0 : i32
      %dma_wait3A_272 = tpu.memref_slice %arg5[%arg0, %add3A_260, %dma_wait3A_271] : memref<2x10240x16xf32, #tpu.memory_space<hbm>> -> memref<1x160x16xf32, #tpu.memory_space<hbm>>
      %dma_wait3A_273 = tpu.memref_squeeze %dma_wait3A_272 : memref<1x160x16xf32, #tpu.memory_space<hbm>> -> memref<160x16xf32, #tpu.memory_space<hbm>>
      tpu.wait_dma2 semaphore(%run_scoped3A_261 : memref<!tpu.dma_semaphore, #tpu.memory_space<semaphore_mem>>) src(%arg13 : memref<160x16xf32, #tpu.memory_space<vmem>>) dst(%dma_wait3A_273 : memref<160x16xf32, #tpu.memory_space<hbm>>)
      tpu.yield
    }) : () -> ()
    return
  }
}

module attributes {stable_mosaic.version = 14 : i64} {
  func.func @_dense_in_body(%arg0: memref<10000x128xf32, #tpu.memory_space<vmem>>, %arg1: memref<64x128xf32, #tpu.memory_space<vmem>>, %arg2: memref<64x128xf32, #tpu.memory_space<vmem>>, %arg3: memref<1x64xf32, #tpu.memory_space<vmem>>, %arg4: memref<10000x64xf32, #tpu.memory_space<vmem>>, %arg5: memref<10000x64xf32, #tpu.memory_space<vmem>>) attributes {dimension_semantics = [], scalar_prefetch = 0 : i64, scratch_operands = 0 : i64, tpu.core_type = #tpu.core_type<tc>} {
    %get3A = arith.constant 0 : index
    %get3A_0 = arith.constant 0 : index
    %get3A_1 = vector.load %arg0[%get3A, %get3A_0] : memref<10000x128xf32, #tpu.memory_space<vmem>>, vector<10000x128xf32>
    %get3A_2 = arith.constant 0 : index
    %get3A_3 = arith.constant 0 : index
    %get3A_4 = vector.load %arg1[%get3A_2, %get3A_3] : memref<64x128xf32, #tpu.memory_space<vmem>>, vector<64x128xf32>
    %dot_general3A = arith.constant dense<0.000000e+00> : vector<10000x64xf32>
    %dot_general3A_5 = tpu.matmul %get3A_1, %get3A_4, %dot_general3A {dimension_numbers = #tpu.dot_dimension_numbers<[1], [1], [0], [0], [0, 0, 1, 0], [], []>, transpose_lhs_hint = false} : vector<10000x128xf32>, vector<64x128xf32>, vector<10000x64xf32> -> vector<10000x64xf32>
    %swap3A = arith.constant 0 : index
    %swap3A_6 = arith.constant 0 : index
    %swap3A_7 = vector.load %arg4[%swap3A, %swap3A_6] : memref<10000x64xf32, #tpu.memory_space<vmem>>, vector<10000x64xf32>
    tpu.vector_store %arg4[%swap3A, %swap3A_6], %dot_general3A_5 {strides = array<i32>} : memref<10000x64xf32, #tpu.memory_space<vmem>>, vector<10000x64xf32>,
    %get3A_8 = arith.constant 0 : index
    %get3A_9 = arith.constant 0 : index
    %get3A_10 = vector.load %arg2[%get3A_8, %get3A_9] : memref<64x128xf32, #tpu.memory_space<vmem>>, vector<64x128xf32>
    %dot_general3A_11 = arith.constant dense<0.000000e+00> : vector<10000x64xf32>
    %dot_general3A_12 = tpu.matmul %get3A_1, %get3A_10, %dot_general3A_11 {dimension_numbers = #tpu.dot_dimension_numbers<[1], [1], [0], [0], [0, 0, 1, 0], [], []>, transpose_lhs_hint = false} : vector<10000x128xf32>, vector<64x128xf32>, vector<10000x64xf32> -> vector<10000x64xf32>
    %get3A_13 = arith.constant 0 : index
    %get3A_14 = arith.constant 0 : index
    %get3A_15 = vector.load %arg3[%get3A_13, %get3A_14] : memref<1x64xf32, #tpu.memory_space<vmem>>, vector<1x64xf32>
    %add3A = vector.broadcast %get3A_15 : vector<1x64xf32> to vector<10000x64xf32>
    %add3A_16 = arith.addf %dot_general3A_12, %add3A : vector<10000x64xf32>
    %swap3A_17 = arith.constant 0 : index
    %swap3A_18 = arith.constant 0 : index
    %swap3A_19 = vector.load %arg5[%swap3A_17, %swap3A_18] : memref<10000x64xf32, #tpu.memory_space<vmem>>, vector<10000x64xf32>
    tpu.vector_store %arg5[%swap3A_17, %swap3A_18], %add3A_16 {strides = array<i32>} : memref<10000x64xf32, #tpu.memory_space<vmem>>, vector<10000x64xf32>,
    return
  }
}

module attributes {stable_mosaic.version = 14 : i64} {
  func.func @_mid_body(%arg0: memref<2x10240x64xf32, #tpu.memory_space<vmem>>, %arg1: memref<2x10240x16xf32, #tpu.memory_space<vmem>>, %arg2: memref<10000x64xf32, #tpu.memory_space<vmem>>, %arg3: memref<64x64xf32, #tpu.memory_space<vmem>>, %arg4: memref<64x64xf32, #tpu.memory_space<vmem>>, %arg5: memref<1x64xf32, #tpu.memory_space<vmem>>, %arg6: memref<10000x64xf32, #tpu.memory_space<vmem>>, %arg7: memref<10000x64xf32, #tpu.memory_space<vmem>>) attributes {dimension_semantics = [], scalar_prefetch = 0 : i64, scratch_operands = 0 : i64, tpu.core_type = #tpu.core_type<tc>} {
    %get3A = arith.constant 0 : index
    %get3A_0 = arith.constant 0 : index
    %get3A_1 = arith.constant 0 : index
    %get3A_2 = vector.load %arg0[%get3A, %get3A_0, %get3A_1] : memref<2x10240x64xf32, #tpu.memory_space<vmem>>, vector<1x10000x64xf32>
    %get3A_3 = vector.shape_cast %get3A_2 : vector<1x10000x64xf32> to vector<10000x64xf32>
    %get3A_4 = arith.constant 1 : index
    %get3A_5 = arith.constant 0 : index
    %get3A_6 = arith.constant 0 : index
    %get3A_7 = vector.load %arg0[%get3A_4, %get3A_5, %get3A_6] : memref<2x10240x64xf32, #tpu.memory_space<vmem>>, vector<1x10000x64xf32>
    %get3A_8 = vector.shape_cast %get3A_7 : vector<1x10000x64xf32> to vector<10000x64xf32>
    %add3A = arith.addf %get3A_3, %get3A_8 : vector<10000x64xf32>
    %get3A_9 = arith.constant 0 : index
    %get3A_10 = arith.constant 0 : index
    %get3A_11 = arith.constant 0 : index
    %get3A_12 = vector.load %arg1[%get3A_9, %get3A_10, %get3A_11] : memref<2x10240x16xf32, #tpu.memory_space<vmem>>, vector<1x10000x1xf32>
    %get3A_13 = vector.shape_cast %get3A_12 : vector<1x10000x1xf32> to vector<10000x1xf32>
    %get3A_14 = arith.constant 1 : index
    %get3A_15 = arith.constant 0 : index
    %get3A_16 = arith.constant 0 : index
    %get3A_17 = vector.load %arg1[%get3A_14, %get3A_15, %get3A_16] : memref<2x10240x16xf32, #tpu.memory_space<vmem>>, vector<1x10000x1xf32>
    %get3A_18 = vector.shape_cast %get3A_17 : vector<1x10000x1xf32> to vector<10000x1xf32>
    %add3A_19 = arith.addf %get3A_13, %get3A_18 : vector<10000x1xf32>
    %max3A = arith.constant 1.000000e+00 : f32
    %max3A_20 = vector.broadcast %max3A : f32 to vector<10000x1xf32>
    %max3A_21 = arith.maximumf %add3A_19, %max3A_20 : vector<10000x1xf32>
    %div3A = vector.broadcast %max3A_21 : vector<10000x1xf32> to vector<10000x64xf32>
    %div3A_22 = arith.divf %add3A, %div3A : vector<10000x64xf32>
    %get3A_23 = arith.constant 0 : index
    %get3A_24 = arith.constant 0 : index
    %get3A_25 = vector.load %arg2[%get3A_23, %get3A_24] : memref<10000x64xf32, #tpu.memory_space<vmem>>, vector<10000x64xf32>
    %add3A_26 = arith.addf %div3A_22, %get3A_25 : vector<10000x64xf32>
    %max3A_27 = arith.constant 0.000000e+00 : f32
    %max3A_28 = vector.broadcast %max3A_27 : f32 to vector<10000x64xf32>
    %max3A_29 = arith.maximumf %add3A_26, %max3A_28 : vector<10000x64xf32>
    %get3A_30 = arith.constant 0 : index
    %get3A_31 = arith.constant 0 : index
    %get3A_32 = vector.load %arg3[%get3A_30, %get3A_31] : memref<64x64xf32, #tpu.memory_space<vmem>>, vector<64x64xf32>
    %dot_general3A = arith.constant dense<0.000000e+00> : vector<10000x64xf32>
    %dot_general3A_33 = tpu.matmul %max3A_29, %get3A_32, %dot_general3A {dimension_numbers = #tpu.dot_dimension_numbers<[1], [1], [0], [0], [0, 0, 1, 0], [], []>, transpose_lhs_hint = false} : vector<10000x64xf32>, vector<64x64xf32>, vector<10000x64xf32> -> vector<10000x64xf32>
    %swap3A = arith.constant 0 : index
    %swap3A_34 = arith.constant 0 : index
    %swap3A_35 = vector.load %arg6[%swap3A, %swap3A_34] : memref<10000x64xf32, #tpu.memory_space<vmem>>, vector<10000x64xf32>
    tpu.vector_store %arg6[%swap3A, %swap3A_34], %dot_general3A_33 {strides = array<i32>} : memref<10000x64xf32, #tpu.memory_space<vmem>>, vector<10000x64xf32>,
    %get3A_36 = arith.constant 0 : index
    %get3A_37 = arith.constant 0 : index
    %get3A_38 = vector.load %arg4[%get3A_36, %get3A_37] : memref<64x64xf32, #tpu.memory_space<vmem>>, vector<64x64xf32>
    %dot_general3A_39 = arith.constant dense<0.000000e+00> : vector<10000x64xf32>
    %dot_general3A_40 = tpu.matmul %max3A_29, %get3A_38, %dot_general3A_39 {dimension_numbers = #tpu.dot_dimension_numbers<[1], [1], [0], [0], [0, 0, 1, 0], [], []>, transpose_lhs_hint = false} : vector<10000x64xf32>, vector<64x64xf32>, vector<10000x64xf32> -> vector<10000x64xf32>
    %get3A_41 = arith.constant 0 : index
    %get3A_42 = arith.constant 0 : index
    %get3A_43 = vector.load %arg5[%get3A_41, %get3A_42] : memref<1x64xf32, #tpu.memory_space<vmem>>, vector<1x64xf32>
    %add3A_44 = vector.broadcast %get3A_43 : vector<1x64xf32> to vector<10000x64xf32>
    %add3A_45 = arith.addf %dot_general3A_40, %add3A_44 : vector<10000x64xf32>
    %swap3A_46 = arith.constant 0 : index
    %swap3A_47 = arith.constant 0 : index
    %swap3A_48 = vector.load %arg7[%swap3A_46, %swap3A_47] : memref<10000x64xf32, #tpu.memory_space<vmem>>, vector<10000x64xf32>
    tpu.vector_store %arg7[%swap3A_46, %swap3A_47], %add3A_45 {strides = array<i32>} : memref<10000x64xf32, #tpu.memory_space<vmem>>, vector<10000x64xf32>,
    return
  }
}

module attributes {stable_mosaic.version = 14 : i64} {
  func.func @_final_body(%arg0: memref<2x10240x64xf32, #tpu.memory_space<vmem>>, %arg1: memref<2x10240x16xf32, #tpu.memory_space<vmem>>, %arg2: memref<10000x64xf32, #tpu.memory_space<vmem>>, %arg3: memref<2x64xf32, #tpu.memory_space<vmem>>, %arg4: memref<1x2xf32, #tpu.memory_space<vmem>>, %arg5: memref<10000x2xf32, #tpu.memory_space<vmem>>) attributes {dimension_semantics = [], scalar_prefetch = 0 : i64, scratch_operands = 0 : i64, tpu.core_type = #tpu.core_type<tc>} {
    %get3A = arith.constant 0 : index
    %get3A_0 = arith.constant 0 : index
    %get3A_1 = arith.constant 0 : index
    %get3A_2 = vector.load %arg0[%get3A, %get3A_0, %get3A_1] : memref<2x10240x64xf32, #tpu.memory_space<vmem>>, vector<1x10000x64xf32>
    %get3A_3 = vector.shape_cast %get3A_2 : vector<1x10000x64xf32> to vector<10000x64xf32>
    %get3A_4 = arith.constant 1 : index
    %get3A_5 = arith.constant 0 : index
    %get3A_6 = arith.constant 0 : index
    %get3A_7 = vector.load %arg0[%get3A_4, %get3A_5, %get3A_6] : memref<2x10240x64xf32, #tpu.memory_space<vmem>>, vector<1x10000x64xf32>
    %get3A_8 = vector.shape_cast %get3A_7 : vector<1x10000x64xf32> to vector<10000x64xf32>
    %add3A = arith.addf %get3A_3, %get3A_8 : vector<10000x64xf32>
    %get3A_9 = arith.constant 0 : index
    %get3A_10 = arith.constant 0 : index
    %get3A_11 = arith.constant 0 : index
    %get3A_12 = vector.load %arg1[%get3A_9, %get3A_10, %get3A_11] : memref<2x10240x16xf32, #tpu.memory_space<vmem>>, vector<1x10000x1xf32>
    %get3A_13 = vector.shape_cast %get3A_12 : vector<1x10000x1xf32> to vector<10000x1xf32>
    %get3A_14 = arith.constant 1 : index
    %get3A_15 = arith.constant 0 : index
    %get3A_16 = arith.constant 0 : index
    %get3A_17 = vector.load %arg1[%get3A_14, %get3A_15, %get3A_16] : memref<2x10240x16xf32, #tpu.memory_space<vmem>>, vector<1x10000x1xf32>
    %get3A_18 = vector.shape_cast %get3A_17 : vector<1x10000x1xf32> to vector<10000x1xf32>
    %add3A_19 = arith.addf %get3A_13, %get3A_18 : vector<10000x1xf32>
    %max3A = arith.constant 1.000000e+00 : f32
    %max3A_20 = vector.broadcast %max3A : f32 to vector<10000x1xf32>
    %max3A_21 = arith.maximumf %add3A_19, %max3A_20 : vector<10000x1xf32>
    %div3A = vector.broadcast %max3A_21 : vector<10000x1xf32> to vector<10000x64xf32>
    %div3A_22 = arith.divf %add3A, %div3A : vector<10000x64xf32>
    %get3A_23 = arith.constant 0 : index
    %get3A_24 = arith.constant 0 : index
    %get3A_25 = vector.load %arg2[%get3A_23, %get3A_24] : memref<10000x64xf32, #tpu.memory_space<vmem>>, vector<10000x64xf32>
    %add3A_26 = arith.addf %div3A_22, %get3A_25 : vector<10000x64xf32>
    %max3A_27 = arith.constant 0.000000e+00 : f32
    %max3A_28 = vector.broadcast %max3A_27 : f32 to vector<10000x64xf32>
    %max3A_29 = arith.maximumf %add3A_26, %max3A_28 : vector<10000x64xf32>
    %get3A_30 = arith.constant 0 : index
    %get3A_31 = arith.constant 0 : index
    %get3A_32 = vector.load %arg3[%get3A_30, %get3A_31] : memref<2x64xf32, #tpu.memory_space<vmem>>, vector<2x64xf32>
    %dot_general3A = arith.constant dense<0.000000e+00> : vector<10000x2xf32>
    %dot_general3A_33 = tpu.matmul %max3A_29, %get3A_32, %dot_general3A {dimension_numbers = #tpu.dot_dimension_numbers<[1], [1], [0], [0], [0, 0, 1, 0], [], []>, transpose_lhs_hint = false} : vector<10000x64xf32>, vector<2x64xf32>, vector<10000x2xf32> -> vector<10000x2xf32>
    %get3A_34 = arith.constant 0 : index
    %get3A_35 = arith.constant 0 : index
    %get3A_36 = vector.load %arg4[%get3A_34, %get3A_35] : memref<1x2xf32, #tpu.memory_space<vmem>>, vector<1x2xf32>
    %add3A_37 = vector.broadcast %get3A_36 : vector<1x2xf32> to vector<10000x2xf32>
    %add3A_38 = arith.addf %dot_general3A_33, %add3A_37 : vector<10000x2xf32>
    %swap3A = arith.constant 0 : index
    %swap3A_39 = arith.constant 0 : index
    %swap3A_40 = vector.load %arg5[%swap3A, %swap3A_39] : memref<10000x2xf32, #tpu.memory_space<vmem>>, vector<10000x2xf32>
    tpu.vector_store %arg5[%swap3A, %swap3A_39], %add3A_38 {strides = array<i32>} : memref<10000x2xf32, #tpu.memory_space<vmem>>, vector<10000x2xf32>,
    return
  }
}

</mosaic_0001>

<sc_bundles>
// kernel: kernel.10.cloned.1.call-start
scs
__scs_entry_jumppad:
0x0: {  	(pc) =	sbr.rel $0x88, $3  }
0x1: {  	(tag) =	ssettag $0x0;
	lr =	simm.s32 $0x1  }
0x2: {  	[smem:$0x3F97] =	sst lr;
	_ =	strace $0xD0000000  }
0x3: {  	_ = 	snop  }
0x4: {  	_ = 	snop  }
0x5: {  	_ = 	snop  }
0x6: {  	_ = 	snop  }
0x7: {  	_ = 	snop  }
__scs_overlays_trampoline_lowered:
0x8: {  	[smem:$0x3FA6] =	sst s0  }
0x9: {  	[smem:$0x3FA7] =	sst s1  }
0xa: {  	[smem:$0x3FA8] =	sst s2  }
0xb: {  	[smem:$0x3FA9] =	sst s3  }
0xc: {  	[smem:$0x3FAA] =	sst s4  }
0xd: {  	[smem:$0x3FAB] =	sst s5  }
0xe: {  	[smem:$0x3FAC] =	sst s6  }
0xf: {  	[smem:$0x3FAD] =	sst s7  }
0x10: {  	[smem:$0x3FAE] =	sst s8  }
0x11: {  	[smem:$0x3FAF] =	sst s9;
	s0 =	simm.s32 @!p0 $0x0  }
0x12: {  	s1 =	sld [smem:$0x3F95];
	s0 =	simm.s32 @p0 $0x1  }
0x13: {  	[smem:$0x3FB0] =	sst s0;
	s0 =	simm.s32 @!p1 $0x0  }
0x14: {  	s2 =	sld [smem:$0x3F94];
	s0 =	simm.s32 @p1 $0x1  }
0x15: {  	[smem:$0x3FB1] =	sst s0;
	s0 =	simm.s32 @!p2 $0x0  }
0x16: {  	s3 =	sld [smem:$0x3FDB];
	s0 =	simm.s32 @p2 $0x1  }
0x17: {  	s4 =	simm.s32 $0x1BF5;
	[smem:$0x3FB3] =	sst s0  }
0x18: {  	s0 =	sld [smem:$0x3F96];
	_ =	swait.ge [sflag:s4], $0x0  }
0x19: {  	s7 =	sld [smem:$0x3F97]  }
0x1a: {  	s8 =	sadd.s32 $0xFFFFE003, lr  }
0x1b: {  	s9 =	sadd.s32 $0xFFFFFEF7, lr;
	s5 =	simm.s32 $0xFFFFFFFF;
	p2 =	slt.u32 s8, $0xFFFFF086  }
0x1c: {  	p1 =	slt.u32 s9, $0xF7A;
	s5 =	simm.s32 @!p2 $0x0  }
0x1d: {  	s5 =	simm.s32 @p1 $0x1;
	p0 =	seq.s32 s7, s2  }
0x1e: {  	s7 =	smul.u32 @!p0 $0xF7A, s2;
	p2 =	seq.s32 @!p0 s5, $0x0  }
0x1f: {  	s9 =	smul.u32 $0xF7A, s1;
	s8 =	simm.s32 @!p0 $0x1BF5;
	p2 =	por !p2, p0  }
0x20: {  	[sflag:s8] =	ssyncset.s32 @!p0 $0xFFFFF086;
	s6 =	sadd.s32 @!p0 s3, s7;
	s7 =	simm.s32 @!p0 $0x108  }
0x21: {  	s3 =	sadd.s32 s3, s9;
	s6 =	sadd.s32 @!p0 $0x88, s6;
	s7 =	simm.s32 @p2 $0x1082  }
0x22: {  	[simem:s7], [sflag:s8] =	dma.local @!p0 [hbm:s6], $0xF7A  }
0x23: {  	s9 =	sor.u32 $0xD0000000, s2;
	s6 =	simm.s32 $0x108;
	_ =	swait.ge @!p0 [sflag:s8], $0x0  }
0x24: {  	s3 =	sadd.s32 $0x88, s3;
	s6 =	simm.s32 @!p1 $0x1082;
	[sflag:s4] =	ssyncset.s32 $0xFFFFF086  }
0x25: {  	[simem:s6], [sflag:s4] =	dma.local [hbm:s3], $0xF7A  }
0x26: {  	[smem:$0x3F97] =	sst s1;
	(tag) =	ssettag s2;
	_ =	strace s9  }
0x27: {  	s1 =	sld [smem:$0x3FA7]  }
0x28: {  	s2 =	sld [smem:$0x3FA8]  }
0x29: {  	s4 =	sld [smem:$0x3FAA]  }
0x2a: {  	p0 =	seq.s32 s5, $0x0;
	s5 =	sld [smem:$0x3FAB]  }
0x2b: {  	s6 =	sld [smem:$0x3FAC]  }
0x2c: {  	s7 =	sld [smem:$0x3FAD]  }
0x2d: {  	s3 =	simm.s32 $0x108;
	s8 =	sld [smem:$0x3FAE]  }
0x2e: {  	s3 =	simm.s32 @!p0 $0x1082;
	s9 =	sld [smem:$0x3FAF]  }
0x2f: {  	lr =	sadd.s32 s0, s3;
	s0 =	sld [smem:$0x3FA6]  }
0x30: {  	s3 =	sld [smem:$0x3FA9]  }
0x31: {  	[smem:$0x3FB2] =	sst s10  }
0x32: {  	s10 =	sld [smem:$0x3FB0];
	_ =	sdelay $0x3  }
0x33: {  	p0 =	seq.s32 s10, $0x1;
	s10 =	sld [smem:$0x3FB2];
	_ =	sdelay $0x3  }
0x34: {  	[smem:$0x3FB2] =	sst s10  }
0x35: {  	s10 =	sld [smem:$0x3FB1];
	_ =	sdelay $0x3  }
0x36: {  	p1 =	seq.s32 s10, $0x1;
	s10 =	sld [smem:$0x3FB2];
	_ =	sdelay $0x3  }
0x37: {  	[smem:$0x3FB2] =	sst s10  }
0x38: {  	s10 =	sld [smem:$0x3FB3]  }
0x39: {  	_ = 	snop;
	(pc) =	sbr.ind lr, $3  }
0x3a: {  	_ = 	snop  }
0x3b: {  	_ = 	snop  }
0x3c: {  	p2 =	seq.s32 s10, $0x1;
	s10 =	sld [smem:$0x3FB2]  }
0x3d: {  	_ =	shalt  }
0x3e: {  	_ =	shalt  }
0x3f: {  	_ =	shalt  }
0x40: {  	_ =	shalt  }
0x41: {  	_ =	shalt  }
0x42: {  	_ =	shalt  }
0x43: {  	_ =	shalt  }
0x44: {  	_ =	shalt  }
0x45: {  	_ =	shalt  }
0x46: {  	_ =	shalt  }
0x47: {  	_ =	shalt  }
0x48: {  	_ =	shalt  }
0x49: {  	_ =	shalt  }
0x4a: {  	_ =	shalt  }
0x4b: {  	_ =	shalt  }
0x4c: {  	_ =	shalt  }
0x4d: {  	_ =	shalt  }
0x4e: {  	_ =	shalt  }
0x4f: {  	_ =	shalt  }
0x50: {  	_ =	shalt  }
0x51: {  	_ =	shalt  }
0x52: {  	_ =	shalt  }
0x53: {  	_ =	shalt  }
0x54: {  	_ =	shalt  }
0x55: {  	_ =	shalt  }
0x56: {  	_ =	shalt  }
0x57: {  	_ =	shalt  }
0x58: {  	_ =	shalt  }
0x59: {  	_ =	shalt  }
0x5a: {  	_ =	shalt  }
0x5b: {  	_ =	shalt  }
0x5c: {  	_ =	shalt  }
0x5d: {  	_ =	shalt  }
0x5e: {  	_ =	shalt  }
0x5f: {  	_ =	shalt  }
0x60: {  	_ =	shalt  }
0x61: {  	_ =	shalt  }
0x62: {  	_ =	shalt  }
0x63: {  	_ =	shalt  }
0x64: {  	_ =	shalt  }
0x65: {  	_ =	shalt  }
0x66: {  	_ =	shalt  }
0x67: {  	_ =	shalt  }
0x68: {  	_ =	shalt  }
0x69: {  	_ =	shalt  }
0x6a: {  	_ =	shalt  }
0x6b: {  	_ =	shalt  }
0x6c: {  	_ =	shalt  }
0x6d: {  	_ =	shalt  }
0x6e: {  	_ =	shalt  }
0x6f: {  	_ =	shalt  }
0x70: {  	_ =	shalt  }
0x71: {  	_ =	shalt  }
0x72: {  	_ =	shalt  }
0x73: {  	_ =	shalt  }
0x74: {  	_ =	shalt  }
0x75: {  	_ =	shalt  }
0x76: {  	_ =	shalt  }
0x77: {  	_ =	shalt  }
0x78: {  	_ =	shalt  }
0x79: {  	_ =	shalt  }
0x7a: {  	_ =	shalt  }
0x7b: {  	_ =	shalt  }
0x7c: {  	_ =	shalt  }
0x7d: {  	_ =	shalt  }
0x7e: {  	_ =	shalt  }
0x7f: {  	_ =	shalt  }
0x80: {  	_ =	shalt  }
0x81: {  	_ =	shalt  }
0x82: {  	_ =	shalt  }
0x83: {  	_ =	shalt  }
0x84: {  	_ =	shalt  }
0x85: {  	_ =	shalt  }
0x86: {  	_ =	shalt  }
0x87: {  	_ =	shalt  }
.Lfunc_end0:
.L_simem_size_0:
called_computation.1_lowered:
.L_overlay_start_0:
0x88: {  	s2 =	sld [smem:$0x3FD9]  }
0x89: {  	s3 =	sld [smem:$0x3FFE];
	_ =	sdelay $0x1  }
0x8a: {  	s1 =	srdreg.scid  }
0x8b: {  	s0 =	sand.u32 $0x1, s1  }
0x8c: {  	s16 =	sshll.u32 s0, $0xA;
	s2 =	sadd.s32 s3, s2  }
0x8d: {  	s2 =	sadd.s32 s2, s16  }
0x8e: {  	[smem:$0x3FBE] =	sst s2  }
0x8f: {  	_ = 	snop  }
0x90: {  	(tm) =	ssettm $0x1  }
0x91: {  	s17 =	sld [smem:$0x3FFB];
	_ =	sdelay $0x3  }
0x92: {  	_ =	strace s17  }
0x93: {  	s2 =	sld [smem:$0x3FFC];
	_ =	sdelay $0x3  }
0x94: {  	_ =	strace s2  }
0x95: {  	s2 =	sld [smem:$0x3FFD];
	_ =	sdelay $0x3  }
0x96: {  	_ =	strace s2  }
0x97: {  	_ =	strace $0x8FFFFFFF  }
0x98: {  	s18 =	sld [smem:$0x3FDB];
	_ =	sdelay $0x1  }
0x99: {  	s19 =	simm.s32 $_scs_section_size  }
0x9a: {  	s4 =	simm.s32 $_size__tile_overlayer_lowered;
	s5 =	simm.s32 $_tile_overlayer_lowered  }
0x9b: {  	s22 =	simm.s32 $0x1BFF;
	s21 =	sshll.u32 s5, $0x1;
	s2 =	sadd.s32 s19, s18  }
0x9c: {  	s6 =	simm.s32 $0x0;
	s20 =	sshll.u32 s4, $0x1;
	s4 =	sadd.s32 s21, s2  }
0x9d: {  	[timem:s6], [sflag:s22] =	dma.local [hbm:s4], s20  }
0x9e: {  	_ =	swait.ge [sflag:s22], s20  }
0x9f: {  	s3 =	ssub.s32 $0x0, s20;
	[sflag:s22] =	ssyncset.done $0x0  }
0xa0: {  	[sflag:s22] =	ssyncadd.s32 s3;
	_ =	sdelay $0x1  }
0xa1: {  	s23 =	simm.s32 $0x1B8B  }
0xa2: {  	_ =	swait.ge [sflag:s23], $0x1  }
0xa3: {  	[sflag:s23] =	ssyncset.done $0x0  }
0xa4: {  	s25 =	simm.s32 $0x1B8E;
	s24 =	sld [smem:$0x3FFE];
	[sflag:s23] =	ssyncadd.s32 $0xFFFFFFFF  }
0xa5: {  	s26 =	simm.s32 $execute0_lowered;
	[smem:$0x3FD2] =	sst s25  }
0xa6: {  	s4 =	sshll.u32 s26, $0x1;
	_ =	strace $0x80000049;
	[dreg:$0x1] =	wrdreg $0xFFFFFFFF  }
0xa7: {  	s28 =	simm.s32 $_size_execute0_lowered;
	s2 =	sadd.s32 s2, s4;
	[dreg:$0x0] =	wrdreg $0x0  }
0xa8: {  	s4 =	sshll.u32 s28, $0x1;
	[dreg:$0x2] =	wrdreg s2  }
0xa9: {  	[dreg:$0x3] =	wrdreg s4  }
0xaa: {  	[dreg:$0x4] =	wrdreg $0xC0  }
0xab: {  	_ =	task [dreg:s6], $0x5FFFF  }
0xac: {  	[dreg:$0x1] =	wrdreg $0xFFFFFFFF  }
0xad: {  	[dreg:$0x0] =	wrdreg $0x60  }
0xae: {  	[dreg:$0x2] =	wrdreg s24  }
0xaf: {  	[dreg:$0x3] =	wrdreg $0x0  }
0xb0: {  	[dreg:$0x4] =	wrdreg $0x9  }
0xb1: {  	_ =	task.clear_ibuf [dreg:s6], $0x5FFFF;
	_ =	strace $0x90000049  }
0xb2: {  	s29 =	simm.s32 $0x9;
	_ =	strace $0x8000004B  }
0xb3: {  	_ =	swait.ge [sflag:s29], $0x1  }
0xb4: {  	[sflag:s29] =	ssyncadd.s32 $0xFFFFFFFF  }
0xb5: {  	_ =	strace $0x9000004B  }
0xb6: {  	_ =	sfence  }
0xb7: {  	s30 =	sld [smem:$0x0];
	_ =	sdelay $0x2  }
0xb8: {  	s31 =	sshll.u32 s1, $0xD;
	s1 =	sshrl.u32 s1, $0x2  }
0xb9: {  	s3 =	sand.u32 $0x4000, s31;
	s1 =	sadd.s32 s1, s30  }
0xba: {  	s0 =	sor.u32 s3, s0;
	s1 =	sshll.u32 s1, $0x11  }
0xbb: {  	s0 =	sor.u32 s1, s0  }
0xbc: {  	s0 =	sadd.s32 $0x8F2B, s0  }
0xbd: {  	[sflag:s0] =	ssyncadd.remote.s32 $0x1  }
0xbe: {  	_ =	sfence.sel $0xFFFF  }
0xbf: {  	[dreg:$0x0] =	wrdreg $0xFFFFFFFF;
	(pc) =	sbr.abs _section_cstart, $3  }
0xc0: {  	[dreg:$0x1] =	wrdreg $0xFFFFFFFF  }
0xc1: {  	_ =	task.clear_ibuf [dreg:s6], $0x2FFFF;
	_ =	strace $0x9FFFFFFF  }
0xc2: {  	(tm) =	ssettm $0x7FFFFFFF  }
0xc3: {  	_ =	shalt  }
tec
execute0_lowered:
.L_overlay_start_1:
0x0: {  	(tag) =	ssettag $0x1  }
0x1: {  	s0 =	rddreg [dreg:$0x0];
	s1 =	srdreg.scid  }
0x2: {  	s8 =	stileid.u32;
	s2 =	rddreg [dreg:$0x1]  }
0x3: {  	s3 =	simm.s32 $0x0;
	s16 =	simm.s32 $0x1A040;
	s17 =	simm.s32 $0x6  }
0x4: {  	s18 =	simm.s32 $0xA000;
	s20 =	simm.s32 $0x50;
	s21 =	simm.s32 $0x13C40  }
0x5: {  	s23 =	simm.s32 $0x15040;
	s25 =	simm.s32 $0x16440;
	s28 =	simm.s32 $0x17840  }
0x6: {  	s30 =	simm.s32 $0x18C40;
	s31 =	simm.s32 $0x1;
	s19 =	simm.s32 $0x4  }
0x7: {  	s22 =	simm.s32 $0x5;
	s29 =	simm.s32 $0x0;
	s1 =	sand.u32 $0x1, s1  }
0x8: {  	s4 =	sshll.u32 s8, $0x1;
	[smem:$0x7FF] =	sst s3;
	s9 =	smul.u32 $0xA000, s8  }
0x9: {  	s4 =	sor.u32 s1, s4;
	s6 =	ssub.s32 $0x2, s1;
	s1 =	smul.u32 $0xA0000, s1  }
0xa: {  	_ =	strace $0x8000004A;
	s5 =	smul.u32 $0x4E20, s4;
	s4 =	sadd.s32 $0x29600, s0  }
0xb: {  	s7 =	sshrl.u32 s6, $0x1;
	s12 =	sadd.s32 $0x2800, s9;
	s13 =	sadd.s32 $0x5000, s9  }
0xc: {  	s14 =	sadd.s32 $0x7800, s9;
	s15 =	ssub.s32 s6, s7;
	s6 =	sadd.s32 s12, s2  }
0xd: {  	s7 =	sadd.s32 s13, s2;
	s8 =	sadd.s32 s14, s2;
	s11 =	sadd.s32 s9, s1  }
0xe: {  	s12 =	sadd.s32 s1, s12;
	s13 =	sadd.s32 s1, s13;
	s1 =	sadd.s32 s1, s14  }
0xf: {  	s5 =	sshrl.u32 s5, $0x3;
	s11 =	sshrl.u32 s11, $0x3;
	s12 =	sshrl.u32 s12, $0x3  }
0x10: {  	s13 =	sshrl.u32 s13, $0x3;
	s1 =	sshrl.u32 s1, $0x3;
	s15 =	smax.u32 s15, $0x1  }
0x11: {  	s10 =	sadd.s32 s5, s0;
	s0 =	sadd.s32 $0x3D000, s0;
	s5 =	sadd.s32 s9, s2  }
0x12: {  	s26 =	sadd.s32 $0x2400, s10;
	s10 =	sadd.s32 $0x15C80, s10;
	s11 =	sadd.s32 s0, s11  }
0x13: {  	s12 =	sadd.s32 s0, s12;
	s13 =	sadd.s32 s0, s13;
	s14 =	sadd.s32 s0, s1  }
0x14: {  	v0 =	vimm.f32 $0.0e+00;
	s1 =	simm.s32 $0x2;
	s0 =	simm.s32 $0x3;
	[dreg:$0x3] =	wrdreg s26  }
.LBB2_1:
0x15: {  	s26 =	simm.s32 $0x100;
	s24 =	simm.s32 $0x0  }
.LBB2_2:
0x16: {  	p0 =	sne.s32 s26, $0x9F00;
	[tilespmem:s24+$0x1A070] =	vst v0;
	s9 =	smov.u32 s26;
	s26 =	sadd.s32 $0x100, s26  }
.Ltmp0:
0x17: {  	[tilespmem:s24+$0x1A060] =	vst v0;
	(pc) =	sbr.rel @p0 .LBB2_2-.Ltmp0, $3  }
0x18: {  	[tilespmem:s24+$0x1A040] =	vst v0  }
0x19: {  	[tilespmem:s24+$0x1A050] =	vst v0;
	_ =	sdelay $0x1  }
0x1a: {  	s24 =	sshra.s32 s9, $0x2  }
0x1b: {  	[tilespmem:s24+$0x1A070] =	vst v0  }
0x1c: {  	[tilespmem:s24+$0x1A060] =	vst v0  }
0x1d: {  	[tilespmem:s24+$0x1A040] =	vst v0  }
0x1e: {  	[tilespmem:s24+$0x1A050] =	vst v0  }
0x1f: {  	[spmem:s5] =	stream.linear.scatter [tilespmem:s16], [sflag:$0x6], $0x2800, $0x38;
	[tilespmem:$0x1C840] =	vst v63  }
0x20: {  	_ =	swait.ge [sflag:s17], $0x2800  }
0x21: {  	[sflag:s17] =	ssyncset.done $0x0  }
0x22: {  	[sflag:s17] =	ssyncadd.s32 $0xFFFFD800  }
0x23: {  	[spmem:s6] =	stream.linear.scatter [tilespmem:s16], [sflag:$0x6], $0x2800, $0x38;
	[tilespmem:$0x1C840] =	vst v63  }
0x24: {  	_ =	swait.ge [sflag:s17], $0x2800  }
0x25: {  	[sflag:s17] =	ssyncset.done $0x0  }
0x26: {  	[sflag:s17] =	ssyncadd.s32 $0xFFFFD800  }
0x27: {  	[spmem:s7] =	stream.linear.scatter [tilespmem:s16], [sflag:$0x6], $0x2800, $0x38;
	[tilespmem:$0x1C840] =	vst v63  }
0x28: {  	_ =	swait.ge [sflag:s17], $0x2800  }
0x29: {  	[sflag:s17] =	ssyncset.done $0x0  }
0x2a: {  	[sflag:s17] =	ssyncadd.s32 $0xFFFFD800  }
0x2b: {  	[spmem:s8] =	stream.linear.scatter [tilespmem:s16], [sflag:$0x6], $0x2800, $0x38;
	[tilespmem:$0x1C840] =	vst v63  }
0x2c: {  	_ =	swait.ge [sflag:s17], $0x2800  }
0x2d: {  	[sflag:s17] =	ssyncset.done $0x0  }
0x2e: {  	s9 =	simm.s32 $0x0;
	s26 =	rddreg [dreg:$0x3];
	[sflag:s17] =	ssyncadd.s32 $0xFFFFD800  }
0x2f: {  	[tilespmem:s18], [sflag:$0x6] =	stream.linear.gather [hbm4b:s26+s9], $0x4E20, $0x38;
	[tilespmem:$0x1C840] =	vst v63  }
0x30: {  	_ =	swait.ge [sflag:s17], $0x4E20  }
0x31: {  	[sflag:s17] =	ssyncset.done $0x0  }
0x32: {  	s26 =	simm.s32 $0xEE20;
	[sflag:s17] =	ssyncadd.s32 $0xFFFFB1E0  }
0x33: {  	[tilespmem:s26], [sflag:$0x6] =	stream.linear.gather [hbm4b:s10+s9], $0x4E20, $0x38;
	[tilespmem:$0x1C840] =	vst v63  }
0x34: {  	_ =	swait.ge [sflag:s17], $0x4E20  }
0x35: {  	[sflag:s17] =	ssyncset.done $0x0  }
0x36: {  	[sflag:s17] =	ssyncadd.s32 $0xFFFFB1E0  }
0x37: {  	[bflag:$0x0] =	sbarrier.arrive $0xFFFF  }
0x38: {  	[tilespmem:s21], [sflag:$0x1] =	stream.indirect.gather [hbm4b:s4+s20], $0x40, s18, s20, $0xb8;
	[tilespmem:$0x1C840] =	vst v63  }
0x39: {  	s26 =	simm.s32 $0xA050  }
0x3a: {  	[tilespmem:s23], [sflag:$0x2] =	stream.indirect.gather [hbm4b:s4+s20], $0x40, s26, s20, $0xb8;
	[tilespmem:$0x1C840] =	vst v63  }
0x3b: {  	s24 =	simm.s32 $0xA0A0  }
0x3c: {  	[tilespmem:s25], [sflag:$0x3] =	stream.indirect.gather [hbm4b:s4+s20], $0x40, s24, s20, $0xb8;
	[tilespmem:$0x1C840] =	vst v63  }
0x3d: {  	s26 =	simm.s32 $0xA0F0  }
0x3e: {  	[tilespmem:s28], [sflag:$0x4] =	stream.indirect.gather [hbm4b:s4+s20], $0x40, s26, s20, $0xb8;
	[tilespmem:$0x1C840] =	vst v63  }
0x3f: {  	s24 =	simm.s32 $0xA140  }
0x40: {  	[tilespmem:s30], [sflag:$0x5] =	stream.indirect.gather [hbm4b:s4+s20], $0x40, s24, s20, $0xb8;
	[tilespmem:$0x1C840] =	vst v63  }
0x41: {  	_ =	swait.ge [sflag:s31], $0x1400  }
0x42: {  	[sflag:s31] =	ssyncset.done $0x0  }
0x43: {  	s26 =	simm.s32 $0xEE20;
	[sflag:s31] =	ssyncadd.s32 $0xFFFFEC00  }
0x44: {  	[spmem:s2] =	stream.indirect.scatter.add.f32 [tilespmem:s21], [sflag:$0x6], $0x40, s26, s20, $0xb8;
	[tilespmem:$0x1C840] =	vst v63  }
0x45: {  	_ =	swait.ge [sflag:s17], $0x1400  }
0x46: {  	[sflag:s17] =	ssyncset.done $0x0  }
0x47: {  	s24 =	simm.s32 $0xA190;
	[sflag:s17] =	ssyncadd.s32 $0xFFFFEC00  }
0x48: {  	[tilespmem:s21], [sflag:$0x1] =	stream.indirect.gather [hbm4b:s4+s20], $0x40, s24, s20, $0xb8;
	[tilespmem:$0x1C840] =	vst v63  }
0x49: {  	_ =	swait.ge [sflag:s1], $0x1400  }
0x4a: {  	[sflag:s1] =	ssyncset.done $0x0  }
0x4b: {  	s26 =	simm.s32 $0xEE70;
	[sflag:s1] =	ssyncadd.s32 $0xFFFFEC00  }
0x4c: {  	[spmem:s2] =	stream.indirect.scatter.add.f32 [tilespmem:s23], [sflag:$0x6], $0x40, s26, s20, $0xb8;
	[tilespmem:$0x1C840] =	vst v63  }
0x4d: {  	_ =	swait.ge [sflag:s17], $0x1400  }
0x4e: {  	[sflag:s17] =	ssyncset.done $0x0  }
0x4f: {  	s24 =	simm.s32 $0xA1E0;
	[sflag:s17] =	ssyncadd.s32 $0xFFFFEC00  }
0x50: {  	[tilespmem:s23], [sflag:$0x2] =	stream.indirect.gather [hbm4b:s4+s20], $0x40, s24, s20, $0xb8;
	[tilespmem:$0x1C840] =	vst v63  }
0x51: {  	_ =	swait.ge [sflag:s0], $0x1400  }
0x52: {  	[sflag:s0] =	ssyncset.done $0x0  }
0x53: {  	s26 =	simm.s32 $0xEEC0;
	[sflag:s0] =	ssyncadd.s32 $0xFFFFEC00  }
0x54: {  	[spmem:s2] =	stream.indirect.scatter.add.f32 [tilespmem:s25], [sflag:$0x6], $0x40, s26, s20, $0xb8;
	[tilespmem:$0x1C840] =	vst v63  }
0x55: {  	_ =	swait.ge [sflag:s17], $0x1400  }
0x56: {  	[sflag:s17] =	ssyncset.done $0x0  }
0x57: {  	s24 =	simm.s32 $0xA230;
	[sflag:s17] =	ssyncadd.s32 $0xFFFFEC00  }
0x58: {  	[tilespmem:s25], [sflag:$0x3] =	stream.indirect.gather [hbm4b:s4+s20], $0x40, s24, s20, $0xb8;
	[tilespmem:$0x1C840] =	vst v63  }
0x59: {  	_ =	swait.ge [sflag:s19], $0x1400  }
0x5a: {  	[sflag:s19] =	ssyncset.done $0x0  }
0x5b: {  	s26 =	simm.s32 $0xEF10;
	[sflag:s19] =	ssyncadd.s32 $0xFFFFEC00  }
0x5c: {  	[spmem:s2] =	stream.indirect.scatter.add.f32 [tilespmem:s28], [sflag:$0x6], $0x40, s26, s20, $0xb8;
	[tilespmem:$0x1C840] =	vst v63  }
0x5d: {  	_ =	swait.ge [sflag:s17], $0x1400  }
0x5e: {  	[sflag:s17] =	ssyncset.done $0x0  }
0x5f: {  	s24 =	simm.s32 $0xA280;
	[sflag:s17] =	ssyncadd.s32 $0xFFFFEC00  }
0x60: {  	[tilespmem:s28], [sflag:$0x4] =	stream.indirect.gather [hbm4b:s4+s20], $0x40, s24, s20, $0xb8;
	[tilespmem:$0x1C840] =	vst v63  }
0x61: {  	_ =	swait.ge [sflag:s22], $0x1400  }
0x62: {  	[sflag:s22] =	ssyncset.done $0x0  }
0x63: {  	s26 =	simm.s32 $0xEF60;
	[sflag:s22] =	ssyncadd.s32 $0xFFFFEC00  }
0x64: {  	[spmem:s2] =	stream.indirect.scatter.add.f32 [tilespmem:s30], [sflag:$0x6], $0x40, s26, s20, $0xb8;
	[tilespmem:$0x1C840] =	vst v63  }
0x65: {  	_ =	swait.ge [sflag:s17], $0x1400  }
0x66: {  	[sflag:s17] =	ssyncset.done $0x0  }
0x67: {  	s24 =	simm.s32 $0x640;
	s26 =	simm.s32 $0xA2D0;
	[sflag:s17] =	ssyncadd.s32 $0xFFFFEC00  }
.LBB2_4:
0x68: {  	[tilespmem:s30], [sflag:$0x5] =	stream.indirect.gather [hbm4b:s4+s20], $0x40, s26, s20, $0xb8;
	[tilespmem:$0x1C840] =	vst v63  }
0x69: {  	s9 =	smov.u32 s24  }
0x6a: {  	p0 =	sne.s32 s24, $0x12C00;
	s24 =	sadd.s32 $0x640, s24;
	_ =	swait.ge [sflag:s31], $0x1400  }
0x6b: {  	s26 =	sshra.s32 s9, $0x2;
	[sflag:s31] =	ssyncset.done $0x0  }
0x6c: {  	s9 =	sadd.s32 $0xEE20, s26;
	[sflag:s31] =	ssyncadd.s32 $0xFFFFEC00  }
0x6d: {  	[spmem:s2] =	stream.indirect.scatter.add.f32 [tilespmem:s21], [sflag:$0x6], $0x40, s9, s20, $0xb8;
	[tilespmem:$0x1C840] =	vst v63  }
0x6e: {  	_ =	swait.ge [sflag:s17], $0x1400  }
0x6f: {  	[sflag:s17] =	ssyncset.done $0x0  }
0x70: {  	s9 =	sadd.s32 $0xA190, s26;
	[sflag:s17] =	ssyncadd.s32 $0xFFFFEC00  }
0x71: {  	[tilespmem:s21], [sflag:$0x1] =	stream.indirect.gather [hbm4b:s4+s20], $0x40, s9, s20, $0xb8;
	[tilespmem:$0x1C840] =	vst v63  }
0x72: {  	_ =	swait.ge [sflag:s1], $0x1400  }
0x73: {  	[sflag:s1] =	ssyncset.done $0x0  }
0x74: {  	s9 =	sadd.s32 $0xEE70, s26;
	[sflag:s1] =	ssyncadd.s32 $0xFFFFEC00  }
0x75: {  	[spmem:s2] =	stream.indirect.scatter.add.f32 [tilespmem:s23], [sflag:$0x6], $0x40, s9, s20, $0xb8;
	[tilespmem:$0x1C840] =	vst v63  }
0x76: {  	_ =	swait.ge [sflag:s17], $0x1400  }
0x77: {  	[sflag:s17] =	ssyncset.done $0x0  }
0x78: {  	s9 =	sadd.s32 $0xA1E0, s26;
	[sflag:s17] =	ssyncadd.s32 $0xFFFFEC00  }
0x79: {  	[tilespmem:s23], [sflag:$0x2] =	stream.indirect.gather [hbm4b:s4+s20], $0x40, s9, s20, $0xb8;
	[tilespmem:$0x1C840] =	vst v63  }
0x7a: {  	_ =	swait.ge [sflag:s0], $0x1400  }
0x7b: {  	[sflag:s0] =	ssyncset.done $0x0  }
0x7c: {  	s9 =	sadd.s32 $0xEEC0, s26;
	[sflag:s0] =	ssyncadd.s32 $0xFFFFEC00  }
0x7d: {  	[spmem:s2] =	stream.indirect.scatter.add.f32 [tilespmem:s25], [sflag:$0x6], $0x40, s9, s20, $0xb8;
	[tilespmem:$0x1C840] =	vst v63  }
0x7e: {  	_ =	swait.ge [sflag:s17], $0x1400  }
0x7f: {  	[sflag:s17] =	ssyncset.done $0x0  }
0x80: {  	s9 =	sadd.s32 $0xA230, s26;
	[sflag:s17] =	ssyncadd.s32 $0xFFFFEC00  }
0x81: {  	[tilespmem:s25], [sflag:$0x3] =	stream.indirect.gather [hbm4b:s4+s20], $0x40, s9, s20, $0xb8;
	[tilespmem:$0x1C840] =	vst v63  }
0x82: {  	_ =	swait.ge [sflag:s19], $0x1400  }
0x83: {  	[sflag:s19] =	ssyncset.done $0x0  }
0x84: {  	s9 =	sadd.s32 $0xEF10, s26;
	[sflag:s19] =	ssyncadd.s32 $0xFFFFEC00  }
0x85: {  	[spmem:s2] =	stream.indirect.scatter.add.f32 [tilespmem:s28], [sflag:$0x6], $0x40, s9, s20, $0xb8;
	[tilespmem:$0x1C840] =	vst v63  }
0x86: {  	_ =	swait.ge [sflag:s17], $0x1400  }
0x87: {  	[sflag:s17] =	ssyncset.done $0x0  }
0x88: {  	s9 =	sadd.s32 $0xA280, s26;
	[sflag:s17] =	ssyncadd.s32 $0xFFFFEC00  }
0x89: {  	[tilespmem:s28], [sflag:$0x4] =	stream.indirect.gather [hbm4b:s4+s20], $0x40, s9, s20, $0xb8;
	[tilespmem:$0x1C840] =	vst v63  }
0x8a: {  	_ =	swait.ge [sflag:s22], $0x1400  }
0x8b: {  	[sflag:s22] =	ssyncset.done $0x0  }
.Ltmp1:
0x8c: {  	s9 =	sadd.s32 $0xEF60, s26;
	[sflag:s22] =	ssyncadd.s32 $0xFFFFEC00;
	(pc) =	sbr.rel @p0 .LBB2_4-.Ltmp1, $4  }
0x8d: {  	[spmem:s2] =	stream.indirect.scatter.add.f32 [tilespmem:s30], [sflag:$0x6], $0x40, s9, s20, $0xb8;
	[tilespmem:$0x1C840] =	vst v63  }
0x8e: {  	_ =	swait.ge [sflag:s17], $0x1400  }
0x8f: {  	[sflag:s17] =	ssyncset.done $0x0  }
0x90: {  	s26 =	sadd.s32 $0xA2D0, s26;
	[sflag:s17] =	ssyncadd.s32 $0xFFFFEC00  }
0x91: {  	[tilespmem:s30], [sflag:$0x5] =	stream.indirect.gather [hbm4b:s4+s20], $0x40, s26, s20, $0xb8;
	[tilespmem:$0x1C840] =	vst v63  }
0x92: {  	_ =	swait.ge [sflag:s31], $0x1400  }
0x93: {  	[sflag:s31] =	ssyncset.done $0x0  }
0x94: {  	s9 =	simm.s32 $0x13AB0;
	[sflag:s31] =	ssyncadd.s32 $0xFFFFEC00  }
0x95: {  	[spmem:s2] =	stream.indirect.scatter.add.f32 [tilespmem:s21], [sflag:$0x6], $0x40, s9, s20, $0xb8;
	[tilespmem:$0x1C840] =	vst v63  }
0x96: {  	_ =	swait.ge [sflag:s17], $0x1400  }
0x97: {  	[sflag:s17] =	ssyncset.done $0x0  }
0x98: {  	[sflag:s17] =	ssyncadd.s32 $0xFFFFEC00  }
0x99: {  	_ =	swait.ge [sflag:s1], $0x1400  }
0x9a: {  	[sflag:s1] =	ssyncset.done $0x0  }
0x9b: {  	s24 =	simm.s32 $0x13B00;
	[sflag:s1] =	ssyncadd.s32 $0xFFFFEC00  }
0x9c: {  	[spmem:s2] =	stream.indirect.scatter.add.f32 [tilespmem:s23], [sflag:$0x6], $0x40, s24, s20, $0xb8;
	[tilespmem:$0x1C840] =	vst v63  }
0x9d: {  	_ =	swait.ge [sflag:s17], $0x1400  }
0x9e: {  	[sflag:s17] =	ssyncset.done $0x0  }
0x9f: {  	[sflag:s17] =	ssyncadd.s32 $0xFFFFEC00  }
0xa0: {  	_ =	swait.ge [sflag:s0], $0x1400  }
0xa1: {  	[sflag:s0] =	ssyncset.done $0x0  }
0xa2: {  	s26 =	simm.s32 $0x13B50;
	[sflag:s0] =	ssyncadd.s32 $0xFFFFEC00  }
0xa3: {  	[spmem:s2] =	stream.indirect.scatter.add.f32 [tilespmem:s25], [sflag:$0x6], $0x40, s26, s20, $0xb8;
	[tilespmem:$0x1C840] =	vst v63  }
0xa4: {  	_ =	swait.ge [sflag:s17], $0x1400  }
0xa5: {  	[sflag:s17] =	ssyncset.done $0x0  }
0xa6: {  	[sflag:s17] =	ssyncadd.s32 $0xFFFFEC00  }
0xa7: {  	_ =	swait.ge [sflag:s19], $0x1400  }
0xa8: {  	[sflag:s19] =	ssyncset.done $0x0  }
0xa9: {  	s24 =	simm.s32 $0x13BA0;
	[sflag:s19] =	ssyncadd.s32 $0xFFFFEC00  }
0xaa: {  	[spmem:s2] =	stream.indirect.scatter.add.f32 [tilespmem:s28], [sflag:$0x6], $0x40, s24, s20, $0xb8;
	[tilespmem:$0x1C840] =	vst v63  }
0xab: {  	_ =	swait.ge [sflag:s17], $0x1400  }
0xac: {  	[sflag:s17] =	ssyncset.done $0x0  }
0xad: {  	[sflag:s17] =	ssyncadd.s32 $0xFFFFEC00  }
0xae: {  	_ =	swait.ge [sflag:s22], $0x1400  }
0xaf: {  	[sflag:s22] =	ssyncset.done $0x0  }
0xb0: {  	s26 =	simm.s32 $0x13BF0;
	[sflag:s22] =	ssyncadd.s32 $0xFFFFEC00  }
0xb1: {  	[spmem:s2] =	stream.indirect.scatter.add.f32 [tilespmem:s30], [sflag:$0x6], $0x40, s26, s20, $0xb8;
	[tilespmem:$0x1C840] =	vst v63  }
0xb2: {  	_ =	swait.ge [sflag:s17], $0x1400  }
0xb3: {  	[sflag:s17] =	ssyncset.done $0x0  }
0xb4: {  	[sflag:s17] =	ssyncadd.s32 $0xFFFFEC00  }
0xb5: {  	[bflag:$0x0] =	sbarrier.arrive $0xFFFF  }
0xb6: {  	[tilespmem:s16], [sflag:$0x6] =	stream.linear.gather [spmem:s5], $0x2800, $0x38;
	[tilespmem:$0x1C840] =	vst v63  }
0xb7: {  	_ =	swait.ge [sflag:s17], $0x2800  }
0xb8: {  	[sflag:s17] =	ssyncset.done $0x0  }
0xb9: {  	[sflag:s17] =	ssyncadd.s32 $0xFFFFD800  }
0xba: {  	[hbm4b:s11+s3] =	stream.linear.scatter [tilespmem:s16], [sflag:$0x6], $0x2800, $0x38;
	[tilespmem:$0x1C840] =	vst v63  }
0xbb: {  	_ =	swait.ge [sflag:s17], $0x2800  }
0xbc: {  	[sflag:s17] =	ssyncset.done $0x0  }
0xbd: {  	[sflag:s17] =	ssyncadd.s32 $0xFFFFD800  }
0xbe: {  	[tilespmem:s16], [sflag:$0x6] =	stream.linear.gather [spmem:s6], $0x2800, $0x38;
	[tilespmem:$0x1C840] =	vst v63  }
0xbf: {  	_ =	swait.ge [sflag:s17], $0x2800  }
0xc0: {  	[sflag:s17] =	ssyncset.done $0x0  }
0xc1: {  	[sflag:s17] =	ssyncadd.s32 $0xFFFFD800  }
0xc2: {  	[hbm4b:s12+s3] =	stream.linear.scatter [tilespmem:s16], [sflag:$0x6], $0x2800, $0x38;
	[tilespmem:$0x1C840] =	vst v63  }
0xc3: {  	_ =	swait.ge [sflag:s17], $0x2800  }
0xc4: {  	[sflag:s17] =	ssyncset.done $0x0  }
0xc5: {  	[sflag:s17] =	ssyncadd.s32 $0xFFFFD800  }
0xc6: {  	[tilespmem:s16], [sflag:$0x6] =	stream.linear.gather [spmem:s7], $0x2800, $0x38;
	[tilespmem:$0x1C840] =	vst v63  }
0xc7: {  	_ =	swait.ge [sflag:s17], $0x2800  }
0xc8: {  	[sflag:s17] =	ssyncset.done $0x0  }
0xc9: {  	[sflag:s17] =	ssyncadd.s32 $0xFFFFD800  }
0xca: {  	[hbm4b:s13+s3] =	stream.linear.scatter [tilespmem:s16], [sflag:$0x6], $0x2800, $0x38;
	[tilespmem:$0x1C840] =	vst v63  }
0xcb: {  	_ =	swait.ge [sflag:s17], $0x2800  }
0xcc: {  	[sflag:s17] =	ssyncset.done $0x0  }
0xcd: {  	[sflag:s17] =	ssyncadd.s32 $0xFFFFD800  }
0xce: {  	[tilespmem:s16], [sflag:$0x6] =	stream.linear.gather [spmem:s8], $0x2800, $0x38;
	[tilespmem:$0x1C840] =	vst v63  }
0xcf: {  	s29 =	sadd.s32 $0x1, s29;
	_ =	swait.ge [sflag:s17], $0x2800  }
0xd0: {  	p0 =	sne.s32 s29, s15;
	[sflag:s17] =	ssyncset.done $0x0  }
.Ltmp2:
0xd1: {  	[sflag:s17] =	ssyncadd.s32 $0xFFFFD800;
	(pc) =	sbr.rel @p0 .LBB2_1-.Ltmp2, $4  }
0xd2: {  	[hbm4b:s14+s3] =	stream.linear.scatter [tilespmem:s16], [sflag:$0x6], $0x2800, $0x38;
	[tilespmem:$0x1C840] =	vst v63  }
0xd3: {  	_ =	swait.ge [sflag:s17], $0x2800  }
0xd4: {  	[sflag:s17] =	ssyncset.done $0x0  }
0xd5: {  	[sflag:s17] =	ssyncadd.s32 $0xFFFFD800  }
0xd6: {  	_ =	sfence.sel $0x180000  }
0xd7: {  	[bflag:$0x0] =	sbarrier.arrive $0xFFFF  }
0xd8: {  	_ =	strace $0x9000004A  }
0xd9: {  	s0 =	stileid.u32;
	[bflag:$0x2] =	sbarrier.arrive $0xFFFF  }
0xda: {  	p0 =	sne.s32 s0, $0x0;
	s0 =	rddreg [dreg:$0x2]  }
0xdb: {  	s0 =	sadd.s32 @!p0 $0x100000, s0  }
0xdc: {  	[sflag:s0] =	ssyncadd.tile.s32 @!p0 $0x1;
	_ =	shalt  }
.Lfunc_end2:
_tile_overlayer_lowered:
.L_overlay_start_2:
0xdd: {  	(tag) =	ssettag $0x2  }
0xde: {  	s0 =	rddreg [dreg:$0x0];
	s2 =	stileid.u32  }
0xdf: {  	s1 =	rddreg [dreg:$0x1];
	p0 =	sne.s32 s2, $0x0  }
0xe0: {  	s3 =	rddreg [dreg:$0x2];
	[bflag:$0x3] =	sbarrier.arrive $0xFFFF;
	s2 =	simm.s32 @!p0 $0x1C06  }
0xe1: {  	[timem:s3], [sflag:s2] =	dma.local @!p0 [hbm:s0], s1  }
0xe2: {  	s0 =	simm.s32 @!p0 $0x6  }
0xe3: {  	_ =	swait.ge @!p0 [sflag:s0], s1  }
0xe4: {  	s1 =	ssub.s32 @!p0 $0x0, s1;
	[sflag:s0] =	ssyncset.done @!p0 $0x0  }
0xe5: {  	[sflag:s0] =	ssyncadd.s32 @!p0 s1  }
0xe6: {  	[bflag:$0x3] =	sbarrier.arrive $0xFFFF  }
0xe7: {  	_ =	shalt  }

// kernel: kernel.7.cloned.1.call-start
scs
__scs_entry_jumppad:
0x0: {  	(pc) =	sbr.rel $0x88, $3  }
0x1: {  	(tag) =	ssettag $0x0;
	lr =	simm.s32 $0x1  }
0x2: {  	[smem:$0x3F97] =	sst lr;
	_ =	strace $0xD0000000  }
0x3: {  	_ = 	snop  }
0x4: {  	_ = 	snop  }
0x5: {  	_ = 	snop  }
0x6: {  	_ = 	snop  }
0x7: {  	_ = 	snop  }
__scs_overlays_trampoline_lowered:
0x8: {  	[smem:$0x3FA6] =	sst s0  }
0x9: {  	[smem:$0x3FA7] =	sst s1  }
0xa: {  	[smem:$0x3FA8] =	sst s2  }
0xb: {  	[smem:$0x3FA9] =	sst s3  }
0xc: {  	[smem:$0x3FAA] =	sst s4  }
0xd: {  	[smem:$0x3FAB] =	sst s5  }
0xe: {  	[smem:$0x3FAC] =	sst s6  }
0xf: {  	[smem:$0x3FAD] =	sst s7  }
0x10: {  	[smem:$0x3FAE] =	sst s8  }
0x11: {  	[smem:$0x3FAF] =	sst s9;
	s0 =	simm.s32 @!p0 $0x0  }
0x12: {  	s1 =	sld [smem:$0x3F95];
	s0 =	simm.s32 @p0 $0x1  }
0x13: {  	[smem:$0x3FB0] =	sst s0;
	s0 =	simm.s32 @!p1 $0x0  }
0x14: {  	s2 =	sld [smem:$0x3F94];
	s0 =	simm.s32 @p1 $0x1  }
0x15: {  	[smem:$0x3FB1] =	sst s0;
	s0 =	simm.s32 @!p2 $0x0  }
0x16: {  	s3 =	sld [smem:$0x3FDB];
	s0 =	simm.s32 @p2 $0x1  }
0x17: {  	s4 =	simm.s32 $0x1BF5;
	[smem:$0x3FB3] =	sst s0  }
0x18: {  	s0 =	sld [smem:$0x3F96];
	_ =	swait.ge [sflag:s4], $0x0  }
0x19: {  	s7 =	sld [smem:$0x3F97]  }
0x1a: {  	s8 =	sadd.s32 $0xFFFFE003, lr  }
0x1b: {  	s9 =	sadd.s32 $0xFFFFFEF7, lr;
	s5 =	simm.s32 $0xFFFFFFFF;
	p2 =	slt.u32 s8, $0xFFFFF086  }
0x1c: {  	p1 =	slt.u32 s9, $0xF7A;
	s5 =	simm.s32 @!p2 $0x0  }
0x1d: {  	s5 =	simm.s32 @p1 $0x1;
	p0 =	seq.s32 s7, s2  }
0x1e: {  	s7 =	smul.u32 @!p0 $0xF7A, s2;
	p2 =	seq.s32 @!p0 s5, $0x0  }
0x1f: {  	s9 =	smul.u32 $0xF7A, s1;
	s8 =	simm.s32 @!p0 $0x1BF5;
	p2 =	por !p2, p0  }
0x20: {  	[sflag:s8] =	ssyncset.s32 @!p0 $0xFFFFF086;
	s6 =	sadd.s32 @!p0 s3, s7;
	s7 =	simm.s32 @!p0 $0x108  }
0x21: {  	s3 =	sadd.s32 s3, s9;
	s6 =	sadd.s32 @!p0 $0x88, s6;
	s7 =	simm.s32 @p2 $0x1082  }
0x22: {  	[simem:s7], [sflag:s8] =	dma.local @!p0 [hbm:s6], $0xF7A  }
0x23: {  	s9 =	sor.u32 $0xD0000000, s2;
	s6 =	simm.s32 $0x108;
	_ =	swait.ge @!p0 [sflag:s8], $0x0  }
0x24: {  	s3 =	sadd.s32 $0x88, s3;
	s6 =	simm.s32 @!p1 $0x1082;
	[sflag:s4] =	ssyncset.s32 $0xFFFFF086  }
0x25: {  	[simem:s6], [sflag:s4] =	dma.local [hbm:s3], $0xF7A  }
0x26: {  	[smem:$0x3F97] =	sst s1;
	(tag) =	ssettag s2;
	_ =	strace s9  }
0x27: {  	s1 =	sld [smem:$0x3FA7]  }
0x28: {  	s2 =	sld [smem:$0x3FA8]  }
0x29: {  	s4 =	sld [smem:$0x3FAA]  }
0x2a: {  	p0 =	seq.s32 s5, $0x0;
	s5 =	sld [smem:$0x3FAB]  }
0x2b: {  	s6 =	sld [smem:$0x3FAC]  }
0x2c: {  	s7 =	sld [smem:$0x3FAD]  }
0x2d: {  	s3 =	simm.s32 $0x108;
	s8 =	sld [smem:$0x3FAE]  }
0x2e: {  	s3 =	simm.s32 @!p0 $0x1082;
	s9 =	sld [smem:$0x3FAF]  }
0x2f: {  	lr =	sadd.s32 s0, s3;
	s0 =	sld [smem:$0x3FA6]  }
0x30: {  	s3 =	sld [smem:$0x3FA9]  }
0x31: {  	[smem:$0x3FB2] =	sst s10  }
0x32: {  	s10 =	sld [smem:$0x3FB0];
	_ =	sdelay $0x3  }
0x33: {  	p0 =	seq.s32 s10, $0x1;
	s10 =	sld [smem:$0x3FB2];
	_ =	sdelay $0x3  }
0x34: {  	[smem:$0x3FB2] =	sst s10  }
0x35: {  	s10 =	sld [smem:$0x3FB1];
	_ =	sdelay $0x3  }
0x36: {  	p1 =	seq.s32 s10, $0x1;
	s10 =	sld [smem:$0x3FB2];
	_ =	sdelay $0x3  }
0x37: {  	[smem:$0x3FB2] =	sst s10  }
0x38: {  	s10 =	sld [smem:$0x3FB3]  }
0x39: {  	_ = 	snop;
	(pc) =	sbr.ind lr, $3  }
0x3a: {  	_ = 	snop  }
0x3b: {  	_ = 	snop  }
0x3c: {  	p2 =	seq.s32 s10, $0x1;
	s10 =	sld [smem:$0x3FB2]  }
0x3d: {  	_ =	shalt  }
0x3e: {  	_ =	shalt  }
0x3f: {  	_ =	shalt  }
0x40: {  	_ =	shalt  }
0x41: {  	_ =	shalt  }
0x42: {  	_ =	shalt  }
0x43: {  	_ =	shalt  }
0x44: {  	_ =	shalt  }
0x45: {  	_ =	shalt  }
0x46: {  	_ =	shalt  }
0x47: {  	_ =	shalt  }
0x48: {  	_ =	shalt  }
0x49: {  	_ =	shalt  }
0x4a: {  	_ =	shalt  }
0x4b: {  	_ =	shalt  }
0x4c: {  	_ =	shalt  }
0x4d: {  	_ =	shalt  }
0x4e: {  	_ =	shalt  }
0x4f: {  	_ =	shalt  }
0x50: {  	_ =	shalt  }
0x51: {  	_ =	shalt  }
0x52: {  	_ =	shalt  }
0x53: {  	_ =	shalt  }
0x54: {  	_ =	shalt  }
0x55: {  	_ =	shalt  }
0x56: {  	_ =	shalt  }
0x57: {  	_ =	shalt  }
0x58: {  	_ =	shalt  }
0x59: {  	_ =	shalt  }
0x5a: {  	_ =	shalt  }
0x5b: {  	_ =	shalt  }
0x5c: {  	_ =	shalt  }
0x5d: {  	_ =	shalt  }
0x5e: {  	_ =	shalt  }
0x5f: {  	_ =	shalt  }
0x60: {  	_ =	shalt  }
0x61: {  	_ =	shalt  }
0x62: {  	_ =	shalt  }
0x63: {  	_ =	shalt  }
0x64: {  	_ =	shalt  }
0x65: {  	_ =	shalt  }
0x66: {  	_ =	shalt  }
0x67: {  	_ =	shalt  }
0x68: {  	_ =	shalt  }
0x69: {  	_ =	shalt  }
0x6a: {  	_ =	shalt  }
0x6b: {  	_ =	shalt  }
0x6c: {  	_ =	shalt  }
0x6d: {  	_ =	shalt  }
0x6e: {  	_ =	shalt  }
0x6f: {  	_ =	shalt  }
0x70: {  	_ =	shalt  }
0x71: {  	_ =	shalt  }
0x72: {  	_ =	shalt  }
0x73: {  	_ =	shalt  }
0x74: {  	_ =	shalt  }
0x75: {  	_ =	shalt  }
0x76: {  	_ =	shalt  }
0x77: {  	_ =	shalt  }
0x78: {  	_ =	shalt  }
0x79: {  	_ =	shalt  }
0x7a: {  	_ =	shalt  }
0x7b: {  	_ =	shalt  }
0x7c: {  	_ =	shalt  }
0x7d: {  	_ =	shalt  }
0x7e: {  	_ =	shalt  }
0x7f: {  	_ =	shalt  }
0x80: {  	_ =	shalt  }
0x81: {  	_ =	shalt  }
0x82: {  	_ =	shalt  }
0x83: {  	_ =	shalt  }
0x84: {  	_ =	shalt  }
0x85: {  	_ =	shalt  }
0x86: {  	_ =	shalt  }
0x87: {  	_ =	shalt  }
.Lfunc_end0:
.L_simem_size_0:
called_computation_lowered:
.L_overlay_start_0:
0x88: {  	s2 =	sld [smem:$0x3FD9]  }
0x89: {  	s3 =	sld [smem:$0x3FFE];
	_ =	sdelay $0x1  }
0x8a: {  	s1 =	srdreg.scid  }
0x8b: {  	s0 =	sand.u32 $0x1, s1  }
0x8c: {  	s16 =	sshll.u32 s0, $0xA;
	s2 =	sadd.s32 s3, s2  }
0x8d: {  	s2 =	sadd.s32 s2, s16  }
0x8e: {  	[smem:$0x3FBE] =	sst s2  }
0x8f: {  	_ = 	snop  }
0x90: {  	(tm) =	ssettm $0x1  }
0x91: {  	s17 =	sld [smem:$0x3FFB];
	_ =	sdelay $0x3  }
0x92: {  	_ =	strace s17  }
0x93: {  	s2 =	sld [smem:$0x3FFC];
	_ =	sdelay $0x3  }
0x94: {  	_ =	strace s2  }
0x95: {  	s2 =	sld [smem:$0x3FFD];
	_ =	sdelay $0x3  }
0x96: {  	_ =	strace s2  }
0x97: {  	_ =	strace $0x8FFFFFFF  }
0x98: {  	s18 =	sld [smem:$0x3FDB];
	_ =	sdelay $0x1  }
0x99: {  	s19 =	simm.s32 $_scs_section_size  }
0x9a: {  	s4 =	simm.s32 $_size__tile_overlayer_lowered;
	s5 =	simm.s32 $_tile_overlayer_lowered  }
0x9b: {  	s22 =	simm.s32 $0x1BFF;
	s21 =	sshll.u32 s5, $0x1;
	s2 =	sadd.s32 s19, s18  }
0x9c: {  	s6 =	simm.s32 $0x0;
	s20 =	sshll.u32 s4, $0x1;
	s4 =	sadd.s32 s21, s2  }
0x9d: {  	[timem:s6], [sflag:s22] =	dma.local [hbm:s4], s20  }
0x9e: {  	_ =	swait.ge [sflag:s22], s20  }
0x9f: {  	s3 =	ssub.s32 $0x0, s20;
	[sflag:s22] =	ssyncset.done $0x0  }
0xa0: {  	[sflag:s22] =	ssyncadd.s32 s3;
	_ =	sdelay $0x1  }
0xa1: {  	s23 =	simm.s32 $0x1B8B  }
0xa2: {  	_ =	swait.ge [sflag:s23], $0x1  }
0xa3: {  	[sflag:s23] =	ssyncset.done $0x0  }
0xa4: {  	s25 =	simm.s32 $0x1B8E;
	s24 =	sld [smem:$0x3FFE];
	[sflag:s23] =	ssyncadd.s32 $0xFFFFFFFF  }
0xa5: {  	s26 =	simm.s32 $execute0_lowered;
	[smem:$0x3FD2] =	sst s25  }
0xa6: {  	s4 =	sshll.u32 s26, $0x1;
	_ =	strace $0x80000046;
	[dreg:$0x1] =	wrdreg $0xFFFFFFFF  }
0xa7: {  	s28 =	simm.s32 $_size_execute0_lowered;
	s2 =	sadd.s32 s2, s4;
	[dreg:$0x0] =	wrdreg $0x0  }
0xa8: {  	s4 =	sshll.u32 s28, $0x1;
	[dreg:$0x2] =	wrdreg s2  }
0xa9: {  	[dreg:$0x3] =	wrdreg s4  }
0xaa: {  	[dreg:$0x4] =	wrdreg $0xC0  }
0xab: {  	_ =	task [dreg:s6], $0x5FFFF  }
0xac: {  	[dreg:$0x1] =	wrdreg $0xFFFFFFFF  }
0xad: {  	[dreg:$0x0] =	wrdreg $0x60  }
0xae: {  	[dreg:$0x2] =	wrdreg s24  }
0xaf: {  	[dreg:$0x3] =	wrdreg $0x0  }
0xb0: {  	[dreg:$0x4] =	wrdreg $0xA0000  }
0xb1: {  	[dreg:$0x5] =	wrdreg $0x9  }
0xb2: {  	_ =	task.clear_ibuf [dreg:s6], $0x6FFFF;
	_ =	strace $0x90000046  }
0xb3: {  	s29 =	simm.s32 $0x9;
	_ =	strace $0x80000048  }
0xb4: {  	_ =	swait.ge [sflag:s29], $0x1  }
0xb5: {  	[sflag:s29] =	ssyncadd.s32 $0xFFFFFFFF  }
0xb6: {  	_ =	strace $0x90000048  }
0xb7: {  	_ =	sfence  }
0xb8: {  	s30 =	sld [smem:$0x0];
	_ =	sdelay $0x2  }
0xb9: {  	s31 =	sshll.u32 s1, $0xD;
	s1 =	sshrl.u32 s1, $0x2  }
0xba: {  	s3 =	sand.u32 $0x4000, s31;
	s1 =	sadd.s32 s1, s30  }
0xbb: {  	s0 =	sor.u32 s3, s0;
	s1 =	sshll.u32 s1, $0x11  }
0xbc: {  	s0 =	sor.u32 s1, s0  }
0xbd: {  	s0 =	sadd.s32 $0x8F2B, s0  }
0xbe: {  	[sflag:s0] =	ssyncadd.remote.s32 $0x1  }
0xbf: {  	_ =	sfence.sel $0xFFFF  }
0xc0: {  	[dreg:$0x0] =	wrdreg $0xFFFFFFFF;
	(pc) =	sbr.abs _section_cstart, $3  }
0xc1: {  	[dreg:$0x1] =	wrdreg $0xFFFFFFFF  }
0xc2: {  	_ =	task.clear_ibuf [dreg:s6], $0x2FFFF;
	_ =	strace $0x9FFFFFFF  }
0xc3: {  	(tm) =	ssettm $0x7FFFFFFF  }
tec
execute0_lowered:
.L_overlay_start_1:
0x0: {  	(tag) =	ssettag $0x1  }
0x1: {  	s0 =	rddreg [dreg:$0x0];
	s1 =	srdreg.scid  }
0x2: {  	s9 =	stileid.u32;
	s2 =	rddreg [dreg:$0x1]  }
0x3: {  	s3 =	rddreg [dreg:$0x2];
	s7 =	smul.u32 $0x280, s9  }
0x4: {  	s28 =	simm.s32 $0x1F540;
	s31 =	simm.s32 $0x50;
	s11 =	smul.u32 $0xA000, s9  }
0x5: {  	s1 =	sand.u32 $0x1, s1;
	s4 =	sshll.u32 s9, $0x1;
	s19 =	smul.u32 $0x2800, s9  }
0x6: {  	s29 =	simm.s32 $0x6;
	s5 =	sor.u32 s1, s4;
	s22 =	smul.u32 $0xA0000, s1  }
0x7: {  	s4 =	simm.s32 $0x0;
	s30 =	ssub.s32 $0x2, s1;
	s1 =	smul.u32 $0x28000, s1  }
0x8: {  	s14 =	sadd.s32 $0x3D000, s0;
	s5 =	smul.u32 $0x4E20, s5;
	[smem:$0x7FF] =	sst s4  }
0x9: {  	s8 =	sshrl.u32 s30, $0x1;
	s12 =	sadd.s32 $0xA0, s7;
	s10 =	sadd.s32 s11, s2  }
0xa: {  	s17 =	sadd.s32 $0x140, s7;
	s18 =	sadd.s32 $0x1E0, s7;
	s7 =	sadd.s32 s19, s3  }
0xb: {  	_ =	strace $0x80000047;
	s15 =	ssub.s32 s30, s8;
	[dreg:$0x4] =	wrdreg s10  }
0xc: {  	s16 =	sshll.u32 s12, $0x6;
	s20 =	sshll.u32 s17, $0x6;
	s21 =	sshll.u32 s18, $0x6  }
0xd: {  	s23 =	sshll.u32 s12, $0x4;
	s11 =	sadd.s32 s11, s22;
	s24 =	sshll.u32 s17, $0x4  }
0xe: {  	s18 =	sshll.u32 s18, $0x4;
	s6 =	sshrl.u32 s5, $0x3;
	s5 =	sadd.s32 $0x29600, s0  }
0xf: {  	s8 =	sadd.s32 s16, s2;
	s9 =	sadd.s32 s20, s2;
	s10 =	sadd.s32 s21, s2  }
0x10: {  	s25 =	sadd.s32 s23, s3;
	s26 =	sshrl.u32 s11, $0x3;
	s16 =	sadd.s32 s22, s16  }
0x11: {  	s20 =	sadd.s32 s22, s20;
	s21 =	sadd.s32 s22, s21;
	s12 =	sadd.s32 s24, s3  }
0x12: {  	s17 =	sadd.s32 s18, s3;
	s13 =	sadd.s32 s6, s0;
	s0 =	sadd.s32 $0x65000, s0  }
0x13: {  	[dreg:$0x10] =	wrdreg s25;
	s30 =	sadd.s32 s14, s26;
	s16 =	sshrl.u32 s16, $0x3  }
0x14: {  	s11 =	sshrl.u32 s20, $0x3;
	s22 =	sshrl.u32 s21, $0x3;
	s26 =	sadd.s32 s19, s1  }
0x15: {  	s19 =	simm.s32 $0x3;
	[dreg:$0x5] =	wrdreg s30;
	s16 =	sadd.s32 s14, s16  }
0x16: {  	s20 =	sadd.s32 s14, s11;
	s25 =	sadd.s32 s14, s22;
	[dreg:$0x6] =	wrdreg s16  }
0x17: {  	s30 =	sadd.s32 s1, s23;
	s11 =	sadd.s32 s1, s24;
	[dreg:$0x7] =	wrdreg s20  }
0x18: {  	s1 =	sadd.s32 s1, s18;
	s18 =	sadd.s32 $0x2400, s13;
	[dreg:$0x8] =	wrdreg s25  }
0x19: {  	s21 =	sshrl.u32 s26, $0x3;
	s14 =	simm.s32 $0x1A040;
	[dreg:$0x9] =	wrdreg s18  }
0x1a: {  	s20 =	sadd.s32 $0x15C80, s13;
	s22 =	sadd.s32 s0, s21;
	s23 =	sshrl.u32 s30, $0x3  }
0x1b: {  	s24 =	sshrl.u32 s11, $0x3;
	s1 =	sshrl.u32 s1, $0x3;
	s30 =	smax.u32 s15, $0x1  }
0x1c: {  	s13 =	simm.s32 $0x18C40;
	s15 =	simm.s32 $0x1B440;
	[dreg:$0xa] =	wrdreg s20  }
0x1d: {  	s16 =	simm.s32 $0x2;
	s18 =	simm.s32 $0x1F040;
	[dreg:$0xb] =	wrdreg s22  }
0x1e: {  	s21 =	simm.s32 $0x4;
	s25 =	sadd.s32 s0, s23;
	[dreg:$0xf] =	wrdreg s30  }
0x1f: {  	s26 =	sadd.s32 s0, s24;
	s0 =	sadd.s32 s0, s1;
	[dreg:$0xc] =	wrdreg s25  }
0x20: {  	s1 =	simm.s32 $0x16440;
	s20 =	simm.s32 $0x1;
	[dreg:$0xd] =	wrdreg s26  }
0x21: {  	s23 =	simm.s32 $0x5;
	s22 =	simm.s32 $0x0;
	[dreg:$0xe] =	wrdreg s0  }
0x22: {  	v0 =	vimm.f32 $0.0e+00;
	v1 =	vimm.f32 $1.000000000e+00;
	s25 =	simm.s32 $0x1C840;
	s26 =	simm.s32 $0x7;
	s0 =	simm.s32 $0x17840  }
.LBB2_1:
0x23: {  	s30 =	simm.s32 $0x100;
	s24 =	simm.s32 $0x0  }
.LBB2_2:
0x24: {  	p0 =	sne.s32 s30, $0x9F00;
	[tilespmem:s24+$0x1C870] =	vst v0;
	s6 =	smov.u32 s30;
	s30 =	sadd.s32 $0x100, s30  }
.Ltmp0:
0x25: {  	[tilespmem:s24+$0x1C860] =	vst v0;
	(pc) =	sbr.rel @p0 .LBB2_2-.Ltmp0, $3  }
0x26: {  	[tilespmem:s24+$0x1C840] =	vst v0  }
0x27: {  	[tilespmem:s24+$0x1C850] =	vst v0;
	_ =	sdelay $0x1  }
0x28: {  	s24 =	sshra.s32 s6, $0x2  }
0x29: {  	[tilespmem:s24+$0x1C870] =	vst v0  }
0x2a: {  	[tilespmem:s24+$0x1C860] =	vst v0  }
0x2b: {  	[tilespmem:s24+$0x1C840] =	vst v0  }
0x2c: {  	[tilespmem:s24+$0x1C850] =	vst v0;
	s6 =	rddreg [dreg:$0x4]  }
0x2d: {  	[spmem:s6] =	stream.linear.scatter [tilespmem:s25], [sflag:$0x7], $0x2800, $0x38;
	[tilespmem:$0x1FF40] =	vst v63  }
0x2e: {  	_ =	swait.ge [sflag:s26], $0x2800  }
0x2f: {  	[sflag:s26] =	ssyncset.done $0x0  }
0x30: {  	[sflag:s26] =	ssyncadd.s32 $0xFFFFD800  }
0x31: {  	[spmem:s8] =	stream.linear.scatter [tilespmem:s25], [sflag:$0x7], $0x2800, $0x38;
	[tilespmem:$0x1FF40] =	vst v63  }
0x32: {  	_ =	swait.ge [sflag:s26], $0x2800  }
0x33: {  	[sflag:s26] =	ssyncset.done $0x0  }
0x34: {  	[sflag:s26] =	ssyncadd.s32 $0xFFFFD800  }
0x35: {  	[spmem:s9] =	stream.linear.scatter [tilespmem:s25], [sflag:$0x7], $0x2800, $0x38;
	[tilespmem:$0x1FF40] =	vst v63  }
0x36: {  	_ =	swait.ge [sflag:s26], $0x2800  }
0x37: {  	[sflag:s26] =	ssyncset.done $0x0  }
0x38: {  	[sflag:s26] =	ssyncadd.s32 $0xFFFFD800  }
0x39: {  	[spmem:s10] =	stream.linear.scatter [tilespmem:s25], [sflag:$0x7], $0x2800, $0x38;
	[tilespmem:$0x1FF40] =	vst v63  }
0x3a: {  	_ =	swait.ge [sflag:s26], $0x2800  }
0x3b: {  	[sflag:s26] =	ssyncset.done $0x0  }
0x3c: {  	s24 =	simm.s32 $0x40;
	s30 =	simm.s32 $0x0;
	[sflag:s26] =	ssyncadd.s32 $0xFFFFD800  }
.LBB2_4:
0x3d: {  	p0 =	sne.s32 s24, $0x27C0;
	[tilespmem:s30+$0x1F540] =	vst v0;
	s6 =	smov.u32 s24;
	s24 =	sadd.s32 $0x40, s24  }
.Ltmp1:
0x3e: {  	(pc) =	sbr.rel @p0 .LBB2_4-.Ltmp1, $2  }
0x3f: {  	_ =	sdelay $0x2  }
0x40: {  	s30 =	sshra.s32 s6, $0x2  }
0x41: {  	[tilespmem:s30+$0x1F540] =	vst v0;
	s24 =	simm.s32 $0x40;
	s30 =	simm.s32 $0x0  }
.LBB2_6:
0x42: {  	p0 =	sne.s32 s24, $0x13C0;
	[tilespmem:s30+$0x1F040] =	vst v1;
	s6 =	smov.u32 s24;
	s24 =	sadd.s32 $0x40, s24  }
.Ltmp2:
0x43: {  	(pc) =	sbr.rel @p0 .LBB2_6-.Ltmp2, $2  }
0x44: {  	_ =	sdelay $0x2  }
0x45: {  	s30 =	sshra.s32 s6, $0x2  }
0x46: {  	[tilespmem:s30+$0x1F040] =	vst v1  }
0x47: {  	[spmem:s7] =	stream.linear.scatter [tilespmem:s28], [sflag:$0x7], $0xA00, $0x38;
	[tilespmem:$0x1FF40] =	vst v63  }
0x48: {  	_ =	swait.ge [sflag:s26], $0xA00  }
0x49: {  	[sflag:s26] =	ssyncset.done $0x0  }
0x4a: {  	s6 =	rddreg [dreg:$0x10];
	[sflag:s26] =	ssyncadd.s32 $0xFFFFF600  }
0x4b: {  	[spmem:s6] =	stream.linear.scatter [tilespmem:s28], [sflag:$0x7], $0xA00, $0x38;
	[tilespmem:$0x1FF40] =	vst v63  }
0x4c: {  	_ =	swait.ge [sflag:s26], $0xA00  }
0x4d: {  	[sflag:s26] =	ssyncset.done $0x0  }
0x4e: {  	[sflag:s26] =	ssyncadd.s32 $0xFFFFF600  }
0x4f: {  	[spmem:s12] =	stream.linear.scatter [tilespmem:s28], [sflag:$0x7], $0xA00, $0x38;
	[tilespmem:$0x1FF40] =	vst v63  }
0x50: {  	_ =	swait.ge [sflag:s26], $0xA00  }
0x51: {  	[sflag:s26] =	ssyncset.done $0x0  }
0x52: {  	[sflag:s26] =	ssyncadd.s32 $0xFFFFF600  }
0x53: {  	[spmem:s17] =	stream.linear.scatter [tilespmem:s28], [sflag:$0x7], $0xA00, $0x38;
	[tilespmem:$0x1FF40] =	vst v63  }
0x54: {  	_ =	swait.ge [sflag:s26], $0xA00  }
0x55: {  	s30 =	simm.s32 $0xC800;
	[sflag:s26] =	ssyncset.done $0x0  }
0x56: {  	s6 =	simm.s32 $0x0;
	s24 =	rddreg [dreg:$0x9];
	[sflag:s26] =	ssyncadd.s32 $0xFFFFF600  }
0x57: {  	[tilespmem:s30], [sflag:$0x7] =	stream.linear.gather [hbm4b:s24+s6], $0x4E20, $0x38;
	[tilespmem:$0x1FF40] =	vst v63  }
0x58: {  	_ =	swait.ge [sflag:s26], $0x4E20  }
0x59: {  	s11 =	smov.u32 s7;
	[sflag:s26] =	ssyncset.done $0x0  }
0x5a: {  	s7 =	simm.s32 $0x11620;
	s24 =	rddreg [dreg:$0xa];
	[sflag:s26] =	ssyncadd.s32 $0xFFFFB1E0  }
0x5b: {  	[tilespmem:s7], [sflag:$0x7] =	stream.linear.gather [hbm4b:s24+s6], $0x4E20, $0x38;
	[tilespmem:$0x1FF40] =	vst v63  }
0x5c: {  	_ =	swait.ge [sflag:s26], $0x4E20  }
0x5d: {  	[sflag:s26] =	ssyncset.done $0x0  }
0x5e: {  	[sflag:s26] =	ssyncadd.s32 $0xFFFFB1E0  }
0x5f: {  	[bflag:$0x0] =	sbarrier.arrive $0xFFFF  }
0x60: {  	[tilespmem:s1], [sflag:$0x2] =	stream.indirect.gather [hbm4b:s5+s31], $0x40, s30, s31, $0xb8;
	[tilespmem:$0x1FF40] =	vst v63  }
0x61: {  	s24 =	simm.s32 $0xC850  }
0x62: {  	[tilespmem:s0], [sflag:$0x3] =	stream.indirect.gather [hbm4b:s5+s31], $0x40, s24, s31, $0xb8;
	[tilespmem:$0x1FF40] =	vst v63  }
0x63: {  	s24 =	simm.s32 $0xC8A0  }
0x64: {  	[tilespmem:s13], [sflag:$0x4] =	stream.indirect.gather [hbm4b:s5+s31], $0x40, s24, s31, $0xb8;
	[tilespmem:$0x1FF40] =	vst v63  }
0x65: {  	s24 =	simm.s32 $0xC8F0  }
0x66: {  	[tilespmem:s14], [sflag:$0x5] =	stream.indirect.gather [hbm4b:s5+s31], $0x40, s24, s31, $0xb8;
	[tilespmem:$0x1FF40] =	vst v63  }
0x67: {  	s24 =	simm.s32 $0xC940  }
0x68: {  	[tilespmem:s15], [sflag:$0x6] =	stream.indirect.gather [hbm4b:s5+s31], $0x40, s24, s31, $0xb8;
	[tilespmem:$0x1FF40] =	vst v63  }
0x69: {  	_ =	swait.ge [sflag:s16], $0x1400  }
0x6a: {  	[sflag:s16] =	ssyncset.done $0x0  }
0x6b: {  	[sflag:s16] =	ssyncadd.s32 $0xFFFFEC00  }
0x6c: {  	[spmem:s3] =	stream.indirect.scatter.add.f32 [tilespmem:s18], [sflag:$0x1], $0x10, s7, s31, $0xb8;
	[tilespmem:$0x1FF40] =	vst v63  }
0x6d: {  	_ = 	snop  }
0x6e: {  	[spmem:s2] =	stream.indirect.scatter.add.f32 [tilespmem:s1], [sflag:$0x7], $0x40, s7, s31, $0xb8;
	[tilespmem:$0x1FF40] =	vst v63  }
0x6f: {  	_ =	swait.ge [sflag:s26], $0x1400  }
0x70: {  	[sflag:s26] =	ssyncset.done $0x0  }
0x71: {  	s7 =	simm.s32 $0xC990;
	[sflag:s26] =	ssyncadd.s32 $0xFFFFEC00  }
0x72: {  	[tilespmem:s1], [sflag:$0x2] =	stream.indirect.gather [hbm4b:s5+s31], $0x40, s7, s31, $0xb8;
	[tilespmem:$0x1FF40] =	vst v63  }
0x73: {  	_ =	swait.ge [sflag:s19], $0x1400  }
0x74: {  	[sflag:s19] =	ssyncset.done $0x0  }
0x75: {  	[sflag:s19] =	ssyncadd.s32 $0xFFFFEC00  }
0x76: {  	_ =	swait.ge [sflag:s20], $0x500  }
0x77: {  	[sflag:s20] =	ssyncset.done $0x0  }
0x78: {  	s24 =	simm.s32 $0x11670;
	[sflag:s20] =	ssyncadd.s32 $0xFFFFFB00  }
0x79: {  	[spmem:s3] =	stream.indirect.scatter.add.f32 [tilespmem:s18], [sflag:$0x1], $0x10, s24, s31, $0xb8;
	[tilespmem:$0x1FF40] =	vst v63  }
0x7a: {  	_ = 	snop  }
0x7b: {  	[spmem:s2] =	stream.indirect.scatter.add.f32 [tilespmem:s0], [sflag:$0x7], $0x40, s24, s31, $0xb8;
	[tilespmem:$0x1FF40] =	vst v63  }
0x7c: {  	_ =	swait.ge [sflag:s26], $0x1400  }
0x7d: {  	[sflag:s26] =	ssyncset.done $0x0  }
0x7e: {  	s7 =	simm.s32 $0xC9E0;
	[sflag:s26] =	ssyncadd.s32 $0xFFFFEC00  }
0x7f: {  	[tilespmem:s0], [sflag:$0x3] =	stream.indirect.gather [hbm4b:s5+s31], $0x40, s7, s31, $0xb8;
	[tilespmem:$0x1FF40] =	vst v63  }
0x80: {  	_ =	swait.ge [sflag:s21], $0x1400  }
0x81: {  	[sflag:s21] =	ssyncset.done $0x0  }
0x82: {  	[sflag:s21] =	ssyncadd.s32 $0xFFFFEC00  }
0x83: {  	_ =	swait.ge [sflag:s20], $0x500  }
0x84: {  	[sflag:s20] =	ssyncset.done $0x0  }
0x85: {  	s24 =	simm.s32 $0x116C0;
	[sflag:s20] =	ssyncadd.s32 $0xFFFFFB00  }
0x86: {  	[spmem:s3] =	stream.indirect.scatter.add.f32 [tilespmem:s18], [sflag:$0x1], $0x10, s24, s31, $0xb8;
	[tilespmem:$0x1FF40] =	vst v63  }
0x87: {  	_ = 	snop  }
0x88: {  	[spmem:s2] =	stream.indirect.scatter.add.f32 [tilespmem:s13], [sflag:$0x7], $0x40, s24, s31, $0xb8;
	[tilespmem:$0x1FF40] =	vst v63  }
0x89: {  	_ =	swait.ge [sflag:s26], $0x1400  }
0x8a: {  	[sflag:s26] =	ssyncset.done $0x0  }
0x8b: {  	s7 =	simm.s32 $0xCA30;
	[sflag:s26] =	ssyncadd.s32 $0xFFFFEC00  }
0x8c: {  	[tilespmem:s13], [sflag:$0x4] =	stream.indirect.gather [hbm4b:s5+s31], $0x40, s7, s31, $0xb8;
	[tilespmem:$0x1FF40] =	vst v63  }
0x8d: {  	_ =	swait.ge [sflag:s23], $0x1400  }
0x8e: {  	[sflag:s23] =	ssyncset.done $0x0  }
0x8f: {  	[sflag:s23] =	ssyncadd.s32 $0xFFFFEC00  }
0x90: {  	_ =	swait.ge [sflag:s20], $0x500  }
0x91: {  	[sflag:s20] =	ssyncset.done $0x0  }
0x92: {  	s24 =	simm.s32 $0x11710;
	[sflag:s20] =	ssyncadd.s32 $0xFFFFFB00  }
0x93: {  	[spmem:s3] =	stream.indirect.scatter.add.f32 [tilespmem:s18], [sflag:$0x1], $0x10, s24, s31, $0xb8;
	[tilespmem:$0x1FF40] =	vst v63  }
0x94: {  	_ = 	snop  }
0x95: {  	[spmem:s2] =	stream.indirect.scatter.add.f32 [tilespmem:s14], [sflag:$0x7], $0x40, s24, s31, $0xb8;
	[tilespmem:$0x1FF40] =	vst v63  }
0x96: {  	_ =	swait.ge [sflag:s26], $0x1400  }
0x97: {  	[sflag:s26] =	ssyncset.done $0x0  }
0x98: {  	s7 =	simm.s32 $0xCA80;
	[sflag:s26] =	ssyncadd.s32 $0xFFFFEC00  }
0x99: {  	[tilespmem:s14], [sflag:$0x5] =	stream.indirect.gather [hbm4b:s5+s31], $0x40, s7, s31, $0xb8;
	[tilespmem:$0x1FF40] =	vst v63  }
0x9a: {  	_ =	swait.ge [sflag:s29], $0x1400  }
0x9b: {  	[sflag:s29] =	ssyncset.done $0x0  }
0x9c: {  	[sflag:s29] =	ssyncadd.s32 $0xFFFFEC00  }
0x9d: {  	_ =	swait.ge [sflag:s20], $0x500  }
0x9e: {  	[sflag:s20] =	ssyncset.done $0x0  }
0x9f: {  	s24 =	simm.s32 $0x11760;
	[sflag:s20] =	ssyncadd.s32 $0xFFFFFB00  }
0xa0: {  	[spmem:s3] =	stream.indirect.scatter.add.f32 [tilespmem:s18], [sflag:$0x1], $0x10, s24, s31, $0xb8;
	[tilespmem:$0x1FF40] =	vst v63  }
0xa1: {  	_ = 	snop  }
0xa2: {  	[spmem:s2] =	stream.indirect.scatter.add.f32 [tilespmem:s15], [sflag:$0x7], $0x40, s24, s31, $0xb8;
	[tilespmem:$0x1FF40] =	vst v63  }
0xa3: {  	_ =	swait.ge [sflag:s26], $0x1400  }
0xa4: {  	[sflag:s26] =	ssyncset.done $0x0  }
0xa5: {  	s7 =	simm.s32 $0xCAD0;
	[sflag:s26] =	ssyncadd.s32 $0xFFFFEC00  }
0xa6: {  	[tilespmem:s15], [sflag:$0x6] =	stream.indirect.gather [hbm4b:s5+s31], $0x40, s7, s31, $0xb8;
	[tilespmem:$0x1FF40] =	vst v63  }
0xa7: {  	_ =	swait.ge [sflag:s16], $0x1400  }
0xa8: {  	[sflag:s16] =	ssyncset.done $0x0  }
0xa9: {  	[sflag:s16] =	ssyncadd.s32 $0xFFFFEC00  }
0xaa: {  	_ =	swait.ge [sflag:s20], $0x500  }
0xab: {  	[sflag:s20] =	ssyncset.done $0x0  }
0xac: {  	s24 =	simm.s32 $0x117B0;
	[sflag:s20] =	ssyncadd.s32 $0xFFFFFB00  }
0xad: {  	[spmem:s3] =	stream.indirect.scatter.add.f32 [tilespmem:s18], [sflag:$0x1], $0x10, s24, s31, $0xb8;
	[tilespmem:$0x1FF40] =	vst v63  }
0xae: {  	_ = 	snop  }
0xaf: {  	[spmem:s2] =	stream.indirect.scatter.add.f32 [tilespmem:s1], [sflag:$0x7], $0x40, s24, s31, $0xb8;
	[tilespmem:$0x1FF40] =	vst v63  }
0xb0: {  	_ =	swait.ge [sflag:s26], $0x1400  }
0xb1: {  	[sflag:s26] =	ssyncset.done $0x0  }
0xb2: {  	s7 =	simm.s32 $0xCB20;
	[sflag:s26] =	ssyncadd.s32 $0xFFFFEC00  }
0xb3: {  	[tilespmem:s1], [sflag:$0x2] =	stream.indirect.gather [hbm4b:s5+s31], $0x40, s7, s31, $0xb8;
	[tilespmem:$0x1FF40] =	vst v63  }
0xb4: {  	_ =	swait.ge [sflag:s19], $0x1400  }
0xb5: {  	[sflag:s19] =	ssyncset.done $0x0  }
0xb6: {  	[sflag:s19] =	ssyncadd.s32 $0xFFFFEC00  }
0xb7: {  	_ =	swait.ge [sflag:s20], $0x500  }
0xb8: {  	[sflag:s20] =	ssyncset.done $0x0  }
0xb9: {  	s24 =	simm.s32 $0x11800;
	[sflag:s20] =	ssyncadd.s32 $0xFFFFFB00  }
0xba: {  	[spmem:s3] =	stream.indirect.scatter.add.f32 [tilespmem:s18], [sflag:$0x1], $0x10, s24, s31, $0xb8;
	[tilespmem:$0x1FF40] =	vst v63  }
0xbb: {  	_ = 	snop  }
0xbc: {  	[spmem:s2] =	stream.indirect.scatter.add.f32 [tilespmem:s0], [sflag:$0x7], $0x40, s24, s31, $0xb8;
	[tilespmem:$0x1FF40] =	vst v63  }
0xbd: {  	_ =	swait.ge [sflag:s26], $0x1400  }
0xbe: {  	[sflag:s26] =	ssyncset.done $0x0  }
0xbf: {  	s7 =	simm.s32 $0xCB70;
	[sflag:s26] =	ssyncadd.s32 $0xFFFFEC00  }
0xc0: {  	[tilespmem:s0], [sflag:$0x3] =	stream.indirect.gather [hbm4b:s5+s31], $0x40, s7, s31, $0xb8;
	[tilespmem:$0x1FF40] =	vst v63  }
0xc1: {  	_ =	swait.ge [sflag:s21], $0x1400  }
0xc2: {  	[sflag:s21] =	ssyncset.done $0x0  }
0xc3: {  	[sflag:s21] =	ssyncadd.s32 $0xFFFFEC00  }
0xc4: {  	_ =	swait.ge [sflag:s20], $0x500  }
0xc5: {  	[sflag:s20] =	ssyncset.done $0x0  }
0xc6: {  	s24 =	simm.s32 $0x11850;
	[sflag:s20] =	ssyncadd.s32 $0xFFFFFB00  }
0xc7: {  	[spmem:s3] =	stream.indirect.scatter.add.f32 [tilespmem:s18], [sflag:$0x1], $0x10, s24, s31, $0xb8;
	[tilespmem:$0x1FF40] =	vst v63  }
0xc8: {  	_ = 	snop  }
0xc9: {  	[spmem:s2] =	stream.indirect.scatter.add.f32 [tilespmem:s13], [sflag:$0x7], $0x40, s24, s31, $0xb8;
	[tilespmem:$0x1FF40] =	vst v63  }
0xca: {  	_ =	swait.ge [sflag:s26], $0x1400  }
0xcb: {  	[sflag:s26] =	ssyncset.done $0x0  }
0xcc: {  	s7 =	simm.s32 $0xCBC0;
	[sflag:s26] =	ssyncadd.s32 $0xFFFFEC00  }
0xcd: {  	[tilespmem:s13], [sflag:$0x4] =	stream.indirect.gather [hbm4b:s5+s31], $0x40, s7, s31, $0xb8;
	[tilespmem:$0x1FF40] =	vst v63  }
0xce: {  	_ =	swait.ge [sflag:s23], $0x1400  }
0xcf: {  	[sflag:s23] =	ssyncset.done $0x0  }
0xd0: {  	[sflag:s23] =	ssyncadd.s32 $0xFFFFEC00  }
0xd1: {  	_ =	swait.ge [sflag:s20], $0x500  }
0xd2: {  	[sflag:s20] =	ssyncset.done $0x0  }
0xd3: {  	s24 =	simm.s32 $0x118A0;
	[sflag:s20] =	ssyncadd.s32 $0xFFFFFB00  }
0xd4: {  	[spmem:s3] =	stream.indirect.scatter.add.f32 [tilespmem:s18], [sflag:$0x1], $0x10, s24, s31, $0xb8;
	[tilespmem:$0x1FF40] =	vst v63  }
0xd5: {  	_ = 	snop  }
0xd6: {  	[spmem:s2] =	stream.indirect.scatter.add.f32 [tilespmem:s14], [sflag:$0x7], $0x40, s24, s31, $0xb8;
	[tilespmem:$0x1FF40] =	vst v63  }
0xd7: {  	_ =	swait.ge [sflag:s26], $0x1400  }
0xd8: {  	[sflag:s26] =	ssyncset.done $0x0  }
0xd9: {  	s7 =	simm.s32 $0xCC10;
	[sflag:s26] =	ssyncadd.s32 $0xFFFFEC00  }
0xda: {  	[tilespmem:s14], [sflag:$0x5] =	stream.indirect.gather [hbm4b:s5+s31], $0x40, s7, s31, $0xb8;
	[tilespmem:$0x1FF40] =	vst v63  }
0xdb: {  	_ =	swait.ge [sflag:s29], $0x1400  }
0xdc: {  	[sflag:s29] =	ssyncset.done $0x0  }
0xdd: {  	[sflag:s29] =	ssyncadd.s32 $0xFFFFEC00  }
0xde: {  	_ =	swait.ge [sflag:s20], $0x500  }
0xdf: {  	[sflag:s20] =	ssyncset.done $0x0  }
0xe0: {  	s24 =	simm.s32 $0x118F0;
	[sflag:s20] =	ssyncadd.s32 $0xFFFFFB00  }
0xe1: {  	[spmem:s3] =	stream.indirect.scatter.add.f32 [tilespmem:s18], [sflag:$0x1], $0x10, s24, s31, $0xb8;
	[tilespmem:$0x1FF40] =	vst v63  }
0xe2: {  	_ = 	snop  }
0xe3: {  	[spmem:s2] =	stream.indirect.scatter.add.f32 [tilespmem:s15], [sflag:$0x7], $0x40, s24, s31, $0xb8;
	[tilespmem:$0x1FF40] =	vst v63  }
0xe4: {  	_ =	swait.ge [sflag:s26], $0x1400  }
0xe5: {  	[sflag:s26] =	ssyncset.done $0x0  }
0xe6: {  	s30 =	simm.s32 $0xCC60;
	s24 =	simm.s32 $0x640;
	[sflag:s26] =	ssyncadd.s32 $0xFFFFEC00  }
.LBB2_8:
0xe7: {  	[tilespmem:s15], [sflag:$0x6] =	stream.indirect.gather [hbm4b:s5+s31], $0x40, s30, s31, $0xb8;
	[tilespmem:$0x1FF40] =	vst v63  }
0xe8: {  	s6 =	smov.u32 s24  }
0xe9: {  	p0 =	sne.s32 s24, $0x125C0;
	s24 =	sadd.s32 $0x640, s24;
	_ =	swait.ge [sflag:s16], $0x1400  }
0xea: {  	[sflag:s16] =	ssyncset.done $0x0  }
0xeb: {  	[sflag:s16] =	ssyncadd.s32 $0xFFFFEC00  }
0xec: {  	_ =	swait.ge [sflag:s20], $0x500  }
0xed: {  	s30 =	sshra.s32 s6, $0x2;
	[sflag:s20] =	ssyncset.done $0x0  }
0xee: {  	s6 =	sadd.s32 $0x117B0, s30;
	[sflag:s20] =	ssyncadd.s32 $0xFFFFFB00  }
0xef: {  	[spmem:s3] =	stream.indirect.scatter.add.f32 [tilespmem:s18], [sflag:$0x1], $0x10, s6, s31, $0xb8;
	[tilespmem:$0x1FF40] =	vst v63  }
0xf0: {  	_ = 	snop  }
0xf1: {  	[spmem:s2] =	stream.indirect.scatter.add.f32 [tilespmem:s1], [sflag:$0x7], $0x40, s6, s31, $0xb8;
	[tilespmem:$0x1FF40] =	vst v63  }
0xf2: {  	_ =	swait.ge [sflag:s26], $0x1400  }
0xf3: {  	[sflag:s26] =	ssyncset.done $0x0  }
0xf4: {  	s6 =	sadd.s32 $0xCB20, s30;
	[sflag:s26] =	ssyncadd.s32 $0xFFFFEC00  }
0xf5: {  	[tilespmem:s1], [sflag:$0x2] =	stream.indirect.gather [hbm4b:s5+s31], $0x40, s6, s31, $0xb8;
	[tilespmem:$0x1FF40] =	vst v63  }
0xf6: {  	_ =	swait.ge [sflag:s19], $0x1400  }
0xf7: {  	[sflag:s19] =	ssyncset.done $0x0  }
0xf8: {  	[sflag:s19] =	ssyncadd.s32 $0xFFFFEC00  }
0xf9: {  	_ =	swait.ge [sflag:s20], $0x500  }
0xfa: {  	[sflag:s20] =	ssyncset.done $0x0  }
0xfb: {  	s6 =	sadd.s32 $0x11800, s30;
	[sflag:s20] =	ssyncadd.s32 $0xFFFFFB00  }
0xfc: {  	[spmem:s3] =	stream.indirect.scatter.add.f32 [tilespmem:s18], [sflag:$0x1], $0x10, s6, s31, $0xb8;
	[tilespmem:$0x1FF40] =	vst v63  }
0xfd: {  	_ = 	snop  }
0xfe: {  	[spmem:s2] =	stream.indirect.scatter.add.f32 [tilespmem:s0], [sflag:$0x7], $0x40, s6, s31, $0xb8;
	[tilespmem:$0x1FF40] =	vst v63  }
0xff: {  	_ =	swait.ge [sflag:s26], $0x1400  }
0x100: {  	[sflag:s26] =	ssyncset.done $0x0  }
0x101: {  	s6 =	sadd.s32 $0xCB70, s30;
	[sflag:s26] =	ssyncadd.s32 $0xFFFFEC00  }
0x102: {  	[tilespmem:s0], [sflag:$0x3] =	stream.indirect.gather [hbm4b:s5+s31], $0x40, s6, s31, $0xb8;
	[tilespmem:$0x1FF40] =	vst v63  }
0x103: {  	_ =	swait.ge [sflag:s21], $0x1400  }
0x104: {  	[sflag:s21] =	ssyncset.done $0x0  }
0x105: {  	[sflag:s21] =	ssyncadd.s32 $0xFFFFEC00  }
0x106: {  	_ =	swait.ge [sflag:s20], $0x500  }
0x107: {  	[sflag:s20] =	ssyncset.done $0x0  }
0x108: {  	s6 =	sadd.s32 $0x11850, s30;
	[sflag:s20] =	ssyncadd.s32 $0xFFFFFB00  }
0x109: {  	[spmem:s3] =	stream.indirect.scatter.add.f32 [tilespmem:s18], [sflag:$0x1], $0x10, s6, s31, $0xb8;
	[tilespmem:$0x1FF40] =	vst v63  }
0x10a: {  	_ = 	snop  }
0x10b: {  	[spmem:s2] =	stream.indirect.scatter.add.f32 [tilespmem:s13], [sflag:$0x7], $0x40, s6, s31, $0xb8;
	[tilespmem:$0x1FF40] =	vst v63  }
0x10c: {  	_ =	swait.ge [sflag:s26], $0x1400  }
0x10d: {  	[sflag:s26] =	ssyncset.done $0x0  }
0x10e: {  	s6 =	sadd.s32 $0xCBC0, s30;
	[sflag:s26] =	ssyncadd.s32 $0xFFFFEC00  }
0x10f: {  	[tilespmem:s13], [sflag:$0x4] =	stream.indirect.gather [hbm4b:s5+s31], $0x40, s6, s31, $0xb8;
	[tilespmem:$0x1FF40] =	vst v63  }
0x110: {  	_ =	swait.ge [sflag:s23], $0x1400  }
0x111: {  	[sflag:s23] =	ssyncset.done $0x0  }
0x112: {  	[sflag:s23] =	ssyncadd.s32 $0xFFFFEC00  }
0x113: {  	_ =	swait.ge [sflag:s20], $0x500  }
0x114: {  	[sflag:s20] =	ssyncset.done $0x0  }
0x115: {  	s6 =	sadd.s32 $0x118A0, s30;
	[sflag:s20] =	ssyncadd.s32 $0xFFFFFB00  }
0x116: {  	[spmem:s3] =	stream.indirect.scatter.add.f32 [tilespmem:s18], [sflag:$0x1], $0x10, s6, s31, $0xb8;
	[tilespmem:$0x1FF40] =	vst v63  }
0x117: {  	_ = 	snop  }
0x118: {  	[spmem:s2] =	stream.indirect.scatter.add.f32 [tilespmem:s14], [sflag:$0x7], $0x40, s6, s31, $0xb8;
	[tilespmem:$0x1FF40] =	vst v63  }
0x119: {  	_ =	swait.ge [sflag:s26], $0x1400  }
0x11a: {  	[sflag:s26] =	ssyncset.done $0x0  }
0x11b: {  	s6 =	sadd.s32 $0xCC10, s30;
	[sflag:s26] =	ssyncadd.s32 $0xFFFFEC00  }
0x11c: {  	[tilespmem:s14], [sflag:$0x5] =	stream.indirect.gather [hbm4b:s5+s31], $0x40, s6, s31, $0xb8;
	[tilespmem:$0x1FF40] =	vst v63  }
0x11d: {  	_ =	swait.ge [sflag:s29], $0x1400  }
0x11e: {  	[sflag:s29] =	ssyncset.done $0x0  }
0x11f: {  	[sflag:s29] =	ssyncadd.s32 $0xFFFFEC00  }
0x120: {  	_ =	swait.ge [sflag:s20], $0x500  }
0x121: {  	[sflag:s20] =	ssyncset.done $0x0  }
0x122: {  	s6 =	sadd.s32 $0x118F0, s30;
	[sflag:s20] =	ssyncadd.s32 $0xFFFFFB00  }
0x123: {  	[spmem:s3] =	stream.indirect.scatter.add.f32 [tilespmem:s18], [sflag:$0x1], $0x10, s6, s31, $0xb8;
	[tilespmem:$0x1FF40] =	vst v63  }
.Ltmp3:
0x124: {  	(pc) =	sbr.rel @p0 .LBB2_8-.Ltmp3, $4  }
0x125: {  	[spmem:s2] =	stream.indirect.scatter.add.f32 [tilespmem:s15], [sflag:$0x7], $0x40, s6, s31, $0xb8;
	[tilespmem:$0x1FF40] =	vst v63  }
0x126: {  	_ =	swait.ge [sflag:s26], $0x1400  }
0x127: {  	[sflag:s26] =	ssyncset.done $0x0  }
0x128: {  	s30 =	sadd.s32 $0xCC60, s30;
	[sflag:s26] =	ssyncadd.s32 $0xFFFFEC00  }
0x129: {  	[tilespmem:s15], [sflag:$0x6] =	stream.indirect.gather [hbm4b:s5+s31], $0x40, s30, s31, $0xb8;
	[tilespmem:$0x1FF40] =	vst v63  }
0x12a: {  	_ =	swait.ge [sflag:s16], $0x1400  }
0x12b: {  	[sflag:s16] =	ssyncset.done $0x0  }
0x12c: {  	[sflag:s16] =	ssyncadd.s32 $0xFFFFEC00  }
0x12d: {  	_ =	swait.ge [sflag:s20], $0x500  }
0x12e: {  	[sflag:s20] =	ssyncset.done $0x0  }
0x12f: {  	s6 =	simm.s32 $0x162B0;
	[sflag:s20] =	ssyncadd.s32 $0xFFFFFB00  }
0x130: {  	[spmem:s3] =	stream.indirect.scatter.add.f32 [tilespmem:s18], [sflag:$0x1], $0x10, s6, s31, $0xb8;
	[tilespmem:$0x1FF40] =	vst v63  }
0x131: {  	_ = 	snop  }
0x132: {  	[spmem:s2] =	stream.indirect.scatter.add.f32 [tilespmem:s1], [sflag:$0x7], $0x40, s6, s31, $0xb8;
	[tilespmem:$0x1FF40] =	vst v63  }
0x133: {  	_ =	swait.ge [sflag:s26], $0x1400  }
0x134: {  	[sflag:s26] =	ssyncset.done $0x0  }
0x135: {  	[sflag:s26] =	ssyncadd.s32 $0xFFFFEC00  }
0x136: {  	_ =	swait.ge [sflag:s19], $0x1400  }
0x137: {  	[sflag:s19] =	ssyncset.done $0x0  }
0x138: {  	[sflag:s19] =	ssyncadd.s32 $0xFFFFEC00  }
0x139: {  	_ =	swait.ge [sflag:s20], $0x500  }
0x13a: {  	[sflag:s20] =	ssyncset.done $0x0  }
0x13b: {  	s24 =	simm.s32 $0x16300;
	[sflag:s20] =	ssyncadd.s32 $0xFFFFFB00  }
0x13c: {  	[spmem:s3] =	stream.indirect.scatter.add.f32 [tilespmem:s18], [sflag:$0x1], $0x10, s24, s31, $0xb8;
	[tilespmem:$0x1FF40] =	vst v63  }
0x13d: {  	_ = 	snop  }
0x13e: {  	[spmem:s2] =	stream.indirect.scatter.add.f32 [tilespmem:s0], [sflag:$0x7], $0x40, s24, s31, $0xb8;
	[tilespmem:$0x1FF40] =	vst v63  }
0x13f: {  	_ =	swait.ge [sflag:s26], $0x1400  }
0x140: {  	[sflag:s26] =	ssyncset.done $0x0  }
0x141: {  	[sflag:s26] =	ssyncadd.s32 $0xFFFFEC00  }
0x142: {  	_ =	swait.ge [sflag:s21], $0x1400  }
0x143: {  	[sflag:s21] =	ssyncset.done $0x0  }
0x144: {  	[sflag:s21] =	ssyncadd.s32 $0xFFFFEC00  }
0x145: {  	_ =	swait.ge [sflag:s20], $0x500  }
0x146: {  	[sflag:s20] =	ssyncset.done $0x0  }
0x147: {  	s30 =	simm.s32 $0x16350;
	[sflag:s20] =	ssyncadd.s32 $0xFFFFFB00  }
0x148: {  	[spmem:s3] =	stream.indirect.scatter.add.f32 [tilespmem:s18], [sflag:$0x1], $0x10, s30, s31, $0xb8;
	[tilespmem:$0x1FF40] =	vst v63  }
0x149: {  	_ = 	snop  }
0x14a: {  	[spmem:s2] =	stream.indirect.scatter.add.f32 [tilespmem:s13], [sflag:$0x7], $0x40, s30, s31, $0xb8;
	[tilespmem:$0x1FF40] =	vst v63  }
0x14b: {  	_ =	swait.ge [sflag:s26], $0x1400  }
0x14c: {  	[sflag:s26] =	ssyncset.done $0x0  }
0x14d: {  	[sflag:s26] =	ssyncadd.s32 $0xFFFFEC00  }
0x14e: {  	_ =	swait.ge [sflag:s23], $0x1400  }
0x14f: {  	[sflag:s23] =	ssyncset.done $0x0  }
0x150: {  	[sflag:s23] =	ssyncadd.s32 $0xFFFFEC00  }
0x151: {  	_ =	swait.ge [sflag:s20], $0x500  }
0x152: {  	[sflag:s20] =	ssyncset.done $0x0  }
0x153: {  	s7 =	simm.s32 $0x163A0;
	[sflag:s20] =	ssyncadd.s32 $0xFFFFFB00  }
0x154: {  	[spmem:s3] =	stream.indirect.scatter.add.f32 [tilespmem:s18], [sflag:$0x1], $0x10, s7, s31, $0xb8;
	[tilespmem:$0x1FF40] =	vst v63  }
0x155: {  	_ = 	snop  }
0x156: {  	[spmem:s2] =	stream.indirect.scatter.add.f32 [tilespmem:s14], [sflag:$0x7], $0x40, s7, s31, $0xb8;
	[tilespmem:$0x1FF40] =	vst v63  }
0x157: {  	_ =	swait.ge [sflag:s26], $0x1400  }
0x158: {  	[sflag:s26] =	ssyncset.done $0x0  }
0x159: {  	[sflag:s26] =	ssyncadd.s32 $0xFFFFEC00  }
0x15a: {  	_ =	swait.ge [sflag:s29], $0x1400  }
0x15b: {  	[sflag:s29] =	ssyncset.done $0x0  }
0x15c: {  	[sflag:s29] =	ssyncadd.s32 $0xFFFFEC00  }
0x15d: {  	_ =	swait.ge [sflag:s20], $0x500  }
0x15e: {  	[sflag:s20] =	ssyncset.done $0x0  }
0x15f: {  	s24 =	simm.s32 $0x163F0;
	[sflag:s20] =	ssyncadd.s32 $0xFFFFFB00  }
0x160: {  	[spmem:s3] =	stream.indirect.scatter.add.f32 [tilespmem:s18], [sflag:$0x1], $0x10, s24, s31, $0xb8;
	[tilespmem:$0x1FF40] =	vst v63  }
0x161: {  	_ = 	snop  }
0x162: {  	[spmem:s2] =	stream.indirect.scatter.add.f32 [tilespmem:s15], [sflag:$0x7], $0x40, s24, s31, $0xb8;
	[tilespmem:$0x1FF40] =	vst v63  }
0x163: {  	_ =	swait.ge [sflag:s26], $0x1400  }
0x164: {  	[sflag:s26] =	ssyncset.done $0x0  }
0x165: {  	[sflag:s26] =	ssyncadd.s32 $0xFFFFEC00  }
0x166: {  	_ =	swait.ge [sflag:s20], $0x500  }
0x167: {  	[sflag:s20] =	ssyncset.done $0x0  }
0x168: {  	[sflag:s20] =	ssyncadd.s32 $0xFFFFFB00  }
0x169: {  	[bflag:$0x0] =	sbarrier.arrive $0xFFFF  }
0x16a: {  	s30 =	rddreg [dreg:$0x4]  }
0x16b: {  	[tilespmem:s25], [sflag:$0x7] =	stream.linear.gather [spmem:s30], $0x2800, $0x38;
	[tilespmem:$0x1FF40] =	vst v63  }
0x16c: {  	_ =	swait.ge [sflag:s26], $0x2800  }
0x16d: {  	[sflag:s26] =	ssyncset.done $0x0  }
0x16e: {  	s7 =	rddreg [dreg:$0x5];
	[sflag:s26] =	ssyncadd.s32 $0xFFFFD800  }
0x16f: {  	[hbm4b:s7+s4] =	stream.linear.scatter [tilespmem:s25], [sflag:$0x7], $0x2800, $0x38;
	[tilespmem:$0x1FF40] =	vst v63  }
0x170: {  	_ =	swait.ge [sflag:s26], $0x2800  }
0x171: {  	[sflag:s26] =	ssyncset.done $0x0  }
0x172: {  	[sflag:s26] =	ssyncadd.s32 $0xFFFFD800  }
0x173: {  	[tilespmem:s25], [sflag:$0x7] =	stream.linear.gather [spmem:s8], $0x2800, $0x38;
	[tilespmem:$0x1FF40] =	vst v63  }
0x174: {  	_ =	swait.ge [sflag:s26], $0x2800  }
0x175: {  	[sflag:s26] =	ssyncset.done $0x0  }
0x176: {  	s24 =	rddreg [dreg:$0x6];
	[sflag:s26] =	ssyncadd.s32 $0xFFFFD800  }
0x177: {  	[hbm4b:s24+s4] =	stream.linear.scatter [tilespmem:s25], [sflag:$0x7], $0x2800, $0x38;
	[tilespmem:$0x1FF40] =	vst v63  }
0x178: {  	_ =	swait.ge [sflag:s26], $0x2800  }
0x179: {  	[sflag:s26] =	ssyncset.done $0x0  }
0x17a: {  	[sflag:s26] =	ssyncadd.s32 $0xFFFFD800  }
0x17b: {  	[tilespmem:s25], [sflag:$0x7] =	stream.linear.gather [spmem:s9], $0x2800, $0x38;
	[tilespmem:$0x1FF40] =	vst v63  }
0x17c: {  	_ =	swait.ge [sflag:s26], $0x2800  }
0x17d: {  	[sflag:s26] =	ssyncset.done $0x0  }
0x17e: {  	s30 =	rddreg [dreg:$0x7];
	[sflag:s26] =	ssyncadd.s32 $0xFFFFD800  }
0x17f: {  	[hbm4b:s30+s4] =	stream.linear.scatter [tilespmem:s25], [sflag:$0x7], $0x2800, $0x38;
	[tilespmem:$0x1FF40] =	vst v63  }
0x180: {  	_ =	swait.ge [sflag:s26], $0x2800  }
0x181: {  	[sflag:s26] =	ssyncset.done $0x0  }
0x182: {  	[sflag:s26] =	ssyncadd.s32 $0xFFFFD800  }
0x183: {  	[tilespmem:s25], [sflag:$0x7] =	stream.linear.gather [spmem:s10], $0x2800, $0x38;
	[tilespmem:$0x1FF40] =	vst v63  }
0x184: {  	_ =	swait.ge [sflag:s26], $0x2800  }
0x185: {  	[sflag:s26] =	ssyncset.done $0x0  }
0x186: {  	s7 =	rddreg [dreg:$0x8];
	[sflag:s26] =	ssyncadd.s32 $0xFFFFD800  }
0x187: {  	[hbm4b:s7+s4] =	stream.linear.scatter [tilespmem:s25], [sflag:$0x7], $0x2800, $0x38;
	[tilespmem:$0x1FF40] =	vst v63  }
0x188: {  	_ =	swait.ge [sflag:s26], $0x2800  }
0x189: {  	[sflag:s26] =	ssyncset.done $0x0  }
0x18a: {  	[sflag:s26] =	ssyncadd.s32 $0xFFFFD800  }
0x18b: {  	[tilespmem:s28], [sflag:$0x7] =	stream.linear.gather [spmem:s11], $0xA00, $0x38;
	[tilespmem:$0x1FF40] =	vst v63  }
0x18c: {  	_ =	swait.ge [sflag:s26], $0xA00  }
0x18d: {  	[sflag:s26] =	ssyncset.done $0x0  }
0x18e: {  	s7 =	smov.u32 s11;
	s11 =	rddreg [dreg:$0xb];
	[sflag:s26] =	ssyncadd.s32 $0xFFFFF600  }
0x18f: {  	[hbm4b:s11+s4] =	stream.linear.scatter [tilespmem:s28], [sflag:$0x7], $0xA00, $0x38;
	[tilespmem:$0x1FF40] =	vst v63  }
0x190: {  	_ =	swait.ge [sflag:s26], $0xA00  }
0x191: {  	[sflag:s26] =	ssyncset.done $0x0  }
0x192: {  	s24 =	rddreg [dreg:$0x10];
	[sflag:s26] =	ssyncadd.s32 $0xFFFFF600  }
0x193: {  	[tilespmem:s28], [sflag:$0x7] =	stream.linear.gather [spmem:s24], $0xA00, $0x38;
	[tilespmem:$0x1FF40] =	vst v63  }
0x194: {  	_ =	swait.ge [sflag:s26], $0xA00  }
0x195: {  	[sflag:s26] =	ssyncset.done $0x0  }
0x196: {  	s30 =	rddreg [dreg:$0xc];
	[sflag:s26] =	ssyncadd.s32 $0xFFFFF600  }
0x197: {  	[hbm4b:s30+s4] =	stream.linear.scatter [tilespmem:s28], [sflag:$0x7], $0xA00, $0x38;
	[tilespmem:$0x1FF40] =	vst v63  }
0x198: {  	_ =	swait.ge [sflag:s26], $0xA00  }
0x199: {  	[sflag:s26] =	ssyncset.done $0x0  }
0x19a: {  	[sflag:s26] =	ssyncadd.s32 $0xFFFFF600  }
0x19b: {  	[tilespmem:s28], [sflag:$0x7] =	stream.linear.gather [spmem:s12], $0xA00, $0x38;
	[tilespmem:$0x1FF40] =	vst v63  }
0x19c: {  	_ =	swait.ge [sflag:s26], $0xA00  }
0x19d: {  	[sflag:s26] =	ssyncset.done $0x0  }
0x19e: {  	s11 =	rddreg [dreg:$0xd];
	[sflag:s26] =	ssyncadd.s32 $0xFFFFF600  }
0x19f: {  	[hbm4b:s11+s4] =	stream.linear.scatter [tilespmem:s28], [sflag:$0x7], $0xA00, $0x38;
	[tilespmem:$0x1FF40] =	vst v63  }
0x1a0: {  	_ =	swait.ge [sflag:s26], $0xA00  }
0x1a1: {  	[sflag:s26] =	ssyncset.done $0x0  }
0x1a2: {  	[sflag:s26] =	ssyncadd.s32 $0xFFFFF600  }
0x1a3: {  	[tilespmem:s28], [sflag:$0x7] =	stream.linear.gather [spmem:s17], $0xA00, $0x38;
	[tilespmem:$0x1FF40] =	vst v63  }
0x1a4: {  	_ =	swait.ge [sflag:s26], $0xA00  }
0x1a5: {  	[sflag:s26] =	ssyncset.done $0x0  }
0x1a6: {  	s24 =	rddreg [dreg:$0xe];
	[sflag:s26] =	ssyncadd.s32 $0xFFFFF600  }
0x1a7: {  	[hbm4b:s24+s4] =	stream.linear.scatter [tilespmem:s28], [sflag:$0x7], $0xA00, $0x38;
	[tilespmem:$0x1FF40] =	vst v63  }
0x1a8: {  	_ =	swait.ge [sflag:s26], $0xA00  }
0x1a9: {  	s22 =	sadd.s32 $0x1, s22;
	s30 =	rddreg [dreg:$0xf]  }
0x1aa: {  	p0 =	sne.s32 s22, s30  }
.Ltmp4:
0x1ab: {  	_ = 	snop;
	(pc) =	sbr.rel @p0 .LBB2_1-.Ltmp4, $3  }
0x1ac: {  	_ =	sdelay $0x1  }
0x1ad: {  	[sflag:s26] =	ssyncset.done $0x0  }
0x1ae: {  	[sflag:s26] =	ssyncadd.s32 $0xFFFFF600  }
0x1af: {  	_ =	sfence.sel $0x180000  }
0x1b0: {  	[bflag:$0x0] =	sbarrier.arrive $0xFFFF  }
0x1b1: {  	_ =	strace $0x90000047  }
0x1b2: {  	s0 =	stileid.u32;
	[bflag:$0x2] =	sbarrier.arrive $0xFFFF  }
0x1b3: {  	p0 =	sne.s32 s0, $0x0;
	s0 =	rddreg [dreg:$0x3]  }
0x1b4: {  	s0 =	sadd.s32 @!p0 $0x100000, s0  }
0x1b5: {  	[sflag:s0] =	ssyncadd.tile.s32 @!p0 $0x1;
	_ =	shalt  }
.Lfunc_end2:
_tile_overlayer_lowered:
.L_overlay_start_2:
0x1b6: {  	(tag) =	ssettag $0x2  }
0x1b7: {  	s0 =	rddreg [dreg:$0x0];
	s2 =	stileid.u32  }
0x1b8: {  	s1 =	rddreg [dreg:$0x1];
	p0 =	sne.s32 s2, $0x0  }
0x1b9: {  	s3 =	rddreg [dreg:$0x2];
	[bflag:$0x3] =	sbarrier.arrive $0xFFFF;
	s2 =	simm.s32 @!p0 $0x1C07  }
0x1ba: {  	[timem:s3], [sflag:s2] =	dma.local @!p0 [hbm:s0], s1  }
0x1bb: {  	s0 =	simm.s32 @!p0 $0x7  }
0x1bc: {  	_ =	swait.ge @!p0 [sflag:s0], s1  }
0x1bd: {  	s1 =	ssub.s32 @!p0 $0x0, s1;
	[sflag:s0] =	ssyncset.done @!p0 $0x0  }
0x1be: {  	[sflag:s0] =	ssyncadd.s32 @!p0 s1  }
0x1bf: {  	[bflag:$0x3] =	sbarrier.arrive $0xFFFF  }
0x1c0: {  	_ =	shalt  }

</sc_bundles>
